<compile_context>
chip_gen: v7x
topology: tpu7x:2x2x1
jax: 0.10.2.dev20260603
libtpu: 0.0.44.dev20260713+nightly
codegen_flags: <defaults>
</compile_context>

<pallas_src>
import functools

import jax
import jax.numpy as jnp
from jax import lax
from jax.experimental import pallas as pl
from jax.experimental.pallas import tpu as pltpu
from jax.experimental.pallas import tpu_sc as plsc

N = 50000
F = 32
NPAD = 50048
TROWS = NPAD // 16
E = 800000
CHUNK = 128
NCHUNKS = 6400
EPAD = NCHUNKS * CHUNK
NWORKERS = 32
CPW = NCHUNKS // NWORKERS
KSTAGE = 40
RBUF = 5
DUMMY_DST = NPAD - 2

_SC_MESH = plsc.VectorSubcoreMesh(core_axis_name="c", subcore_axis_name="s")
_SC_PARAMS = pltpu.CompilerParams(use_tc_tiling_on_sc=False)


@functools.partial(
    pl.kernel,
    out_type=jax.ShapeDtypeStruct((2, NPAD, F), jnp.float32),
    mesh=_SC_MESH,
    scratch_types=[
        pltpu.VMEM_SHARED((NPAD, F), jnp.float32),
        pltpu.VMEM((KSTAGE, CHUNK), jnp.int32),
        pltpu.VMEM((KSTAGE, CHUNK), jnp.int32),
        pltpu.VMEM((CHUNK, F), jnp.float32),
        pltpu.VMEM((CHUNK, F), jnp.float32),
        pltpu.VMEM((CHUNK, F), jnp.float32),
        pltpu.VMEM((CHUNK, F), jnp.float32),
        pltpu.VMEM((CHUNK, F), jnp.float32),
        pltpu.SemaphoreType.DMA,
        pltpu.SemaphoreType.DMA,
        pltpu.SemaphoreType.DMA,
        pltpu.SemaphoreType.DMA,
        pltpu.SemaphoreType.DMA,
        pltpu.SemaphoreType.DMA,
        pltpu.SemaphoreType.DMA,
        pltpu.SemaphoreType.DMA,
        pltpu.SemaphoreType.DMA,
        pltpu.SemaphoreType.DMA,
    ],
    compiler_params=_SC_PARAMS,
)
def _sc_spmm(h_hbm, src_hbm, dst_hbm, zro_hbm, out_hbm,
             acc, sidx, didx, r0, r1, r2, r3, r4,
             g0, g1, g2, g3, g4, s0, s1, s2, s3, s4):
    rows = (r0, r1, r2, r3, r4)
    gs = (g0, g1, g2, g3, g4)
    ss = (s0, s1, s2, s3, s4)
    c = lax.axis_index("c")
    s = lax.axis_index("s")
    w = c * 16 + s
    pltpu.sync_copy(zro_hbm, acc.at[pl.ds(s * TROWS, TROWS)])
    plsc.subcore_barrier()

    nsub = KSTAGE // RBUF

    def stage(j, carry):
        base = w * CPW + j * KSTAGE
        pltpu.sync_copy(src_hbm.at[pl.ds(base, KSTAGE)], sidx)
        pltpu.sync_copy(dst_hbm.at[pl.ds(base, KSTAGE)], didx)
        for b in range(RBUF):
            pltpu.async_copy(h_hbm.at[sidx.at[b]], rows[b], gs[b])

        def sub(f, c2):
            for i in range(RBUF):
                b = i
                k = f * RBUF + i
                pltpu.make_async_copy(h_hbm.at[sidx.at[k]], rows[b], gs[b]).wait()
                pltpu.async_copy(rows[b], acc.at[didx.at[k]], ss[b], add=True)

                @pl.when(f < nsub - 1)
                def _():
                    pltpu.make_async_copy(rows[b], acc.at[didx.at[k]], ss[b]).wait()
                    pltpu.async_copy(h_hbm.at[sidx.at[k + RBUF]], rows[b], gs[b])
            return c2

        lax.fori_loop(0, nsub, sub, 0)
        for b in range(RBUF):
            pltpu.make_async_copy(rows[b], acc.at[didx.at[b]], ss[b]).wait()
        return carry

    lax.fori_loop(0, CPW // KSTAGE, stage, 0)
    plsc.subcore_barrier()
    pltpu.sync_copy(acc.at[pl.ds(s * TROWS, TROWS)],
                    out_hbm.at[c].at[pl.ds(s * TROWS, TROWS)])


@functools.partial(
    pl.kernel,
    out_type=jax.ShapeDtypeStruct((2, NPAD, 8), jnp.float32),
    mesh=_SC_MESH,
    scratch_types=[
        pltpu.VMEM_SHARED((NPAD, 8), jnp.float32),
        pltpu.VMEM((KSTAGE, CHUNK), jnp.int32),
        pltpu.VMEM((CHUNK, 8), jnp.float32),
        pltpu.VMEM((CHUNK, 8), jnp.float32),
        pltpu.VMEM((CHUNK, 8), jnp.float32),
        pltpu.VMEM((CHUNK, 8), jnp.float32),
        pltpu.VMEM((CHUNK, 8), jnp.float32),
        pltpu.SemaphoreType.DMA,
        pltpu.SemaphoreType.DMA,
        pltpu.SemaphoreType.DMA,
        pltpu.SemaphoreType.DMA,
        pltpu.SemaphoreType.DMA,
        pltpu.SemaphoreType.DMA,
        pltpu.SemaphoreType.DMA,
        pltpu.SemaphoreType.DMA,
        pltpu.SemaphoreType.DMA,
        pltpu.SemaphoreType.DMA,
    ],
    compiler_params=_SC_PARAMS,
)
def _sc_ea_scatter(ea_hbm, dst_hbm, zro_hbm, out_hbm, acc, didx,
                   e0, e1, e2, e3, e4,
                   g0, g1, g2, g3, g4, s0, s1, s2, s3, s4):
    rows = (e0, e1, e2, e3, e4)
    gs = (g0, g1, g2, g3, g4)
    ss = (s0, s1, s2, s3, s4)
    c = lax.axis_index("c")
    s = lax.axis_index("s")
    w = c * 16 + s
    pltpu.sync_copy(zro_hbm, acc.at[pl.ds(s * TROWS, TROWS)])
    plsc.subcore_barrier()

    nsub = KSTAGE // RBUF

    def stage(j, carry):
        base = w * CPW + j * KSTAGE
        pltpu.sync_copy(dst_hbm.at[pl.ds(base, KSTAGE)], didx)
        for b in range(RBUF):
            pltpu.async_copy(ea_hbm.at[base + b], rows[b], gs[b])

        def sub(f, c2):
            for i in range(RBUF):
                b = i
                k = f * RBUF + i
                pltpu.make_async_copy(ea_hbm.at[base + k], rows[b], gs[b]).wait()
                pltpu.async_copy(rows[b], acc.at[didx.at[k]], ss[b], add=True)

                @pl.when(f < nsub - 1)
                def _():
                    pltpu.make_async_copy(rows[b], acc.at[didx.at[k]], ss[b]).wait()
                    pltpu.async_copy(ea_hbm.at[base + k + RBUF], rows[b], gs[b])
            return c2

        lax.fori_loop(0, nsub, sub, 0)
        for b in range(RBUF):
            pltpu.make_async_copy(rows[b], acc.at[didx.at[b]], ss[b]).wait()
        return carry

    lax.fori_loop(0, CPW // KSTAGE, stage, 0)
    plsc.subcore_barrier()
    pltpu.sync_copy(acc.at[pl.ds(s * TROWS, TROWS)],
                    out_hbm.at[c].at[pl.ds(s * TROWS, TROWS)])


_BLK = 3128


def _encoder_body(x_ref, w1_ref, b1_ref, w2_ref, b2_ref, o_ref):
    t = jnp.maximum(x_ref[...] @ w1_ref[...] + b1_ref[...], 0.0)
    o_ref[...] = jnp.maximum(t @ w2_ref[...] + b2_ref[...], 0.0)


def _tc_encoder(xp, We1, be1, We2, be2):
    return pl.pallas_call(
        _encoder_body,
        grid=(NPAD // _BLK,),
        in_specs=[
            pl.BlockSpec((_BLK, 28), lambda i: (i, 0)),
            pl.BlockSpec((28, 64), lambda i: (0, 0)),
            pl.BlockSpec((1, 64), lambda i: (0, 0)),
            pl.BlockSpec((64, 32), lambda i: (0, 0)),
            pl.BlockSpec((1, 32), lambda i: (0, 0)),
        ],
        out_specs=pl.BlockSpec((_BLK, F), lambda i: (i, 0)),
        out_shape=jax.ShapeDtypeStruct((NPAD, F), jnp.float32),
    )(xp, We1, be1.reshape(1, 64), We2, be2.reshape(1, 32))


def _update_body(gp_ref, sp_ref, h_ref, wh_ref, we_ref, wmw_ref, ws_ref, o_ref):
    g = gp_ref[0] + gp_ref[1]
    s8 = sp_ref[0] + sp_ref[1]
    aggr = g @ wh_ref[...] + s8 @ we_ref[...]
    z = aggr @ wmw_ref[...] + h_ref[...] @ ws_ref[...]
    o_ref[...] = jax.nn.sigmoid(z)


def _tc_update(gp, sp, h, Wm, bm, Wmw, Ws):
    wh = Wm[:F]
    wea = jnp.concatenate(
        [Wm[F:], bm[None, :], jnp.zeros((2, F), jnp.float32)], axis=0)
    return pl.pallas_call(
        _update_body,
        grid=(NPAD // _BLK,),
        in_specs=[
            pl.BlockSpec((2, _BLK, F), lambda i: (0, i, 0)),
            pl.BlockSpec((2, _BLK, 8), lambda i: (0, i, 0)),
            pl.BlockSpec((_BLK, F), lambda i: (i, 0)),
            pl.BlockSpec((F, F), lambda i: (0, 0)),
            pl.BlockSpec((8, F), lambda i: (0, 0)),
            pl.BlockSpec((F, F), lambda i: (0, 0)),
            pl.BlockSpec((F, F), lambda i: (0, 0)),
        ],
        out_specs=pl.BlockSpec((_BLK, F), lambda i: (i, 0)),
        out_shape=jax.ShapeDtypeStruct((NPAD, F), jnp.float32),
    )(gp, sp, h, wh, wea, Wmw, Ws)


def kernel(x, edge_index, edge_attr, We1, be1, We2, be2,
           Wm1, bm1, Wmw1, Ws1, Wm2, bm2, Wmw2, Ws2):
    src = edge_index[0].astype(jnp.int32)
    dst = edge_index[1].astype(jnp.int32)
    npadr = EPAD - E
    pad_src = (jnp.arange(npadr, dtype=jnp.int32) * 257) % N
    pad_dst = N + (jnp.arange(npadr, dtype=jnp.int32) % (NPAD - N))
    src2d = jnp.concatenate([src, pad_src]).reshape(NCHUNKS, CHUNK)
    dst2d = jnp.concatenate([dst, pad_dst]).reshape(NCHUNKS, CHUNK)
    ea8 = jnp.concatenate(
        [edge_attr,
         jnp.ones((E, 1), jnp.float32),
         jnp.zeros((E, 2), jnp.float32)], axis=1)
    ea8 = jnp.concatenate(
        [ea8, jnp.zeros((npadr, 8), jnp.float32)]).reshape(NCHUNKS, CHUNK, 8)
    xp = jnp.pad(x, ((0, NPAD - N), (0, 0)))
    z32 = jnp.zeros((TROWS, F), jnp.float32)
    z8 = jnp.zeros((TROWS, 8), jnp.float32)

    sp = _sc_ea_scatter(ea8, dst2d, z8)
    h = _tc_encoder(xp, We1, be1, We2, be2)
    for (Wm, bm, Wmw, Ws) in ((Wm1, bm1, Wmw1, Ws1), (Wm2, bm2, Wmw2, Ws2)):
        gp = _sc_spmm(h, src2d, dst2d, z32)
        h = _tc_update(gp, sp, h, Wm, bm, Wmw, Ws)
    return h[:N]

# --- scband reference (transcript-rebuilt; emitter-appended) ---
"""Pipeline reference for scband-mpnn-29557964931688 (READ-ONLY COPY).

The authoritative reference and input builder live on the scoring server;
editing this copy changes nothing except your own understanding.
"""

import jax, jax.numpy as jnp
import numpy as np


def setup_inputs(seed: int = 0) -> dict:
    key = jax.random.key(seed)
    ks = jax.random.split(key, 16)
    N, E = 50000, 800000
    x = jax.random.normal(ks[0], (N, 28), dtype=jnp.float32)
    edge_index = jax.random.randint(ks[1], (2, E), 0, N)
    edge_attr = jax.random.normal(ks[2], (E, 5), dtype=jnp.float32)
    # AtomEncoder params: Linear(28,64) -> ReLU -> Linear(64,32) -> ReLU
    We1 = jax.random.normal(ks[3], (28, 64), dtype=jnp.float32) * (1.0 / np.sqrt(28))
    be1 = jnp.zeros((64,), dtype=jnp.float32)
    We2 = jax.random.normal(ks[4], (64, 32), dtype=jnp.float32) * (1.0 / np.sqrt(64))
    be2 = jnp.zeros((32,), dtype=jnp.float32)
    # Conv layer 1: msg_transform Linear(32+5,32), msg_weight Linear(32,32,no bias), self_weight Linear(32,32,no bias)
    Wm1 = jax.random.normal(ks[5], (37, 32), dtype=jnp.float32) * (1.0 / np.sqrt(37))
    bm1 = jnp.zeros((32,), dtype=jnp.float32)
    Wmw1 = jax.random.normal(ks[6], (32, 32), dtype=jnp.float32) * (1.0 / np.sqrt(32))
    Ws1 = jax.random.normal(ks[7], (32, 32), dtype=jnp.float32) * (1.0 / np.sqrt(32))
    # Conv layer 2
    Wm2 = jax.random.normal(ks[8], (37, 32), dtype=jnp.float32) * (1.0 / np.sqrt(37))
    bm2 = jnp.zeros((32,), dtype=jnp.float32)
    Wmw2 = jax.random.normal(ks[9], (32, 32), dtype=jnp.float32) * (1.0 / np.sqrt(32))
    Ws2 = jax.random.normal(ks[10], (32, 32), dtype=jnp.float32) * (1.0 / np.sqrt(32))
    return {"x": x, "edge_index": edge_index, "edge_attr": edge_attr,
            "We1": We1, "be1": be1, "We2": We2, "be2": be2,
            "Wm1": Wm1, "bm1": bm1, "Wmw1": Wmw1, "Ws1": Ws1,
            "Wm2": Wm2, "bm2": bm2, "Wmw2": Wmw2, "Ws2": Ws2}


def reference(x, edge_index, edge_attr, We1, be1, We2, be2,
              Wm1, bm1, Wmw1, Ws1, Wm2, bm2, Wmw2, Ws2):
    N = x.shape[0]
    src = edge_index[0]
    dst = edge_index[1]
    # AtomEncoder
    h = jax.nn.relu(x @ We1 + be1)
    h = jax.nn.relu(h @ We2 + be2)
    # Two RetroMPNNConv layers
    for (Wm, bm, Wmw, Ws) in ((Wm1, bm1, Wmw1, Ws1), (Wm2, bm2, Wmw2, Ws2)):
        # message: m = W2 * [h_j || e_ij] + b, where x_j = h[src]
        m = jnp.concatenate([h[src], edge_attr], axis=-1) @ Wm + bm
        # aggregate: sum over incoming edges at dst
        aggr = jax.ops.segment_sum(m, dst, num_segments=N)
        # update: h' = sigmoid(W1*agg + W3*h)
        h = jax.nn.sigmoid(aggr @ Wmw + h @ Ws)
    return h

if __name__ == "__main__":
    import jax
    _d = setup_inputs()
    print(jax.jit(kernel)(*tuple(_d.values())))

</pallas_src>

<mosaic_0001>
#map = affine_map<(d0, d1) -> (0, 0)>
#map1 = affine_map<(d0, d1) -> (0, 0, 0)>
module attributes {stable_mosaic.version = 14 : i64} {
  func.func @_sc_spmm(%arg0: i32, %arg1: i32, %arg2: memref<50048x32xf32, #tpu.memory_space<hbm>>, %arg3: memref<6400x128xi32, #tpu.memory_space<hbm>>, %arg4: memref<6400x128xi32, #tpu.memory_space<hbm>>, %arg5: memref<3128x32xf32, #tpu.memory_space<hbm>>, %arg6: memref<2x50048x32xf32, #tpu.memory_space<hbm>>, %arg7: memref<50048x32xf32, #tpu.memory_space<vmem_shared>>, %arg8: memref<40x128xi32, #tpu.memory_space<vmem>>, %arg9: memref<40x128xi32, #tpu.memory_space<vmem>>, %arg10: memref<128x32xf32, #tpu.memory_space<vmem>>, %arg11: memref<128x32xf32, #tpu.memory_space<vmem>>, %arg12: memref<128x32xf32, #tpu.memory_space<vmem>>, %arg13: memref<128x32xf32, #tpu.memory_space<vmem>>, %arg14: memref<128x32xf32, #tpu.memory_space<vmem>>, %arg15: memref<!tpu.dma_semaphore, #tpu.memory_space<semaphore_mem>>, %arg16: memref<!tpu.dma_semaphore, #tpu.memory_space<semaphore_mem>>, %arg17: memref<!tpu.dma_semaphore, #tpu.memory_space<semaphore_mem>>, %arg18: memref<!tpu.dma_semaphore, #tpu.memory_space<semaphore_mem>>, %arg19: memref<!tpu.dma_semaphore, #tpu.memory_space<semaphore_mem>>, %arg20: memref<!tpu.dma_semaphore, #tpu.memory_space<semaphore_mem>>, %arg21: memref<!tpu.dma_semaphore, #tpu.memory_space<semaphore_mem>>, %arg22: memref<!tpu.dma_semaphore, #tpu.memory_space<semaphore_mem>>, %arg23: memref<!tpu.dma_semaphore, #tpu.memory_space<semaphore_mem>>, %arg24: memref<!tpu.dma_semaphore, #tpu.memory_space<semaphore_mem>>) attributes {dimension_semantics = [#tpu.dimension_semantics<core_parallel>, #tpu.dimension_semantics<subcore_parallel>], iteration_bounds = array<i64: 2, 16>, scalar_prefetch = 0 : i64, scratch_operands = 18 : i64, tpu.core_type = #tpu.core_type<sc_vector_subcore>, window_params = [{transform_indices = #map}, {transform_indices = #map}, {transform_indices = #map}, {transform_indices = #map}, {transform_indices = #map1}]} {
    %mul3A = arith.constant 16 : i32
    %mul3A_0 = arith.muli %arg0, %mul3A : i32
    %add3A = arith.addi %mul3A_0, %arg1 : i32
    %mul3A_1 = arith.constant 3128 : i32
    %mul3A_2 = arith.muli %arg1, %mul3A_1 : i32
    "tpu.region"() ({
      %run_scoped3A = tpu.sem_alloc : memref<!tpu.dma_semaphore, #tpu.memory_space<semaphore_mem>>
      %dma_start3A = arith.constant 0 : i32
      %dma_start3A_13 = tpu.memref_slice %arg7[%mul3A_2, %dma_start3A] : memref<50048x32xf32, #tpu.memory_space<vmem_shared>> -> memref<3128x32xf32, #tpu.memory_space<vmem_shared>>
      tpu.enqueue_dma source(%arg5 : memref<3128x32xf32, #tpu.memory_space<hbm>>) target(%dma_start3A_13 : memref<3128x32xf32, #tpu.memory_space<vmem_shared>>) target_semaphore(%run_scoped3A : memref<!tpu.dma_semaphore, #tpu.memory_space<semaphore_mem>>)
      %dma_wait3A = arith.constant 0 : i32
      %dma_wait3A_14 = tpu.memref_slice %arg7[%mul3A_2, %dma_wait3A] : memref<50048x32xf32, #tpu.memory_space<vmem_shared>> -> memref<3128x32xf32, #tpu.memory_space<vmem_shared>>
      tpu.wait_dma2 semaphore(%run_scoped3A : memref<!tpu.dma_semaphore, #tpu.memory_space<semaphore_mem>>) src(%arg5 : memref<3128x32xf32, #tpu.memory_space<hbm>>) dst(%dma_wait3A_14 : memref<3128x32xf32, #tpu.memory_space<vmem_shared>>)
      tpu.yield
    }) : () -> ()
    %barrier3A = arith.constant 0 : index
    tpu.barrier barrier_id(%barrier3A)
    %scan3A = arith.constant 0 : i32
    %scan3A_3 = arith.constant 0 : i32
    %scan3A_4 = arith.constant 5 : i32
    %scan3A_5 = arith.addi %scan3A_3, %scan3A_4 : i32
    %scan3A_6 = arith.constant 1 : i32
    scf.for %scan3A_13 = %scan3A_3 to %scan3A_5 step %scan3A_6  : i32 {
      %mul3A_14 = arith.constant 200 : i32
      %mul3A_15 = arith.muli %add3A, %mul3A_14 : i32
      %mul3A_16 = arith.constant 40 : i32
      %mul3A_17 = arith.muli %scan3A_13, %mul3A_16 : i32
      %add3A_18 = arith.addi %mul3A_15, %mul3A_17 : i32
      "tpu.region"() ({
        %run_scoped3A = tpu.sem_alloc : memref<!tpu.dma_semaphore, #tpu.memory_space<semaphore_mem>>
        %dma_start3A_93 = arith.constant 0 : i32
        %dma_start3A_94 = tpu.memref_slice %arg3[%add3A_18, %dma_start3A_93] : memref<6400x128xi32, #tpu.memory_space<hbm>> -> memref<40x128xi32, #tpu.memory_space<hbm>>
        %dma_start3A_95 = arith.constant 0 : i32
        %dma_start3A_96 = tpu.memref_slice %arg3[%add3A_18, %dma_start3A_95] : memref<6400x128xi32, #tpu.memory_space<hbm>> -> memref<40x128xi32, #tpu.memory_space<hbm>>
        tpu.enqueue_dma source(%dma_start3A_96 : memref<40x128xi32, #tpu.memory_space<hbm>>) target(%arg8 : memref<40x128xi32, #tpu.memory_space<vmem>>) target_semaphore(%run_scoped3A : memref<!tpu.dma_semaphore, #tpu.memory_space<semaphore_mem>>)
        %dma_wait3A_97 = arith.constant 0 : i32
        %dma_wait3A_98 = tpu.memref_slice %arg3[%add3A_18, %dma_wait3A_97] : memref<6400x128xi32, #tpu.memory_space<hbm>> -> memref<40x128xi32, #tpu.memory_space<hbm>>
        %dma_wait3A_99 = arith.constant 0 : i32
        %dma_wait3A_100 = tpu.memref_slice %arg3[%add3A_18, %dma_wait3A_99] : memref<6400x128xi32, #tpu.memory_space<hbm>> -> memref<40x128xi32, #tpu.memory_space<hbm>>
        tpu.wait_dma2 semaphore(%run_scoped3A : memref<!tpu.dma_semaphore, #tpu.memory_space<semaphore_mem>>) src(%dma_wait3A_100 : memref<40x128xi32, #tpu.memory_space<hbm>>) dst(%arg8 : memref<40x128xi32, #tpu.memory_space<vmem>>)
        tpu.yield
      }) : () -> ()
      "tpu.region"() ({
        %run_scoped3A = tpu.sem_alloc : memref<!tpu.dma_semaphore, #tpu.memory_space<semaphore_mem>>
        %dma_start3A_93 = arith.constant 0 : i32
        %dma_start3A_94 = tpu.memref_slice %arg4[%add3A_18, %dma_start3A_93] : memref<6400x128xi32, #tpu.memory_space<hbm>> -> memref<40x128xi32, #tpu.memory_space<hbm>>
        %dma_start3A_95 = arith.constant 0 : i32
        %dma_start3A_96 = tpu.memref_slice %arg4[%add3A_18, %dma_start3A_95] : memref<6400x128xi32, #tpu.memory_space<hbm>> -> memref<40x128xi32, #tpu.memory_space<hbm>>
        tpu.enqueue_dma source(%dma_start3A_96 : memref<40x128xi32, #tpu.memory_space<hbm>>) target(%arg9 : memref<40x128xi32, #tpu.memory_space<vmem>>) target_semaphore(%run_scoped3A : memref<!tpu.dma_semaphore, #tpu.memory_space<semaphore_mem>>)
        %dma_wait3A_97 = arith.constant 0 : i32
        %dma_wait3A_98 = tpu.memref_slice %arg4[%add3A_18, %dma_wait3A_97] : memref<6400x128xi32, #tpu.memory_space<hbm>> -> memref<40x128xi32, #tpu.memory_space<hbm>>
        %dma_wait3A_99 = arith.constant 0 : i32
        %dma_wait3A_100 = tpu.memref_slice %arg4[%add3A_18, %dma_wait3A_99] : memref<6400x128xi32, #tpu.memory_space<hbm>> -> memref<40x128xi32, #tpu.memory_space<hbm>>
        tpu.wait_dma2 semaphore(%run_scoped3A : memref<!tpu.dma_semaphore, #tpu.memory_space<semaphore_mem>>) src(%dma_wait3A_100 : memref<40x128xi32, #tpu.memory_space<hbm>>) dst(%arg9 : memref<40x128xi32, #tpu.memory_space<vmem>>)
        tpu.yield
      }) : () -> ()
      %dma_start3A = arith.constant 0 : i32
      %dma_start3A_19 = arith.constant 0 : i32
      %dma_start3A_20 = tpu.memref_slice %arg8[%dma_start3A, %dma_start3A_19] : memref<40x128xi32, #tpu.memory_space<vmem>> -> memref<1x128xi32, #tpu.memory_space<vmem>>
      %dma_start3A_21 = tpu.memref_squeeze %dma_start3A_20 : memref<1x128xi32, #tpu.memory_space<vmem>> -> memref<128xi32, #tpu.memory_space<vmem>>
      %dma_start3A_22 = arith.constant 0 : i32
      %dma_start3A_23 = arith.constant 0 : i32
      %dma_start3A_24 = tpu.memref_slice %arg2[%dma_start3A_22, %dma_start3A_23] : memref<50048x32xf32, #tpu.memory_space<hbm>> -> memref<50048x32xf32, #tpu.memory_space<hbm>>
      tpu.enqueue_indirect_dma source(%dma_start3A_24 : memref<50048x32xf32, #tpu.memory_space<hbm>>) target(%arg10 : memref<128x32xf32, #tpu.memory_space<vmem>>) offsets(%dma_start3A_21 : memref<128xi32, #tpu.memory_space<vmem>>) semaphore(%arg15 : memref<!tpu.dma_semaphore, #tpu.memory_space<semaphore_mem>>)
      %dma_start3A_25 = arith.constant 1 : i32
      %dma_start3A_26 = arith.constant 0 : i32
      %dma_start3A_27 = tpu.memref_slice %arg8[%dma_start3A_25, %dma_start3A_26] : memref<40x128xi32, #tpu.memory_space<vmem>> -> memref<1x128xi32, #tpu.memory_space<vmem>>
      %dma_start3A_28 = tpu.memref_squeeze %dma_start3A_27 : memref<1x128xi32, #tpu.memory_space<vmem>> -> memref<128xi32, #tpu.memory_space<vmem>>
      %dma_start3A_29 = arith.constant 0 : i32
      %dma_start3A_30 = arith.constant 0 : i32
      %dma_start3A_31 = tpu.memref_slice %arg2[%dma_start3A_29, %dma_start3A_30] : memref<50048x32xf32, #tpu.memory_space<hbm>> -> memref<50048x32xf32, #tpu.memory_space<hbm>>
      tpu.enqueue_indirect_dma source(%dma_start3A_31 : memref<50048x32xf32, #tpu.memory_space<hbm>>) target(%arg11 : memref<128x32xf32, #tpu.memory_space<vmem>>) offsets(%dma_start3A_28 : memref<128xi32, #tpu.memory_space<vmem>>) semaphore(%arg16 : memref<!tpu.dma_semaphore, #tpu.memory_space<semaphore_mem>>)
      %dma_start3A_32 = arith.constant 2 : i32
      %dma_start3A_33 = arith.constant 0 : i32
      %dma_start3A_34 = tpu.memref_slice %arg8[%dma_start3A_32, %dma_start3A_33] : memref<40x128xi32, #tpu.memory_space<vmem>> -> memref<1x128xi32, #tpu.memory_space<vmem>>
      %dma_start3A_35 = tpu.memref_squeeze %dma_start3A_34 : memref<1x128xi32, #tpu.memory_space<vmem>> -> memref<128xi32, #tpu.memory_space<vmem>>
      %dma_start3A_36 = arith.constant 0 : i32
      %dma_start3A_37 = arith.constant 0 : i32
      %dma_start3A_38 = tpu.memref_slice %arg2[%dma_start3A_36, %dma_start3A_37] : memref<50048x32xf32, #tpu.memory_space<hbm>> -> memref<50048x32xf32, #tpu.memory_space<hbm>>
      tpu.enqueue_indirect_dma source(%dma_start3A_38 : memref<50048x32xf32, #tpu.memory_space<hbm>>) target(%arg12 : memref<128x32xf32, #tpu.memory_space<vmem>>) offsets(%dma_start3A_35 : memref<128xi32, #tpu.memory_space<vmem>>) semaphore(%arg17 : memref<!tpu.dma_semaphore, #tpu.memory_space<semaphore_mem>>)
      %dma_start3A_39 = arith.constant 3 : i32
      %dma_start3A_40 = arith.constant 0 : i32
      %dma_start3A_41 = tpu.memref_slice %arg8[%dma_start3A_39, %dma_start3A_40] : memref<40x128xi32, #tpu.memory_space<vmem>> -> memref<1x128xi32, #tpu.memory_space<vmem>>
      %dma_start3A_42 = tpu.memref_squeeze %dma_start3A_41 : memref<1x128xi32, #tpu.memory_space<vmem>> -> memref<128xi32, #tpu.memory_space<vmem>>
      %dma_start3A_43 = arith.constant 0 : i32
      %dma_start3A_44 = arith.constant 0 : i32
      %dma_start3A_45 = tpu.memref_slice %arg2[%dma_start3A_43, %dma_start3A_44] : memref<50048x32xf32, #tpu.memory_space<hbm>> -> memref<50048x32xf32, #tpu.memory_space<hbm>>
      tpu.enqueue_indirect_dma source(%dma_start3A_45 : memref<50048x32xf32, #tpu.memory_space<hbm>>) target(%arg13 : memref<128x32xf32, #tpu.memory_space<vmem>>) offsets(%dma_start3A_42 : memref<128xi32, #tpu.memory_space<vmem>>) semaphore(%arg18 : memref<!tpu.dma_semaphore, #tpu.memory_space<semaphore_mem>>)
      %dma_start3A_46 = arith.constant 4 : i32
      %dma_start3A_47 = arith.constant 0 : i32
      %dma_start3A_48 = tpu.memref_slice %arg8[%dma_start3A_46, %dma_start3A_47] : memref<40x128xi32, #tpu.memory_space<vmem>> -> memref<1x128xi32, #tpu.memory_space<vmem>>
      %dma_start3A_49 = tpu.memref_squeeze %dma_start3A_48 : memref<1x128xi32, #tpu.memory_space<vmem>> -> memref<128xi32, #tpu.memory_space<vmem>>
      %dma_start3A_50 = arith.constant 0 : i32
      %dma_start3A_51 = arith.constant 0 : i32
      %dma_start3A_52 = tpu.memref_slice %arg2[%dma_start3A_50, %dma_start3A_51] : memref<50048x32xf32, #tpu.memory_space<hbm>> -> memref<50048x32xf32, #tpu.memory_space<hbm>>
      tpu.enqueue_indirect_dma source(%dma_start3A_52 : memref<50048x32xf32, #tpu.memory_space<hbm>>) target(%arg14 : memref<128x32xf32, #tpu.memory_space<vmem>>) offsets(%dma_start3A_49 : memref<128xi32, #tpu.memory_space<vmem>>) semaphore(%arg19 : memref<!tpu.dma_semaphore, #tpu.memory_space<semaphore_mem>>)
      %scan3A_53 = arith.constant 0 : i32
      %scan3A_54 = arith.constant 0 : i32
      %scan3A_55 = arith.constant 8 : i32
      %scan3A_56 = arith.addi %scan3A_54, %scan3A_55 : i32
      %scan3A_57 = arith.constant 1 : i32
      scf.for %scan3A_93 = %scan3A_54 to %scan3A_56 step %scan3A_57  : i32 {
        %mul3A_94 = arith.constant 5 : i32
        %mul3A_95 = arith.muli %scan3A_93, %mul3A_94 : i32
        %add3A_96 = arith.constant 0 : i32
        %add3A_97 = arith.addi %mul3A_95, %add3A_96 : i32
        %dma_wait3A_98 = arith.constant 0 : i32
        %dma_wait3A_99 = tpu.memref_slice %arg8[%add3A_97, %dma_wait3A_98] : memref<40x128xi32, #tpu.memory_space<vmem>> -> memref<1x128xi32, #tpu.memory_space<vmem>>
        %dma_wait3A_100 = tpu.memref_squeeze %dma_wait3A_99 : memref<1x128xi32, #tpu.memory_space<vmem>> -> memref<128xi32, #tpu.memory_space<vmem>>
        %dma_wait3A_101 = arith.constant 0 : i32
        %dma_wait3A_102 = arith.constant 0 : i32
        %dma_wait3A_103 = tpu.memref_slice %arg2[%dma_wait3A_101, %dma_wait3A_102] : memref<50048x32xf32, #tpu.memory_space<hbm>> -> memref<50048x32xf32, #tpu.memory_space<hbm>>
        tpu.wait_indirect_dma semaphore(%arg15 : memref<!tpu.dma_semaphore, #tpu.memory_space<semaphore_mem>>) src(%dma_wait3A_103 : memref<50048x32xf32, #tpu.memory_space<hbm>>) dst(%arg10 : memref<128x32xf32, #tpu.memory_space<vmem>>)
        %dma_start3A_104 = arith.constant 0 : i32
        %dma_start3A_105 = tpu.memref_slice %arg9[%add3A_97, %dma_start3A_104] : memref<40x128xi32, #tpu.memory_space<vmem>> -> memref<1x128xi32, #tpu.memory_space<vmem>>
        %dma_start3A_106 = tpu.memref_squeeze %dma_start3A_105 : memref<1x128xi32, #tpu.memory_space<vmem>> -> memref<128xi32, #tpu.memory_space<vmem>>
        %dma_start3A_107 = arith.constant 0 : i32
        %dma_start3A_108 = arith.constant 0 : i32
        %dma_start3A_109 = tpu.memref_slice %arg7[%dma_start3A_107, %dma_start3A_108] : memref<50048x32xf32, #tpu.memory_space<vmem_shared>> -> memref<50048x32xf32, #tpu.memory_space<vmem_shared>>
        tpu.enqueue_indirect_dma source(%arg10 : memref<128x32xf32, #tpu.memory_space<vmem>>) target(%dma_start3A_109 : memref<50048x32xf32, #tpu.memory_space<vmem_shared>>) offsets(%dma_start3A_106 : memref<128xi32, #tpu.memory_space<vmem>>) semaphore(%arg20 : memref<!tpu.dma_semaphore, #tpu.memory_space<semaphore_mem>>) {add = true}
        %lt3A = arith.constant 7 : i32
        %lt3A_110 = arith.cmpi slt, %scan3A_93, %lt3A : i32
        %convert_element_type3A = arith.extui %lt3A_110 : i1 to i32
        %cond3A = arith.constant 0 : i32
        %cond3A_111 = arith.cmpi ne, %convert_element_type3A, %cond3A : i32
        scf.if %cond3A_111 {
          %dma_wait3A_196 = arith.constant 0 : i32
          %dma_wait3A_197 = tpu.memref_slice %arg9[%add3A_97, %dma_wait3A_196] : memref<40x128xi32, #tpu.memory_space<vmem>> -> memref<1x128xi32, #tpu.memory_space<vmem>>
          %dma_wait3A_198 = tpu.memref_squeeze %dma_wait3A_197 : memref<1x128xi32, #tpu.memory_space<vmem>> -> memref<128xi32, #tpu.memory_space<vmem>>
          %dma_wait3A_199 = arith.constant 0 : i32
          %dma_wait3A_200 = arith.constant 0 : i32
          %dma_wait3A_201 = tpu.memref_slice %arg7[%dma_wait3A_199, %dma_wait3A_200] : memref<50048x32xf32, #tpu.memory_space<vmem_shared>> -> memref<50048x32xf32, #tpu.memory_space<vmem_shared>>
          tpu.wait_indirect_dma semaphore(%arg20 : memref<!tpu.dma_semaphore, #tpu.memory_space<semaphore_mem>>) src(%arg10 : memref<128x32xf32, #tpu.memory_space<vmem>>) dst(%dma_wait3A_201 : memref<50048x32xf32, #tpu.memory_space<vmem_shared>>)
          %add3A_202 = arith.constant 5 : i32
          %add3A_203 = arith.addi %add3A_97, %add3A_202 : i32
          %dma_start3A_204 = arith.constant 0 : i32
          %dma_start3A_205 = tpu.memref_slice %arg8[%add3A_203, %dma_start3A_204] : memref<40x128xi32, #tpu.memory_space<vmem>> -> memref<1x128xi32, #tpu.memory_space<vmem>>
          %dma_start3A_206 = tpu.memref_squeeze %dma_start3A_205 : memref<1x128xi32, #tpu.memory_space<vmem>> -> memref<128xi32, #tpu.memory_space<vmem>>
          %dma_start3A_207 = arith.constant 0 : i32
          %dma_start3A_208 = arith.constant 0 : i32
          %dma_start3A_209 = tpu.memref_slice %arg2[%dma_start3A_207, %dma_start3A_208] : memref<50048x32xf32, #tpu.memory_space<hbm>> -> memref<50048x32xf32, #tpu.memory_space<hbm>>
          tpu.enqueue_indirect_dma source(%dma_start3A_209 : memref<50048x32xf32, #tpu.memory_space<hbm>>) target(%arg10 : memref<128x32xf32, #tpu.memory_space<vmem>>) offsets(%dma_start3A_206 : memref<128xi32, #tpu.memory_space<vmem>>) semaphore(%arg15 : memref<!tpu.dma_semaphore, #tpu.memory_space<semaphore_mem>>)
        } else {
        }
        %mul3A_112 = arith.constant 5 : i32
        %mul3A_113 = arith.muli %scan3A_93, %mul3A_112 : i32
        %add3A_114 = arith.constant 1 : i32
        %add3A_115 = arith.addi %mul3A_113, %add3A_114 : i32
        %dma_wait3A_116 = arith.constant 0 : i32
        %dma_wait3A_117 = tpu.memref_slice %arg8[%add3A_115, %dma_wait3A_116] : memref<40x128xi32, #tpu.memory_space<vmem>> -> memref<1x128xi32, #tpu.memory_space<vmem>>
        %dma_wait3A_118 = tpu.memref_squeeze %dma_wait3A_117 : memref<1x128xi32, #tpu.memory_space<vmem>> -> memref<128xi32, #tpu.memory_space<vmem>>
        %dma_wait3A_119 = arith.constant 0 : i32
        %dma_wait3A_120 = arith.constant 0 : i32
        %dma_wait3A_121 = tpu.memref_slice %arg2[%dma_wait3A_119, %dma_wait3A_120] : memref<50048x32xf32, #tpu.memory_space<hbm>> -> memref<50048x32xf32, #tpu.memory_space<hbm>>
        tpu.wait_indirect_dma semaphore(%arg16 : memref<!tpu.dma_semaphore, #tpu.memory_space<semaphore_mem>>) src(%dma_wait3A_121 : memref<50048x32xf32, #tpu.memory_space<hbm>>) dst(%arg11 : memref<128x32xf32, #tpu.memory_space<vmem>>)
        %dma_start3A_122 = arith.constant 0 : i32
        %dma_start3A_123 = tpu.memref_slice %arg9[%add3A_115, %dma_start3A_122] : memref<40x128xi32, #tpu.memory_space<vmem>> -> memref<1x128xi32, #tpu.memory_space<vmem>>
        %dma_start3A_124 = tpu.memref_squeeze %dma_start3A_123 : memref<1x128xi32, #tpu.memory_space<vmem>> -> memref<128xi32, #tpu.memory_space<vmem>>
        %dma_start3A_125 = arith.constant 0 : i32
        %dma_start3A_126 = arith.constant 0 : i32
        %dma_start3A_127 = tpu.memref_slice %arg7[%dma_start3A_125, %dma_start3A_126] : memref<50048x32xf32, #tpu.memory_space<vmem_shared>> -> memref<50048x32xf32, #tpu.memory_space<vmem_shared>>
        tpu.enqueue_indirect_dma source(%arg11 : memref<128x32xf32, #tpu.memory_space<vmem>>) target(%dma_start3A_127 : memref<50048x32xf32, #tpu.memory_space<vmem_shared>>) offsets(%dma_start3A_124 : memref<128xi32, #tpu.memory_space<vmem>>) semaphore(%arg21 : memref<!tpu.dma_semaphore, #tpu.memory_space<semaphore_mem>>) {add = true}
        %lt3A_128 = arith.constant 7 : i32
        %lt3A_129 = arith.cmpi slt, %scan3A_93, %lt3A_128 : i32
        %convert_element_type3A_130 = arith.extui %lt3A_129 : i1 to i32
        %cond3A_131 = arith.constant 0 : i32
        %cond3A_132 = arith.cmpi ne, %convert_element_type3A_130, %cond3A_131 : i32
        scf.if %cond3A_132 {
          %dma_wait3A_196 = arith.constant 0 : i32
          %dma_wait3A_197 = tpu.memref_slice %arg9[%add3A_115, %dma_wait3A_196] : memref<40x128xi32, #tpu.memory_space<vmem>> -> memref<1x128xi32, #tpu.memory_space<vmem>>
          %dma_wait3A_198 = tpu.memref_squeeze %dma_wait3A_197 : memref<1x128xi32, #tpu.memory_space<vmem>> -> memref<128xi32, #tpu.memory_space<vmem>>
          %dma_wait3A_199 = arith.constant 0 : i32
          %dma_wait3A_200 = arith.constant 0 : i32
          %dma_wait3A_201 = tpu.memref_slice %arg7[%dma_wait3A_199, %dma_wait3A_200] : memref<50048x32xf32, #tpu.memory_space<vmem_shared>> -> memref<50048x32xf32, #tpu.memory_space<vmem_shared>>
          tpu.wait_indirect_dma semaphore(%arg21 : memref<!tpu.dma_semaphore, #tpu.memory_space<semaphore_mem>>) src(%arg11 : memref<128x32xf32, #tpu.memory_space<vmem>>) dst(%dma_wait3A_201 : memref<50048x32xf32, #tpu.memory_space<vmem_shared>>)
          %add3A_202 = arith.constant 5 : i32
          %add3A_203 = arith.addi %add3A_115, %add3A_202 : i32
          %dma_start3A_204 = arith.constant 0 : i32
          %dma_start3A_205 = tpu.memref_slice %arg8[%add3A_203, %dma_start3A_204] : memref<40x128xi32, #tpu.memory_space<vmem>> -> memref<1x128xi32, #tpu.memory_space<vmem>>
          %dma_start3A_206 = tpu.memref_squeeze %dma_start3A_205 : memref<1x128xi32, #tpu.memory_space<vmem>> -> memref<128xi32, #tpu.memory_space<vmem>>
          %dma_start3A_207 = arith.constant 0 : i32
          %dma_start3A_208 = arith.constant 0 : i32
          %dma_start3A_209 = tpu.memref_slice %arg2[%dma_start3A_207, %dma_start3A_208] : memref<50048x32xf32, #tpu.memory_space<hbm>> -> memref<50048x32xf32, #tpu.memory_space<hbm>>
          tpu.enqueue_indirect_dma source(%dma_start3A_209 : memref<50048x32xf32, #tpu.memory_space<hbm>>) target(%arg11 : memref<128x32xf32, #tpu.memory_space<vmem>>) offsets(%dma_start3A_206 : memref<128xi32, #tpu.memory_space<vmem>>) semaphore(%arg16 : memref<!tpu.dma_semaphore, #tpu.memory_space<semaphore_mem>>)
        } else {
        }
        %mul3A_133 = arith.constant 5 : i32
        %mul3A_134 = arith.muli %scan3A_93, %mul3A_133 : i32
        %add3A_135 = arith.constant 2 : i32
        %add3A_136 = arith.addi %mul3A_134, %add3A_135 : i32
        %dma_wait3A_137 = arith.constant 0 : i32
        %dma_wait3A_138 = tpu.memref_slice %arg8[%add3A_136, %dma_wait3A_137] : memref<40x128xi32, #tpu.memory_space<vmem>> -> memref<1x128xi32, #tpu.memory_space<vmem>>
        %dma_wait3A_139 = tpu.memref_squeeze %dma_wait3A_138 : memref<1x128xi32, #tpu.memory_space<vmem>> -> memref<128xi32, #tpu.memory_space<vmem>>
        %dma_wait3A_140 = arith.constant 0 : i32
        %dma_wait3A_141 = arith.constant 0 : i32
        %dma_wait3A_142 = tpu.memref_slice %arg2[%dma_wait3A_140, %dma_wait3A_141] : memref<50048x32xf32, #tpu.memory_space<hbm>> -> memref<50048x32xf32, #tpu.memory_space<hbm>>
        tpu.wait_indirect_dma semaphore(%arg17 : memref<!tpu.dma_semaphore, #tpu.memory_space<semaphore_mem>>) src(%dma_wait3A_142 : memref<50048x32xf32, #tpu.memory_space<hbm>>) dst(%arg12 : memref<128x32xf32, #tpu.memory_space<vmem>>)
        %dma_start3A_143 = arith.constant 0 : i32
        %dma_start3A_144 = tpu.memref_slice %arg9[%add3A_136, %dma_start3A_143] : memref<40x128xi32, #tpu.memory_space<vmem>> -> memref<1x128xi32, #tpu.memory_space<vmem>>
        %dma_start3A_145 = tpu.memref_squeeze %dma_start3A_144 : memref<1x128xi32, #tpu.memory_space<vmem>> -> memref<128xi32, #tpu.memory_space<vmem>>
        %dma_start3A_146 = arith.constant 0 : i32
        %dma_start3A_147 = arith.constant 0 : i32
        %dma_start3A_148 = tpu.memref_slice %arg7[%dma_start3A_146, %dma_start3A_147] : memref<50048x32xf32, #tpu.memory_space<vmem_shared>> -> memref<50048x32xf32, #tpu.memory_space<vmem_shared>>
        tpu.enqueue_indirect_dma source(%arg12 : memref<128x32xf32, #tpu.memory_space<vmem>>) target(%dma_start3A_148 : memref<50048x32xf32, #tpu.memory_space<vmem_shared>>) offsets(%dma_start3A_145 : memref<128xi32, #tpu.memory_space<vmem>>) semaphore(%arg22 : memref<!tpu.dma_semaphore, #tpu.memory_space<semaphore_mem>>) {add = true}
        %lt3A_149 = arith.constant 7 : i32
        %lt3A_150 = arith.cmpi slt, %scan3A_93, %lt3A_149 : i32
        %convert_element_type3A_151 = arith.extui %lt3A_150 : i1 to i32
        %cond3A_152 = arith.constant 0 : i32
        %cond3A_153 = arith.cmpi ne, %convert_element_type3A_151, %cond3A_152 : i32
        scf.if %cond3A_153 {
          %dma_wait3A_196 = arith.constant 0 : i32
          %dma_wait3A_197 = tpu.memref_slice %arg9[%add3A_136, %dma_wait3A_196] : memref<40x128xi32, #tpu.memory_space<vmem>> -> memref<1x128xi32, #tpu.memory_space<vmem>>
          %dma_wait3A_198 = tpu.memref_squeeze %dma_wait3A_197 : memref<1x128xi32, #tpu.memory_space<vmem>> -> memref<128xi32, #tpu.memory_space<vmem>>
          %dma_wait3A_199 = arith.constant 0 : i32
          %dma_wait3A_200 = arith.constant 0 : i32
          %dma_wait3A_201 = tpu.memref_slice %arg7[%dma_wait3A_199, %dma_wait3A_200] : memref<50048x32xf32, #tpu.memory_space<vmem_shared>> -> memref<50048x32xf32, #tpu.memory_space<vmem_shared>>
          tpu.wait_indirect_dma semaphore(%arg22 : memref<!tpu.dma_semaphore, #tpu.memory_space<semaphore_mem>>) src(%arg12 : memref<128x32xf32, #tpu.memory_space<vmem>>) dst(%dma_wait3A_201 : memref<50048x32xf32, #tpu.memory_space<vmem_shared>>)
          %add3A_202 = arith.constant 5 : i32
          %add3A_203 = arith.addi %add3A_136, %add3A_202 : i32
          %dma_start3A_204 = arith.constant 0 : i32
          %dma_start3A_205 = tpu.memref_slice %arg8[%add3A_203, %dma_start3A_204] : memref<40x128xi32, #tpu.memory_space<vmem>> -> memref<1x128xi32, #tpu.memory_space<vmem>>
          %dma_start3A_206 = tpu.memref_squeeze %dma_start3A_205 : memref<1x128xi32, #tpu.memory_space<vmem>> -> memref<128xi32, #tpu.memory_space<vmem>>
          %dma_start3A_207 = arith.constant 0 : i32
          %dma_start3A_208 = arith.constant 0 : i32
          %dma_start3A_209 = tpu.memref_slice %arg2[%dma_start3A_207, %dma_start3A_208] : memref<50048x32xf32, #tpu.memory_space<hbm>> -> memref<50048x32xf32, #tpu.memory_space<hbm>>
          tpu.enqueue_indirect_dma source(%dma_start3A_209 : memref<50048x32xf32, #tpu.memory_space<hbm>>) target(%arg12 : memref<128x32xf32, #tpu.memory_space<vmem>>) offsets(%dma_start3A_206 : memref<128xi32, #tpu.memory_space<vmem>>) semaphore(%arg17 : memref<!tpu.dma_semaphore, #tpu.memory_space<semaphore_mem>>)
        } else {
        }
        %mul3A_154 = arith.constant 5 : i32
        %mul3A_155 = arith.muli %scan3A_93, %mul3A_154 : i32
        %add3A_156 = arith.constant 3 : i32
        %add3A_157 = arith.addi %mul3A_155, %add3A_156 : i32
        %dma_wait3A_158 = arith.constant 0 : i32
        %dma_wait3A_159 = tpu.memref_slice %arg8[%add3A_157, %dma_wait3A_158] : memref<40x128xi32, #tpu.memory_space<vmem>> -> memref<1x128xi32, #tpu.memory_space<vmem>>
        %dma_wait3A_160 = tpu.memref_squeeze %dma_wait3A_159 : memref<1x128xi32, #tpu.memory_space<vmem>> -> memref<128xi32, #tpu.memory_space<vmem>>
        %dma_wait3A_161 = arith.constant 0 : i32
        %dma_wait3A_162 = arith.constant 0 : i32
        %dma_wait3A_163 = tpu.memref_slice %arg2[%dma_wait3A_161, %dma_wait3A_162] : memref<50048x32xf32, #tpu.memory_space<hbm>> -> memref<50048x32xf32, #tpu.memory_space<hbm>>
        tpu.wait_indirect_dma semaphore(%arg18 : memref<!tpu.dma_semaphore, #tpu.memory_space<semaphore_mem>>) src(%dma_wait3A_163 : memref<50048x32xf32, #tpu.memory_space<hbm>>) dst(%arg13 : memref<128x32xf32, #tpu.memory_space<vmem>>)
        %dma_start3A_164 = arith.constant 0 : i32
        %dma_start3A_165 = tpu.memref_slice %arg9[%add3A_157, %dma_start3A_164] : memref<40x128xi32, #tpu.memory_space<vmem>> -> memref<1x128xi32, #tpu.memory_space<vmem>>
        %dma_start3A_166 = tpu.memref_squeeze %dma_start3A_165 : memref<1x128xi32, #tpu.memory_space<vmem>> -> memref<128xi32, #tpu.memory_space<vmem>>
        %dma_start3A_167 = arith.constant 0 : i32
        %dma_start3A_168 = arith.constant 0 : i32
        %dma_start3A_169 = tpu.memref_slice %arg7[%dma_start3A_167, %dma_start3A_168] : memref<50048x32xf32, #tpu.memory_space<vmem_shared>> -> memref<50048x32xf32, #tpu.memory_space<vmem_shared>>
        tpu.enqueue_indirect_dma source(%arg13 : memref<128x32xf32, #tpu.memory_space<vmem>>) target(%dma_start3A_169 : memref<50048x32xf32, #tpu.memory_space<vmem_shared>>) offsets(%dma_start3A_166 : memref<128xi32, #tpu.memory_space<vmem>>) semaphore(%arg23 : memref<!tpu.dma_semaphore, #tpu.memory_space<semaphore_mem>>) {add = true}
        %lt3A_170 = arith.constant 7 : i32
        %lt3A_171 = arith.cmpi slt, %scan3A_93, %lt3A_170 : i32
        %convert_element_type3A_172 = arith.extui %lt3A_171 : i1 to i32
        %cond3A_173 = arith.constant 0 : i32
        %cond3A_174 = arith.cmpi ne, %convert_element_type3A_172, %cond3A_173 : i32
        scf.if %cond3A_174 {
          %dma_wait3A_196 = arith.constant 0 : i32
          %dma_wait3A_197 = tpu.memref_slice %arg9[%add3A_157, %dma_wait3A_196] : memref<40x128xi32, #tpu.memory_space<vmem>> -> memref<1x128xi32, #tpu.memory_space<vmem>>
          %dma_wait3A_198 = tpu.memref_squeeze %dma_wait3A_197 : memref<1x128xi32, #tpu.memory_space<vmem>> -> memref<128xi32, #tpu.memory_space<vmem>>
          %dma_wait3A_199 = arith.constant 0 : i32
          %dma_wait3A_200 = arith.constant 0 : i32
          %dma_wait3A_201 = tpu.memref_slice %arg7[%dma_wait3A_199, %dma_wait3A_200] : memref<50048x32xf32, #tpu.memory_space<vmem_shared>> -> memref<50048x32xf32, #tpu.memory_space<vmem_shared>>
          tpu.wait_indirect_dma semaphore(%arg23 : memref<!tpu.dma_semaphore, #tpu.memory_space<semaphore_mem>>) src(%arg13 : memref<128x32xf32, #tpu.memory_space<vmem>>) dst(%dma_wait3A_201 : memref<50048x32xf32, #tpu.memory_space<vmem_shared>>)
          %add3A_202 = arith.constant 5 : i32
          %add3A_203 = arith.addi %add3A_157, %add3A_202 : i32
          %dma_start3A_204 = arith.constant 0 : i32
          %dma_start3A_205 = tpu.memref_slice %arg8[%add3A_203, %dma_start3A_204] : memref<40x128xi32, #tpu.memory_space<vmem>> -> memref<1x128xi32, #tpu.memory_space<vmem>>
          %dma_start3A_206 = tpu.memref_squeeze %dma_start3A_205 : memref<1x128xi32, #tpu.memory_space<vmem>> -> memref<128xi32, #tpu.memory_space<vmem>>
          %dma_start3A_207 = arith.constant 0 : i32
          %dma_start3A_208 = arith.constant 0 : i32
          %dma_start3A_209 = tpu.memref_slice %arg2[%dma_start3A_207, %dma_start3A_208] : memref<50048x32xf32, #tpu.memory_space<hbm>> -> memref<50048x32xf32, #tpu.memory_space<hbm>>
          tpu.enqueue_indirect_dma source(%dma_start3A_209 : memref<50048x32xf32, #tpu.memory_space<hbm>>) target(%arg13 : memref<128x32xf32, #tpu.memory_space<vmem>>) offsets(%dma_start3A_206 : memref<128xi32, #tpu.memory_space<vmem>>) semaphore(%arg18 : memref<!tpu.dma_semaphore, #tpu.memory_space<semaphore_mem>>)
        } else {
        }
        %mul3A_175 = arith.constant 5 : i32
        %mul3A_176 = arith.muli %scan3A_93, %mul3A_175 : i32
        %add3A_177 = arith.constant 4 : i32
        %add3A_178 = arith.addi %mul3A_176, %add3A_177 : i32
        %dma_wait3A_179 = arith.constant 0 : i32
        %dma_wait3A_180 = tpu.memref_slice %arg8[%add3A_178, %dma_wait3A_179] : memref<40x128xi32, #tpu.memory_space<vmem>> -> memref<1x128xi32, #tpu.memory_space<vmem>>
        %dma_wait3A_181 = tpu.memref_squeeze %dma_wait3A_180 : memref<1x128xi32, #tpu.memory_space<vmem>> -> memref<128xi32, #tpu.memory_space<vmem>>
        %dma_wait3A_182 = arith.constant 0 : i32
        %dma_wait3A_183 = arith.constant 0 : i32
        %dma_wait3A_184 = tpu.memref_slice %arg2[%dma_wait3A_182, %dma_wait3A_183] : memref<50048x32xf32, #tpu.memory_space<hbm>> -> memref<50048x32xf32, #tpu.memory_space<hbm>>
        tpu.wait_indirect_dma semaphore(%arg19 : memref<!tpu.dma_semaphore, #tpu.memory_space<semaphore_mem>>) src(%dma_wait3A_184 : memref<50048x32xf32, #tpu.memory_space<hbm>>) dst(%arg14 : memref<128x32xf32, #tpu.memory_space<vmem>>)
        %dma_start3A_185 = arith.constant 0 : i32
        %dma_start3A_186 = tpu.memref_slice %arg9[%add3A_178, %dma_start3A_185] : memref<40x128xi32, #tpu.memory_space<vmem>> -> memref<1x128xi32, #tpu.memory_space<vmem>>
        %dma_start3A_187 = tpu.memref_squeeze %dma_start3A_186 : memref<1x128xi32, #tpu.memory_space<vmem>> -> memref<128xi32, #tpu.memory_space<vmem>>
        %dma_start3A_188 = arith.constant 0 : i32
        %dma_start3A_189 = arith.constant 0 : i32
        %dma_start3A_190 = tpu.memref_slice %arg7[%dma_start3A_188, %dma_start3A_189] : memref<50048x32xf32, #tpu.memory_space<vmem_shared>> -> memref<50048x32xf32, #tpu.memory_space<vmem_shared>>
        tpu.enqueue_indirect_dma source(%arg14 : memref<128x32xf32, #tpu.memory_space<vmem>>) target(%dma_start3A_190 : memref<50048x32xf32, #tpu.memory_space<vmem_shared>>) offsets(%dma_start3A_187 : memref<128xi32, #tpu.memory_space<vmem>>) semaphore(%arg24 : memref<!tpu.dma_semaphore, #tpu.memory_space<semaphore_mem>>) {add = true}
        %lt3A_191 = arith.constant 7 : i32
        %lt3A_192 = arith.cmpi slt, %scan3A_93, %lt3A_191 : i32
        %convert_element_type3A_193 = arith.extui %lt3A_192 : i1 to i32
        %cond3A_194 = arith.constant 0 : i32
        %cond3A_195 = arith.cmpi ne, %convert_element_type3A_193, %cond3A_194 : i32
        scf.if %cond3A_195 {
          %dma_wait3A_196 = arith.constant 0 : i32
          %dma_wait3A_197 = tpu.memref_slice %arg9[%add3A_178, %dma_wait3A_196] : memref<40x128xi32, #tpu.memory_space<vmem>> -> memref<1x128xi32, #tpu.memory_space<vmem>>
          %dma_wait3A_198 = tpu.memref_squeeze %dma_wait3A_197 : memref<1x128xi32, #tpu.memory_space<vmem>> -> memref<128xi32, #tpu.memory_space<vmem>>
          %dma_wait3A_199 = arith.constant 0 : i32
          %dma_wait3A_200 = arith.constant 0 : i32
          %dma_wait3A_201 = tpu.memref_slice %arg7[%dma_wait3A_199, %dma_wait3A_200] : memref<50048x32xf32, #tpu.memory_space<vmem_shared>> -> memref<50048x32xf32, #tpu.memory_space<vmem_shared>>
          tpu.wait_indirect_dma semaphore(%arg24 : memref<!tpu.dma_semaphore, #tpu.memory_space<semaphore_mem>>) src(%arg14 : memref<128x32xf32, #tpu.memory_space<vmem>>) dst(%dma_wait3A_201 : memref<50048x32xf32, #tpu.memory_space<vmem_shared>>)
          %add3A_202 = arith.constant 5 : i32
          %add3A_203 = arith.addi %add3A_178, %add3A_202 : i32
          %dma_start3A_204 = arith.constant 0 : i32
          %dma_start3A_205 = tpu.memref_slice %arg8[%add3A_203, %dma_start3A_204] : memref<40x128xi32, #tpu.memory_space<vmem>> -> memref<1x128xi32, #tpu.memory_space<vmem>>
          %dma_start3A_206 = tpu.memref_squeeze %dma_start3A_205 : memref<1x128xi32, #tpu.memory_space<vmem>> -> memref<128xi32, #tpu.memory_space<vmem>>
          %dma_start3A_207 = arith.constant 0 : i32
          %dma_start3A_208 = arith.constant 0 : i32
          %dma_start3A_209 = tpu.memref_slice %arg2[%dma_start3A_207, %dma_start3A_208] : memref<50048x32xf32, #tpu.memory_space<hbm>> -> memref<50048x32xf32, #tpu.memory_space<hbm>>
          tpu.enqueue_indirect_dma source(%dma_start3A_209 : memref<50048x32xf32, #tpu.memory_space<hbm>>) target(%arg14 : memref<128x32xf32, #tpu.memory_space<vmem>>) offsets(%dma_start3A_206 : memref<128xi32, #tpu.memory_space<vmem>>) semaphore(%arg19 : memref<!tpu.dma_semaphore, #tpu.memory_space<semaphore_mem>>)
        } else {
        }
      }
      %scan3A_58 = arith.constant 8 : i32
      %dma_wait3A = arith.constant 0 : i32
      %dma_wait3A_59 = arith.constant 0 : i32
      %dma_wait3A_60 = tpu.memref_slice %arg9[%dma_wait3A, %dma_wait3A_59] : memref<40x128xi32, #tpu.memory_space<vmem>> -> memref<1x128xi32, #tpu.memory_space<vmem>>
      %dma_wait3A_61 = tpu.memref_squeeze %dma_wait3A_60 : memref<1x128xi32, #tpu.memory_space<vmem>> -> memref<128xi32, #tpu.memory_space<vmem>>
      %dma_wait3A_62 = arith.constant 0 : i32
      %dma_wait3A_63 = arith.constant 0 : i32
      %dma_wait3A_64 = tpu.memref_slice %arg7[%dma_wait3A_62, %dma_wait3A_63] : memref<50048x32xf32, #tpu.memory_space<vmem_shared>> -> memref<50048x32xf32, #tpu.memory_space<vmem_shared>>
      tpu.wait_indirect_dma semaphore(%arg20 : memref<!tpu.dma_semaphore, #tpu.memory_space<semaphore_mem>>) src(%arg10 : memref<128x32xf32, #tpu.memory_space<vmem>>) dst(%dma_wait3A_64 : memref<50048x32xf32, #tpu.memory_space<vmem_shared>>)
      %dma_wait3A_65 = arith.constant 1 : i32
      %dma_wait3A_66 = arith.constant 0 : i32
      %dma_wait3A_67 = tpu.memref_slice %arg9[%dma_wait3A_65, %dma_wait3A_66] : memref<40x128xi32, #tpu.memory_space<vmem>> -> memref<1x128xi32, #tpu.memory_space<vmem>>
      %dma_wait3A_68 = tpu.memref_squeeze %dma_wait3A_67 : memref<1x128xi32, #tpu.memory_space<vmem>> -> memref<128xi32, #tpu.memory_space<vmem>>
      %dma_wait3A_69 = arith.constant 0 : i32
      %dma_wait3A_70 = arith.constant 0 : i32
      %dma_wait3A_71 = tpu.memref_slice %arg7[%dma_wait3A_69, %dma_wait3A_70] : memref<50048x32xf32, #tpu.memory_space<vmem_shared>> -> memref<50048x32xf32, #tpu.memory_space<vmem_shared>>
      tpu.wait_indirect_dma semaphore(%arg21 : memref<!tpu.dma_semaphore, #tpu.memory_space<semaphore_mem>>) src(%arg11 : memref<128x32xf32, #tpu.memory_space<vmem>>) dst(%dma_wait3A_71 : memref<50048x32xf32, #tpu.memory_space<vmem_shared>>)
      %dma_wait3A_72 = arith.constant 2 : i32
      %dma_wait3A_73 = arith.constant 0 : i32
      %dma_wait3A_74 = tpu.memref_slice %arg9[%dma_wait3A_72, %dma_wait3A_73] : memref<40x128xi32, #tpu.memory_space<vmem>> -> memref<1x128xi32, #tpu.memory_space<vmem>>
      %dma_wait3A_75 = tpu.memref_squeeze %dma_wait3A_74 : memref<1x128xi32, #tpu.memory_space<vmem>> -> memref<128xi32, #tpu.memory_space<vmem>>
      %dma_wait3A_76 = arith.constant 0 : i32
      %dma_wait3A_77 = arith.constant 0 : i32
      %dma_wait3A_78 = tpu.memref_slice %arg7[%dma_wait3A_76, %dma_wait3A_77] : memref<50048x32xf32, #tpu.memory_space<vmem_shared>> -> memref<50048x32xf32, #tpu.memory_space<vmem_shared>>
      tpu.wait_indirect_dma semaphore(%arg22 : memref<!tpu.dma_semaphore, #tpu.memory_space<semaphore_mem>>) src(%arg12 : memref<128x32xf32, #tpu.memory_space<vmem>>) dst(%dma_wait3A_78 : memref<50048x32xf32, #tpu.memory_space<vmem_shared>>)
      %dma_wait3A_79 = arith.constant 3 : i32
      %dma_wait3A_80 = arith.constant 0 : i32
      %dma_wait3A_81 = tpu.memref_slice %arg9[%dma_wait3A_79, %dma_wait3A_80] : memref<40x128xi32, #tpu.memory_space<vmem>> -> memref<1x128xi32, #tpu.memory_space<vmem>>
      %dma_wait3A_82 = tpu.memref_squeeze %dma_wait3A_81 : memref<1x128xi32, #tpu.memory_space<vmem>> -> memref<128xi32, #tpu.memory_space<vmem>>
      %dma_wait3A_83 = arith.constant 0 : i32
      %dma_wait3A_84 = arith.constant 0 : i32
      %dma_wait3A_85 = tpu.memref_slice %arg7[%dma_wait3A_83, %dma_wait3A_84] : memref<50048x32xf32, #tpu.memory_space<vmem_shared>> -> memref<50048x32xf32, #tpu.memory_space<vmem_shared>>
      tpu.wait_indirect_dma semaphore(%arg23 : memref<!tpu.dma_semaphore, #tpu.memory_space<semaphore_mem>>) src(%arg13 : memref<128x32xf32, #tpu.memory_space<vmem>>) dst(%dma_wait3A_85 : memref<50048x32xf32, #tpu.memory_space<vmem_shared>>)
      %dma_wait3A_86 = arith.constant 4 : i32
      %dma_wait3A_87 = arith.constant 0 : i32
      %dma_wait3A_88 = tpu.memref_slice %arg9[%dma_wait3A_86, %dma_wait3A_87] : memref<40x128xi32, #tpu.memory_space<vmem>> -> memref<1x128xi32, #tpu.memory_space<vmem>>
      %dma_wait3A_89 = tpu.memref_squeeze %dma_wait3A_88 : memref<1x128xi32, #tpu.memory_space<vmem>> -> memref<128xi32, #tpu.memory_space<vmem>>
      %dma_wait3A_90 = arith.constant 0 : i32
      %dma_wait3A_91 = arith.constant 0 : i32
      %dma_wait3A_92 = tpu.memref_slice %arg7[%dma_wait3A_90, %dma_wait3A_91] : memref<50048x32xf32, #tpu.memory_space<vmem_shared>> -> memref<50048x32xf32, #tpu.memory_space<vmem_shared>>
      tpu.wait_indirect_dma semaphore(%arg24 : memref<!tpu.dma_semaphore, #tpu.memory_space<semaphore_mem>>) src(%arg14 : memref<128x32xf32, #tpu.memory_space<vmem>>) dst(%dma_wait3A_92 : memref<50048x32xf32, #tpu.memory_space<vmem_shared>>)
    }
    %scan3A_7 = arith.constant 5 : i32
    %barrier3A_8 = arith.constant 0 : index
    tpu.barrier barrier_id(%barrier3A_8)
    %mul3A_9 = arith.constant 3128 : i32
    %mul3A_10 = arith.muli %arg1, %mul3A_9 : i32
    %mul3A_11 = arith.constant 3128 : i32
    %mul3A_12 = arith.muli %arg1, %mul3A_11 : i32
    "tpu.region"() ({
      %run_scoped3A = tpu.sem_alloc : memref<!tpu.dma_semaphore, #tpu.memory_space<semaphore_mem>>
      %dma_start3A = arith.constant 0 : i32
      %dma_start3A_13 = arith.constant 0 : i32
      %dma_start3A_14 = tpu.memref_slice %arg6[%arg0, %dma_start3A, %dma_start3A_13] : memref<2x50048x32xf32, #tpu.memory_space<hbm>> -> memref<1x50048x32xf32, #tpu.memory_space<hbm>>
      %dma_start3A_15 = tpu.memref_squeeze %dma_start3A_14 : memref<1x50048x32xf32, #tpu.memory_space<hbm>> -> memref<50048x32xf32, #tpu.memory_space<hbm>>
      %dma_start3A_16 = arith.constant 0 : i32
      %dma_start3A_17 = tpu.memref_slice %dma_start3A_15[%mul3A_12, %dma_start3A_16] : memref<50048x32xf32, #tpu.memory_space<hbm>> -> memref<3128x32xf32, #tpu.memory_space<hbm>>
      %dma_start3A_18 = arith.constant 0 : i32
      %dma_start3A_19 = tpu.memref_slice %arg7[%mul3A_10, %dma_start3A_18] : memref<50048x32xf32, #tpu.memory_space<vmem_shared>> -> memref<3128x32xf32, #tpu.memory_space<vmem_shared>>
      tpu.enqueue_dma source(%dma_start3A_19 : memref<3128x32xf32, #tpu.memory_space<vmem_shared>>) target(%dma_start3A_17 : memref<3128x32xf32, #tpu.memory_space<hbm>>) target_semaphore(%run_scoped3A : memref<!tpu.dma_semaphore, #tpu.memory_space<semaphore_mem>>)
      %dma_wait3A = arith.constant 0 : i32
      %dma_wait3A_20 = arith.constant 0 : i32
      %dma_wait3A_21 = tpu.memref_slice %arg6[%arg0, %dma_wait3A, %dma_wait3A_20] : memref<2x50048x32xf32, #tpu.memory_space<hbm>> -> memref<1x50048x32xf32, #tpu.memory_space<hbm>>
      %dma_wait3A_22 = tpu.memref_squeeze %dma_wait3A_21 : memref<1x50048x32xf32, #tpu.memory_space<hbm>> -> memref<50048x32xf32, #tpu.memory_space<hbm>>
      %dma_wait3A_23 = arith.constant 0 : i32
      %dma_wait3A_24 = tpu.memref_slice %dma_wait3A_22[%mul3A_12, %dma_wait3A_23] : memref<50048x32xf32, #tpu.memory_space<hbm>> -> memref<3128x32xf32, #tpu.memory_space<hbm>>
      %dma_wait3A_25 = arith.constant 0 : i32
      %dma_wait3A_26 = tpu.memref_slice %arg7[%mul3A_10, %dma_wait3A_25] : memref<50048x32xf32, #tpu.memory_space<vmem_shared>> -> memref<3128x32xf32, #tpu.memory_space<vmem_shared>>
      tpu.wait_dma2 semaphore(%run_scoped3A : memref<!tpu.dma_semaphore, #tpu.memory_space<semaphore_mem>>) src(%dma_wait3A_26 : memref<3128x32xf32, #tpu.memory_space<vmem_shared>>) dst(%dma_wait3A_24 : memref<3128x32xf32, #tpu.memory_space<hbm>>)
      tpu.yield
    }) : () -> ()
    return
  }
}

#map = affine_map<(d0, d1) -> (0, 0)>
#map1 = affine_map<(d0, d1) -> (0, 0, 0)>
module attributes {stable_mosaic.version = 14 : i64} {
  func.func @_sc_spmm(%arg0: i32, %arg1: i32, %arg2: memref<50048x32xf32, #tpu.memory_space<hbm>>, %arg3: memref<6400x128xi32, #tpu.memory_space<hbm>>, %arg4: memref<6400x128xi32, #tpu.memory_space<hbm>>, %arg5: memref<3128x32xf32, #tpu.memory_space<hbm>>, %arg6: memref<2x50048x32xf32, #tpu.memory_space<hbm>>, %arg7: memref<50048x32xf32, #tpu.memory_space<vmem_shared>>, %arg8: memref<40x128xi32, #tpu.memory_space<vmem>>, %arg9: memref<40x128xi32, #tpu.memory_space<vmem>>, %arg10: memref<128x32xf32, #tpu.memory_space<vmem>>, %arg11: memref<128x32xf32, #tpu.memory_space<vmem>>, %arg12: memref<128x32xf32, #tpu.memory_space<vmem>>, %arg13: memref<128x32xf32, #tpu.memory_space<vmem>>, %arg14: memref<128x32xf32, #tpu.memory_space<vmem>>, %arg15: memref<!tpu.dma_semaphore, #tpu.memory_space<semaphore_mem>>, %arg16: memref<!tpu.dma_semaphore, #tpu.memory_space<semaphore_mem>>, %arg17: memref<!tpu.dma_semaphore, #tpu.memory_space<semaphore_mem>>, %arg18: memref<!tpu.dma_semaphore, #tpu.memory_space<semaphore_mem>>, %arg19: memref<!tpu.dma_semaphore, #tpu.memory_space<semaphore_mem>>, %arg20: memref<!tpu.dma_semaphore, #tpu.memory_space<semaphore_mem>>, %arg21: memref<!tpu.dma_semaphore, #tpu.memory_space<semaphore_mem>>, %arg22: memref<!tpu.dma_semaphore, #tpu.memory_space<semaphore_mem>>, %arg23: memref<!tpu.dma_semaphore, #tpu.memory_space<semaphore_mem>>, %arg24: memref<!tpu.dma_semaphore, #tpu.memory_space<semaphore_mem>>) attributes {dimension_semantics = [#tpu.dimension_semantics<core_parallel>, #tpu.dimension_semantics<subcore_parallel>], iteration_bounds = array<i64: 2, 16>, scalar_prefetch = 0 : i64, scratch_operands = 18 : i64, tpu.core_type = #tpu.core_type<sc_vector_subcore>, window_params = [{transform_indices = #map}, {transform_indices = #map}, {transform_indices = #map}, {transform_indices = #map}, {transform_indices = #map1}]} {
    %mul3A = arith.constant 16 : i32
    %mul3A_0 = arith.muli %arg0, %mul3A : i32
    %add3A = arith.addi %mul3A_0, %arg1 : i32
    %mul3A_1 = arith.constant 3128 : i32
    %mul3A_2 = arith.muli %arg1, %mul3A_1 : i32
    "tpu.region"() ({
      %run_scoped3A = tpu.sem_alloc : memref<!tpu.dma_semaphore, #tpu.memory_space<semaphore_mem>>
      %dma_start3A = arith.constant 0 : i32
      %dma_start3A_13 = tpu.memref_slice %arg7[%mul3A_2, %dma_start3A] : memref<50048x32xf32, #tpu.memory_space<vmem_shared>> -> memref<3128x32xf32, #tpu.memory_space<vmem_shared>>
      tpu.enqueue_dma source(%arg5 : memref<3128x32xf32, #tpu.memory_space<hbm>>) target(%dma_start3A_13 : memref<3128x32xf32, #tpu.memory_space<vmem_shared>>) target_semaphore(%run_scoped3A : memref<!tpu.dma_semaphore, #tpu.memory_space<semaphore_mem>>)
      %dma_wait3A = arith.constant 0 : i32
      %dma_wait3A_14 = tpu.memref_slice %arg7[%mul3A_2, %dma_wait3A] : memref<50048x32xf32, #tpu.memory_space<vmem_shared>> -> memref<3128x32xf32, #tpu.memory_space<vmem_shared>>
      tpu.wait_dma2 semaphore(%run_scoped3A : memref<!tpu.dma_semaphore, #tpu.memory_space<semaphore_mem>>) src(%arg5 : memref<3128x32xf32, #tpu.memory_space<hbm>>) dst(%dma_wait3A_14 : memref<3128x32xf32, #tpu.memory_space<vmem_shared>>)
      tpu.yield
    }) : () -> ()
    %barrier3A = arith.constant 0 : index
    tpu.barrier barrier_id(%barrier3A)
    %scan3A = arith.constant 0 : i32
    %scan3A_3 = arith.constant 0 : i32
    %scan3A_4 = arith.constant 5 : i32
    %scan3A_5 = arith.addi %scan3A_3, %scan3A_4 : i32
    %scan3A_6 = arith.constant 1 : i32
    scf.for %scan3A_13 = %scan3A_3 to %scan3A_5 step %scan3A_6  : i32 {
      %mul3A_14 = arith.constant 200 : i32
      %mul3A_15 = arith.muli %add3A, %mul3A_14 : i32
      %mul3A_16 = arith.constant 40 : i32
      %mul3A_17 = arith.muli %scan3A_13, %mul3A_16 : i32
      %add3A_18 = arith.addi %mul3A_15, %mul3A_17 : i32
      "tpu.region"() ({
        %run_scoped3A = tpu.sem_alloc : memref<!tpu.dma_semaphore, #tpu.memory_space<semaphore_mem>>
        %dma_start3A_93 = arith.constant 0 : i32
        %dma_start3A_94 = tpu.memref_slice %arg3[%add3A_18, %dma_start3A_93] : memref<6400x128xi32, #tpu.memory_space<hbm>> -> memref<40x128xi32, #tpu.memory_space<hbm>>
        %dma_start3A_95 = arith.constant 0 : i32
        %dma_start3A_96 = tpu.memref_slice %arg3[%add3A_18, %dma_start3A_95] : memref<6400x128xi32, #tpu.memory_space<hbm>> -> memref<40x128xi32, #tpu.memory_space<hbm>>
        tpu.enqueue_dma source(%dma_start3A_96 : memref<40x128xi32, #tpu.memory_space<hbm>>) target(%arg8 : memref<40x128xi32, #tpu.memory_space<vmem>>) target_semaphore(%run_scoped3A : memref<!tpu.dma_semaphore, #tpu.memory_space<semaphore_mem>>)
        %dma_wait3A_97 = arith.constant 0 : i32
        %dma_wait3A_98 = tpu.memref_slice %arg3[%add3A_18, %dma_wait3A_97] : memref<6400x128xi32, #tpu.memory_space<hbm>> -> memref<40x128xi32, #tpu.memory_space<hbm>>
        %dma_wait3A_99 = arith.constant 0 : i32
        %dma_wait3A_100 = tpu.memref_slice %arg3[%add3A_18, %dma_wait3A_99] : memref<6400x128xi32, #tpu.memory_space<hbm>> -> memref<40x128xi32, #tpu.memory_space<hbm>>
        tpu.wait_dma2 semaphore(%run_scoped3A : memref<!tpu.dma_semaphore, #tpu.memory_space<semaphore_mem>>) src(%dma_wait3A_100 : memref<40x128xi32, #tpu.memory_space<hbm>>) dst(%arg8 : memref<40x128xi32, #tpu.memory_space<vmem>>)
        tpu.yield
      }) : () -> ()
      "tpu.region"() ({
        %run_scoped3A = tpu.sem_alloc : memref<!tpu.dma_semaphore, #tpu.memory_space<semaphore_mem>>
        %dma_start3A_93 = arith.constant 0 : i32
        %dma_start3A_94 = tpu.memref_slice %arg4[%add3A_18, %dma_start3A_93] : memref<6400x128xi32, #tpu.memory_space<hbm>> -> memref<40x128xi32, #tpu.memory_space<hbm>>
        %dma_start3A_95 = arith.constant 0 : i32
        %dma_start3A_96 = tpu.memref_slice %arg4[%add3A_18, %dma_start3A_95] : memref<6400x128xi32, #tpu.memory_space<hbm>> -> memref<40x128xi32, #tpu.memory_space<hbm>>
        tpu.enqueue_dma source(%dma_start3A_96 : memref<40x128xi32, #tpu.memory_space<hbm>>) target(%arg9 : memref<40x128xi32, #tpu.memory_space<vmem>>) target_semaphore(%run_scoped3A : memref<!tpu.dma_semaphore, #tpu.memory_space<semaphore_mem>>)
        %dma_wait3A_97 = arith.constant 0 : i32
        %dma_wait3A_98 = tpu.memref_slice %arg4[%add3A_18, %dma_wait3A_97] : memref<6400x128xi32, #tpu.memory_space<hbm>> -> memref<40x128xi32, #tpu.memory_space<hbm>>
        %dma_wait3A_99 = arith.constant 0 : i32
        %dma_wait3A_100 = tpu.memref_slice %arg4[%add3A_18, %dma_wait3A_99] : memref<6400x128xi32, #tpu.memory_space<hbm>> -> memref<40x128xi32, #tpu.memory_space<hbm>>
        tpu.wait_dma2 semaphore(%run_scoped3A : memref<!tpu.dma_semaphore, #tpu.memory_space<semaphore_mem>>) src(%dma_wait3A_100 : memref<40x128xi32, #tpu.memory_space<hbm>>) dst(%arg9 : memref<40x128xi32, #tpu.memory_space<vmem>>)
        tpu.yield
      }) : () -> ()
      %dma_start3A = arith.constant 0 : i32
      %dma_start3A_19 = arith.constant 0 : i32
      %dma_start3A_20 = tpu.memref_slice %arg8[%dma_start3A, %dma_start3A_19] : memref<40x128xi32, #tpu.memory_space<vmem>> -> memref<1x128xi32, #tpu.memory_space<vmem>>
      %dma_start3A_21 = tpu.memref_squeeze %dma_start3A_20 : memref<1x128xi32, #tpu.memory_space<vmem>> -> memref<128xi32, #tpu.memory_space<vmem>>
      %dma_start3A_22 = arith.constant 0 : i32
      %dma_start3A_23 = arith.constant 0 : i32
      %dma_start3A_24 = tpu.memref_slice %arg2[%dma_start3A_22, %dma_start3A_23] : memref<50048x32xf32, #tpu.memory_space<hbm>> -> memref<50048x32xf32, #tpu.memory_space<hbm>>
      tpu.enqueue_indirect_dma source(%dma_start3A_24 : memref<50048x32xf32, #tpu.memory_space<hbm>>) target(%arg10 : memref<128x32xf32, #tpu.memory_space<vmem>>) offsets(%dma_start3A_21 : memref<128xi32, #tpu.memory_space<vmem>>) semaphore(%arg15 : memref<!tpu.dma_semaphore, #tpu.memory_space<semaphore_mem>>)
      %dma_start3A_25 = arith.constant 1 : i32
      %dma_start3A_26 = arith.constant 0 : i32
      %dma_start3A_27 = tpu.memref_slice %arg8[%dma_start3A_25, %dma_start3A_26] : memref<40x128xi32, #tpu.memory_space<vmem>> -> memref<1x128xi32, #tpu.memory_space<vmem>>
      %dma_start3A_28 = tpu.memref_squeeze %dma_start3A_27 : memref<1x128xi32, #tpu.memory_space<vmem>> -> memref<128xi32, #tpu.memory_space<vmem>>
      %dma_start3A_29 = arith.constant 0 : i32
      %dma_start3A_30 = arith.constant 0 : i32
      %dma_start3A_31 = tpu.memref_slice %arg2[%dma_start3A_29, %dma_start3A_30] : memref<50048x32xf32, #tpu.memory_space<hbm>> -> memref<50048x32xf32, #tpu.memory_space<hbm>>
      tpu.enqueue_indirect_dma source(%dma_start3A_31 : memref<50048x32xf32, #tpu.memory_space<hbm>>) target(%arg11 : memref<128x32xf32, #tpu.memory_space<vmem>>) offsets(%dma_start3A_28 : memref<128xi32, #tpu.memory_space<vmem>>) semaphore(%arg16 : memref<!tpu.dma_semaphore, #tpu.memory_space<semaphore_mem>>)
      %dma_start3A_32 = arith.constant 2 : i32
      %dma_start3A_33 = arith.constant 0 : i32
      %dma_start3A_34 = tpu.memref_slice %arg8[%dma_start3A_32, %dma_start3A_33] : memref<40x128xi32, #tpu.memory_space<vmem>> -> memref<1x128xi32, #tpu.memory_space<vmem>>
      %dma_start3A_35 = tpu.memref_squeeze %dma_start3A_34 : memref<1x128xi32, #tpu.memory_space<vmem>> -> memref<128xi32, #tpu.memory_space<vmem>>
      %dma_start3A_36 = arith.constant 0 : i32
      %dma_start3A_37 = arith.constant 0 : i32
      %dma_start3A_38 = tpu.memref_slice %arg2[%dma_start3A_36, %dma_start3A_37] : memref<50048x32xf32, #tpu.memory_space<hbm>> -> memref<50048x32xf32, #tpu.memory_space<hbm>>
      tpu.enqueue_indirect_dma source(%dma_start3A_38 : memref<50048x32xf32, #tpu.memory_space<hbm>>) target(%arg12 : memref<128x32xf32, #tpu.memory_space<vmem>>) offsets(%dma_start3A_35 : memref<128xi32, #tpu.memory_space<vmem>>) semaphore(%arg17 : memref<!tpu.dma_semaphore, #tpu.memory_space<semaphore_mem>>)
      %dma_start3A_39 = arith.constant 3 : i32
      %dma_start3A_40 = arith.constant 0 : i32
      %dma_start3A_41 = tpu.memref_slice %arg8[%dma_start3A_39, %dma_start3A_40] : memref<40x128xi32, #tpu.memory_space<vmem>> -> memref<1x128xi32, #tpu.memory_space<vmem>>
      %dma_start3A_42 = tpu.memref_squeeze %dma_start3A_41 : memref<1x128xi32, #tpu.memory_space<vmem>> -> memref<128xi32, #tpu.memory_space<vmem>>
      %dma_start3A_43 = arith.constant 0 : i32
      %dma_start3A_44 = arith.constant 0 : i32
      %dma_start3A_45 = tpu.memref_slice %arg2[%dma_start3A_43, %dma_start3A_44] : memref<50048x32xf32, #tpu.memory_space<hbm>> -> memref<50048x32xf32, #tpu.memory_space<hbm>>
      tpu.enqueue_indirect_dma source(%dma_start3A_45 : memref<50048x32xf32, #tpu.memory_space<hbm>>) target(%arg13 : memref<128x32xf32, #tpu.memory_space<vmem>>) offsets(%dma_start3A_42 : memref<128xi32, #tpu.memory_space<vmem>>) semaphore(%arg18 : memref<!tpu.dma_semaphore, #tpu.memory_space<semaphore_mem>>)
      %dma_start3A_46 = arith.constant 4 : i32
      %dma_start3A_47 = arith.constant 0 : i32
      %dma_start3A_48 = tpu.memref_slice %arg8[%dma_start3A_46, %dma_start3A_47] : memref<40x128xi32, #tpu.memory_space<vmem>> -> memref<1x128xi32, #tpu.memory_space<vmem>>
      %dma_start3A_49 = tpu.memref_squeeze %dma_start3A_48 : memref<1x128xi32, #tpu.memory_space<vmem>> -> memref<128xi32, #tpu.memory_space<vmem>>
      %dma_start3A_50 = arith.constant 0 : i32
      %dma_start3A_51 = arith.constant 0 : i32
      %dma_start3A_52 = tpu.memref_slice %arg2[%dma_start3A_50, %dma_start3A_51] : memref<50048x32xf32, #tpu.memory_space<hbm>> -> memref<50048x32xf32, #tpu.memory_space<hbm>>
      tpu.enqueue_indirect_dma source(%dma_start3A_52 : memref<50048x32xf32, #tpu.memory_space<hbm>>) target(%arg14 : memref<128x32xf32, #tpu.memory_space<vmem>>) offsets(%dma_start3A_49 : memref<128xi32, #tpu.memory_space<vmem>>) semaphore(%arg19 : memref<!tpu.dma_semaphore, #tpu.memory_space<semaphore_mem>>)
      %scan3A_53 = arith.constant 0 : i32
      %scan3A_54 = arith.constant 0 : i32
      %scan3A_55 = arith.constant 8 : i32
      %scan3A_56 = arith.addi %scan3A_54, %scan3A_55 : i32
      %scan3A_57 = arith.constant 1 : i32
      scf.for %scan3A_93 = %scan3A_54 to %scan3A_56 step %scan3A_57  : i32 {
        %mul3A_94 = arith.constant 5 : i32
        %mul3A_95 = arith.muli %scan3A_93, %mul3A_94 : i32
        %add3A_96 = arith.constant 0 : i32
        %add3A_97 = arith.addi %mul3A_95, %add3A_96 : i32
        %dma_wait3A_98 = arith.constant 0 : i32
        %dma_wait3A_99 = tpu.memref_slice %arg8[%add3A_97, %dma_wait3A_98] : memref<40x128xi32, #tpu.memory_space<vmem>> -> memref<1x128xi32, #tpu.memory_space<vmem>>
        %dma_wait3A_100 = tpu.memref_squeeze %dma_wait3A_99 : memref<1x128xi32, #tpu.memory_space<vmem>> -> memref<128xi32, #tpu.memory_space<vmem>>
        %dma_wait3A_101 = arith.constant 0 : i32
        %dma_wait3A_102 = arith.constant 0 : i32
        %dma_wait3A_103 = tpu.memref_slice %arg2[%dma_wait3A_101, %dma_wait3A_102] : memref<50048x32xf32, #tpu.memory_space<hbm>> -> memref<50048x32xf32, #tpu.memory_space<hbm>>
        tpu.wait_indirect_dma semaphore(%arg15 : memref<!tpu.dma_semaphore, #tpu.memory_space<semaphore_mem>>) src(%dma_wait3A_103 : memref<50048x32xf32, #tpu.memory_space<hbm>>) dst(%arg10 : memref<128x32xf32, #tpu.memory_space<vmem>>)
        %dma_start3A_104 = arith.constant 0 : i32
        %dma_start3A_105 = tpu.memref_slice %arg9[%add3A_97, %dma_start3A_104] : memref<40x128xi32, #tpu.memory_space<vmem>> -> memref<1x128xi32, #tpu.memory_space<vmem>>
        %dma_start3A_106 = tpu.memref_squeeze %dma_start3A_105 : memref<1x128xi32, #tpu.memory_space<vmem>> -> memref<128xi32, #tpu.memory_space<vmem>>
        %dma_start3A_107 = arith.constant 0 : i32
        %dma_start3A_108 = arith.constant 0 : i32
        %dma_start3A_109 = tpu.memref_slice %arg7[%dma_start3A_107, %dma_start3A_108] : memref<50048x32xf32, #tpu.memory_space<vmem_shared>> -> memref<50048x32xf32, #tpu.memory_space<vmem_shared>>
        tpu.enqueue_indirect_dma source(%arg10 : memref<128x32xf32, #tpu.memory_space<vmem>>) target(%dma_start3A_109 : memref<50048x32xf32, #tpu.memory_space<vmem_shared>>) offsets(%dma_start3A_106 : memref<128xi32, #tpu.memory_space<vmem>>) semaphore(%arg20 : memref<!tpu.dma_semaphore, #tpu.memory_space<semaphore_mem>>) {add = true}
        %lt3A = arith.constant 7 : i32
        %lt3A_110 = arith.cmpi slt, %scan3A_93, %lt3A : i32
        %convert_element_type3A = arith.extui %lt3A_110 : i1 to i32
        %cond3A = arith.constant 0 : i32
        %cond3A_111 = arith.cmpi ne, %convert_element_type3A, %cond3A : i32
        scf.if %cond3A_111 {
          %dma_wait3A_196 = arith.constant 0 : i32
          %dma_wait3A_197 = tpu.memref_slice %arg9[%add3A_97, %dma_wait3A_196] : memref<40x128xi32, #tpu.memory_space<vmem>> -> memref<1x128xi32, #tpu.memory_space<vmem>>
          %dma_wait3A_198 = tpu.memref_squeeze %dma_wait3A_197 : memref<1x128xi32, #tpu.memory_space<vmem>> -> memref<128xi32, #tpu.memory_space<vmem>>
          %dma_wait3A_199 = arith.constant 0 : i32
          %dma_wait3A_200 = arith.constant 0 : i32
          %dma_wait3A_201 = tpu.memref_slice %arg7[%dma_wait3A_199, %dma_wait3A_200] : memref<50048x32xf32, #tpu.memory_space<vmem_shared>> -> memref<50048x32xf32, #tpu.memory_space<vmem_shared>>
          tpu.wait_indirect_dma semaphore(%arg20 : memref<!tpu.dma_semaphore, #tpu.memory_space<semaphore_mem>>) src(%arg10 : memref<128x32xf32, #tpu.memory_space<vmem>>) dst(%dma_wait3A_201 : memref<50048x32xf32, #tpu.memory_space<vmem_shared>>)
          %add3A_202 = arith.constant 5 : i32
          %add3A_203 = arith.addi %add3A_97, %add3A_202 : i32
          %dma_start3A_204 = arith.constant 0 : i32
          %dma_start3A_205 = tpu.memref_slice %arg8[%add3A_203, %dma_start3A_204] : memref<40x128xi32, #tpu.memory_space<vmem>> -> memref<1x128xi32, #tpu.memory_space<vmem>>
          %dma_start3A_206 = tpu.memref_squeeze %dma_start3A_205 : memref<1x128xi32, #tpu.memory_space<vmem>> -> memref<128xi32, #tpu.memory_space<vmem>>
          %dma_start3A_207 = arith.constant 0 : i32
          %dma_start3A_208 = arith.constant 0 : i32
          %dma_start3A_209 = tpu.memref_slice %arg2[%dma_start3A_207, %dma_start3A_208] : memref<50048x32xf32, #tpu.memory_space<hbm>> -> memref<50048x32xf32, #tpu.memory_space<hbm>>
          tpu.enqueue_indirect_dma source(%dma_start3A_209 : memref<50048x32xf32, #tpu.memory_space<hbm>>) target(%arg10 : memref<128x32xf32, #tpu.memory_space<vmem>>) offsets(%dma_start3A_206 : memref<128xi32, #tpu.memory_space<vmem>>) semaphore(%arg15 : memref<!tpu.dma_semaphore, #tpu.memory_space<semaphore_mem>>)
        } else {
        }
        %mul3A_112 = arith.constant 5 : i32
        %mul3A_113 = arith.muli %scan3A_93, %mul3A_112 : i32
        %add3A_114 = arith.constant 1 : i32
        %add3A_115 = arith.addi %mul3A_113, %add3A_114 : i32
        %dma_wait3A_116 = arith.constant 0 : i32
        %dma_wait3A_117 = tpu.memref_slice %arg8[%add3A_115, %dma_wait3A_116] : memref<40x128xi32, #tpu.memory_space<vmem>> -> memref<1x128xi32, #tpu.memory_space<vmem>>
        %dma_wait3A_118 = tpu.memref_squeeze %dma_wait3A_117 : memref<1x128xi32, #tpu.memory_space<vmem>> -> memref<128xi32, #tpu.memory_space<vmem>>
        %dma_wait3A_119 = arith.constant 0 : i32
        %dma_wait3A_120 = arith.constant 0 : i32
        %dma_wait3A_121 = tpu.memref_slice %arg2[%dma_wait3A_119, %dma_wait3A_120] : memref<50048x32xf32, #tpu.memory_space<hbm>> -> memref<50048x32xf32, #tpu.memory_space<hbm>>
        tpu.wait_indirect_dma semaphore(%arg16 : memref<!tpu.dma_semaphore, #tpu.memory_space<semaphore_mem>>) src(%dma_wait3A_121 : memref<50048x32xf32, #tpu.memory_space<hbm>>) dst(%arg11 : memref<128x32xf32, #tpu.memory_space<vmem>>)
        %dma_start3A_122 = arith.constant 0 : i32
        %dma_start3A_123 = tpu.memref_slice %arg9[%add3A_115, %dma_start3A_122] : memref<40x128xi32, #tpu.memory_space<vmem>> -> memref<1x128xi32, #tpu.memory_space<vmem>>
        %dma_start3A_124 = tpu.memref_squeeze %dma_start3A_123 : memref<1x128xi32, #tpu.memory_space<vmem>> -> memref<128xi32, #tpu.memory_space<vmem>>
        %dma_start3A_125 = arith.constant 0 : i32
        %dma_start3A_126 = arith.constant 0 : i32
        %dma_start3A_127 = tpu.memref_slice %arg7[%dma_start3A_125, %dma_start3A_126] : memref<50048x32xf32, #tpu.memory_space<vmem_shared>> -> memref<50048x32xf32, #tpu.memory_space<vmem_shared>>
        tpu.enqueue_indirect_dma source(%arg11 : memref<128x32xf32, #tpu.memory_space<vmem>>) target(%dma_start3A_127 : memref<50048x32xf32, #tpu.memory_space<vmem_shared>>) offsets(%dma_start3A_124 : memref<128xi32, #tpu.memory_space<vmem>>) semaphore(%arg21 : memref<!tpu.dma_semaphore, #tpu.memory_space<semaphore_mem>>) {add = true}
        %lt3A_128 = arith.constant 7 : i32
        %lt3A_129 = arith.cmpi slt, %scan3A_93, %lt3A_128 : i32
        %convert_element_type3A_130 = arith.extui %lt3A_129 : i1 to i32
        %cond3A_131 = arith.constant 0 : i32
        %cond3A_132 = arith.cmpi ne, %convert_element_type3A_130, %cond3A_131 : i32
        scf.if %cond3A_132 {
          %dma_wait3A_196 = arith.constant 0 : i32
          %dma_wait3A_197 = tpu.memref_slice %arg9[%add3A_115, %dma_wait3A_196] : memref<40x128xi32, #tpu.memory_space<vmem>> -> memref<1x128xi32, #tpu.memory_space<vmem>>
          %dma_wait3A_198 = tpu.memref_squeeze %dma_wait3A_197 : memref<1x128xi32, #tpu.memory_space<vmem>> -> memref<128xi32, #tpu.memory_space<vmem>>
          %dma_wait3A_199 = arith.constant 0 : i32
          %dma_wait3A_200 = arith.constant 0 : i32
          %dma_wait3A_201 = tpu.memref_slice %arg7[%dma_wait3A_199, %dma_wait3A_200] : memref<50048x32xf32, #tpu.memory_space<vmem_shared>> -> memref<50048x32xf32, #tpu.memory_space<vmem_shared>>
          tpu.wait_indirect_dma semaphore(%arg21 : memref<!tpu.dma_semaphore, #tpu.memory_space<semaphore_mem>>) src(%arg11 : memref<128x32xf32, #tpu.memory_space<vmem>>) dst(%dma_wait3A_201 : memref<50048x32xf32, #tpu.memory_space<vmem_shared>>)
          %add3A_202 = arith.constant 5 : i32
          %add3A_203 = arith.addi %add3A_115, %add3A_202 : i32
          %dma_start3A_204 = arith.constant 0 : i32
          %dma_start3A_205 = tpu.memref_slice %arg8[%add3A_203, %dma_start3A_204] : memref<40x128xi32, #tpu.memory_space<vmem>> -> memref<1x128xi32, #tpu.memory_space<vmem>>
          %dma_start3A_206 = tpu.memref_squeeze %dma_start3A_205 : memref<1x128xi32, #tpu.memory_space<vmem>> -> memref<128xi32, #tpu.memory_space<vmem>>
          %dma_start3A_207 = arith.constant 0 : i32
          %dma_start3A_208 = arith.constant 0 : i32
          %dma_start3A_209 = tpu.memref_slice %arg2[%dma_start3A_207, %dma_start3A_208] : memref<50048x32xf32, #tpu.memory_space<hbm>> -> memref<50048x32xf32, #tpu.memory_space<hbm>>
          tpu.enqueue_indirect_dma source(%dma_start3A_209 : memref<50048x32xf32, #tpu.memory_space<hbm>>) target(%arg11 : memref<128x32xf32, #tpu.memory_space<vmem>>) offsets(%dma_start3A_206 : memref<128xi32, #tpu.memory_space<vmem>>) semaphore(%arg16 : memref<!tpu.dma_semaphore, #tpu.memory_space<semaphore_mem>>)
        } else {
        }
        %mul3A_133 = arith.constant 5 : i32
        %mul3A_134 = arith.muli %scan3A_93, %mul3A_133 : i32
        %add3A_135 = arith.constant 2 : i32
        %add3A_136 = arith.addi %mul3A_134, %add3A_135 : i32
        %dma_wait3A_137 = arith.constant 0 : i32
        %dma_wait3A_138 = tpu.memref_slice %arg8[%add3A_136, %dma_wait3A_137] : memref<40x128xi32, #tpu.memory_space<vmem>> -> memref<1x128xi32, #tpu.memory_space<vmem>>
        %dma_wait3A_139 = tpu.memref_squeeze %dma_wait3A_138 : memref<1x128xi32, #tpu.memory_space<vmem>> -> memref<128xi32, #tpu.memory_space<vmem>>
        %dma_wait3A_140 = arith.constant 0 : i32
        %dma_wait3A_141 = arith.constant 0 : i32
        %dma_wait3A_142 = tpu.memref_slice %arg2[%dma_wait3A_140, %dma_wait3A_141] : memref<50048x32xf32, #tpu.memory_space<hbm>> -> memref<50048x32xf32, #tpu.memory_space<hbm>>
        tpu.wait_indirect_dma semaphore(%arg17 : memref<!tpu.dma_semaphore, #tpu.memory_space<semaphore_mem>>) src(%dma_wait3A_142 : memref<50048x32xf32, #tpu.memory_space<hbm>>) dst(%arg12 : memref<128x32xf32, #tpu.memory_space<vmem>>)
        %dma_start3A_143 = arith.constant 0 : i32
        %dma_start3A_144 = tpu.memref_slice %arg9[%add3A_136, %dma_start3A_143] : memref<40x128xi32, #tpu.memory_space<vmem>> -> memref<1x128xi32, #tpu.memory_space<vmem>>
        %dma_start3A_145 = tpu.memref_squeeze %dma_start3A_144 : memref<1x128xi32, #tpu.memory_space<vmem>> -> memref<128xi32, #tpu.memory_space<vmem>>
        %dma_start3A_146 = arith.constant 0 : i32
        %dma_start3A_147 = arith.constant 0 : i32
        %dma_start3A_148 = tpu.memref_slice %arg7[%dma_start3A_146, %dma_start3A_147] : memref<50048x32xf32, #tpu.memory_space<vmem_shared>> -> memref<50048x32xf32, #tpu.memory_space<vmem_shared>>
        tpu.enqueue_indirect_dma source(%arg12 : memref<128x32xf32, #tpu.memory_space<vmem>>) target(%dma_start3A_148 : memref<50048x32xf32, #tpu.memory_space<vmem_shared>>) offsets(%dma_start3A_145 : memref<128xi32, #tpu.memory_space<vmem>>) semaphore(%arg22 : memref<!tpu.dma_semaphore, #tpu.memory_space<semaphore_mem>>) {add = true}
        %lt3A_149 = arith.constant 7 : i32
        %lt3A_150 = arith.cmpi slt, %scan3A_93, %lt3A_149 : i32
        %convert_element_type3A_151 = arith.extui %lt3A_150 : i1 to i32
        %cond3A_152 = arith.constant 0 : i32
        %cond3A_153 = arith.cmpi ne, %convert_element_type3A_151, %cond3A_152 : i32
        scf.if %cond3A_153 {
          %dma_wait3A_196 = arith.constant 0 : i32
          %dma_wait3A_197 = tpu.memref_slice %arg9[%add3A_136, %dma_wait3A_196] : memref<40x128xi32, #tpu.memory_space<vmem>> -> memref<1x128xi32, #tpu.memory_space<vmem>>
          %dma_wait3A_198 = tpu.memref_squeeze %dma_wait3A_197 : memref<1x128xi32, #tpu.memory_space<vmem>> -> memref<128xi32, #tpu.memory_space<vmem>>
          %dma_wait3A_199 = arith.constant 0 : i32
          %dma_wait3A_200 = arith.constant 0 : i32
          %dma_wait3A_201 = tpu.memref_slice %arg7[%dma_wait3A_199, %dma_wait3A_200] : memref<50048x32xf32, #tpu.memory_space<vmem_shared>> -> memref<50048x32xf32, #tpu.memory_space<vmem_shared>>
          tpu.wait_indirect_dma semaphore(%arg22 : memref<!tpu.dma_semaphore, #tpu.memory_space<semaphore_mem>>) src(%arg12 : memref<128x32xf32, #tpu.memory_space<vmem>>) dst(%dma_wait3A_201 : memref<50048x32xf32, #tpu.memory_space<vmem_shared>>)
          %add3A_202 = arith.constant 5 : i32
          %add3A_203 = arith.addi %add3A_136, %add3A_202 : i32
          %dma_start3A_204 = arith.constant 0 : i32
          %dma_start3A_205 = tpu.memref_slice %arg8[%add3A_203, %dma_start3A_204] : memref<40x128xi32, #tpu.memory_space<vmem>> -> memref<1x128xi32, #tpu.memory_space<vmem>>
          %dma_start3A_206 = tpu.memref_squeeze %dma_start3A_205 : memref<1x128xi32, #tpu.memory_space<vmem>> -> memref<128xi32, #tpu.memory_space<vmem>>
          %dma_start3A_207 = arith.constant 0 : i32
          %dma_start3A_208 = arith.constant 0 : i32
          %dma_start3A_209 = tpu.memref_slice %arg2[%dma_start3A_207, %dma_start3A_208] : memref<50048x32xf32, #tpu.memory_space<hbm>> -> memref<50048x32xf32, #tpu.memory_space<hbm>>
          tpu.enqueue_indirect_dma source(%dma_start3A_209 : memref<50048x32xf32, #tpu.memory_space<hbm>>) target(%arg12 : memref<128x32xf32, #tpu.memory_space<vmem>>) offsets(%dma_start3A_206 : memref<128xi32, #tpu.memory_space<vmem>>) semaphore(%arg17 : memref<!tpu.dma_semaphore, #tpu.memory_space<semaphore_mem>>)
        } else {
        }
        %mul3A_154 = arith.constant 5 : i32
        %mul3A_155 = arith.muli %scan3A_93, %mul3A_154 : i32
        %add3A_156 = arith.constant 3 : i32
        %add3A_157 = arith.addi %mul3A_155, %add3A_156 : i32
        %dma_wait3A_158 = arith.constant 0 : i32
        %dma_wait3A_159 = tpu.memref_slice %arg8[%add3A_157, %dma_wait3A_158] : memref<40x128xi32, #tpu.memory_space<vmem>> -> memref<1x128xi32, #tpu.memory_space<vmem>>
        %dma_wait3A_160 = tpu.memref_squeeze %dma_wait3A_159 : memref<1x128xi32, #tpu.memory_space<vmem>> -> memref<128xi32, #tpu.memory_space<vmem>>
        %dma_wait3A_161 = arith.constant 0 : i32
        %dma_wait3A_162 = arith.constant 0 : i32
        %dma_wait3A_163 = tpu.memref_slice %arg2[%dma_wait3A_161, %dma_wait3A_162] : memref<50048x32xf32, #tpu.memory_space<hbm>> -> memref<50048x32xf32, #tpu.memory_space<hbm>>
        tpu.wait_indirect_dma semaphore(%arg18 : memref<!tpu.dma_semaphore, #tpu.memory_space<semaphore_mem>>) src(%dma_wait3A_163 : memref<50048x32xf32, #tpu.memory_space<hbm>>) dst(%arg13 : memref<128x32xf32, #tpu.memory_space<vmem>>)
        %dma_start3A_164 = arith.constant 0 : i32
        %dma_start3A_165 = tpu.memref_slice %arg9[%add3A_157, %dma_start3A_164] : memref<40x128xi32, #tpu.memory_space<vmem>> -> memref<1x128xi32, #tpu.memory_space<vmem>>
        %dma_start3A_166 = tpu.memref_squeeze %dma_start3A_165 : memref<1x128xi32, #tpu.memory_space<vmem>> -> memref<128xi32, #tpu.memory_space<vmem>>
        %dma_start3A_167 = arith.constant 0 : i32
        %dma_start3A_168 = arith.constant 0 : i32
        %dma_start3A_169 = tpu.memref_slice %arg7[%dma_start3A_167, %dma_start3A_168] : memref<50048x32xf32, #tpu.memory_space<vmem_shared>> -> memref<50048x32xf32, #tpu.memory_space<vmem_shared>>
        tpu.enqueue_indirect_dma source(%arg13 : memref<128x32xf32, #tpu.memory_space<vmem>>) target(%dma_start3A_169 : memref<50048x32xf32, #tpu.memory_space<vmem_shared>>) offsets(%dma_start3A_166 : memref<128xi32, #tpu.memory_space<vmem>>) semaphore(%arg23 : memref<!tpu.dma_semaphore, #tpu.memory_space<semaphore_mem>>) {add = true}
        %lt3A_170 = arith.constant 7 : i32
        %lt3A_171 = arith.cmpi slt, %scan3A_93, %lt3A_170 : i32
        %convert_element_type3A_172 = arith.extui %lt3A_171 : i1 to i32
        %cond3A_173 = arith.constant 0 : i32
        %cond3A_174 = arith.cmpi ne, %convert_element_type3A_172, %cond3A_173 : i32
        scf.if %cond3A_174 {
          %dma_wait3A_196 = arith.constant 0 : i32
          %dma_wait3A_197 = tpu.memref_slice %arg9[%add3A_157, %dma_wait3A_196] : memref<40x128xi32, #tpu.memory_space<vmem>> -> memref<1x128xi32, #tpu.memory_space<vmem>>
          %dma_wait3A_198 = tpu.memref_squeeze %dma_wait3A_197 : memref<1x128xi32, #tpu.memory_space<vmem>> -> memref<128xi32, #tpu.memory_space<vmem>>
          %dma_wait3A_199 = arith.constant 0 : i32
          %dma_wait3A_200 = arith.constant 0 : i32
          %dma_wait3A_201 = tpu.memref_slice %arg7[%dma_wait3A_199, %dma_wait3A_200] : memref<50048x32xf32, #tpu.memory_space<vmem_shared>> -> memref<50048x32xf32, #tpu.memory_space<vmem_shared>>
          tpu.wait_indirect_dma semaphore(%arg23 : memref<!tpu.dma_semaphore, #tpu.memory_space<semaphore_mem>>) src(%arg13 : memref<128x32xf32, #tpu.memory_space<vmem>>) dst(%dma_wait3A_201 : memref<50048x32xf32, #tpu.memory_space<vmem_shared>>)
          %add3A_202 = arith.constant 5 : i32
          %add3A_203 = arith.addi %add3A_157, %add3A_202 : i32
          %dma_start3A_204 = arith.constant 0 : i32
          %dma_start3A_205 = tpu.memref_slice %arg8[%add3A_203, %dma_start3A_204] : memref<40x128xi32, #tpu.memory_space<vmem>> -> memref<1x128xi32, #tpu.memory_space<vmem>>
          %dma_start3A_206 = tpu.memref_squeeze %dma_start3A_205 : memref<1x128xi32, #tpu.memory_space<vmem>> -> memref<128xi32, #tpu.memory_space<vmem>>
          %dma_start3A_207 = arith.constant 0 : i32
          %dma_start3A_208 = arith.constant 0 : i32
          %dma_start3A_209 = tpu.memref_slice %arg2[%dma_start3A_207, %dma_start3A_208] : memref<50048x32xf32, #tpu.memory_space<hbm>> -> memref<50048x32xf32, #tpu.memory_space<hbm>>
          tpu.enqueue_indirect_dma source(%dma_start3A_209 : memref<50048x32xf32, #tpu.memory_space<hbm>>) target(%arg13 : memref<128x32xf32, #tpu.memory_space<vmem>>) offsets(%dma_start3A_206 : memref<128xi32, #tpu.memory_space<vmem>>) semaphore(%arg18 : memref<!tpu.dma_semaphore, #tpu.memory_space<semaphore_mem>>)
        } else {
        }
        %mul3A_175 = arith.constant 5 : i32
        %mul3A_176 = arith.muli %scan3A_93, %mul3A_175 : i32
        %add3A_177 = arith.constant 4 : i32
        %add3A_178 = arith.addi %mul3A_176, %add3A_177 : i32
        %dma_wait3A_179 = arith.constant 0 : i32
        %dma_wait3A_180 = tpu.memref_slice %arg8[%add3A_178, %dma_wait3A_179] : memref<40x128xi32, #tpu.memory_space<vmem>> -> memref<1x128xi32, #tpu.memory_space<vmem>>
        %dma_wait3A_181 = tpu.memref_squeeze %dma_wait3A_180 : memref<1x128xi32, #tpu.memory_space<vmem>> -> memref<128xi32, #tpu.memory_space<vmem>>
        %dma_wait3A_182 = arith.constant 0 : i32
        %dma_wait3A_183 = arith.constant 0 : i32
        %dma_wait3A_184 = tpu.memref_slice %arg2[%dma_wait3A_182, %dma_wait3A_183] : memref<50048x32xf32, #tpu.memory_space<hbm>> -> memref<50048x32xf32, #tpu.memory_space<hbm>>
        tpu.wait_indirect_dma semaphore(%arg19 : memref<!tpu.dma_semaphore, #tpu.memory_space<semaphore_mem>>) src(%dma_wait3A_184 : memref<50048x32xf32, #tpu.memory_space<hbm>>) dst(%arg14 : memref<128x32xf32, #tpu.memory_space<vmem>>)
        %dma_start3A_185 = arith.constant 0 : i32
        %dma_start3A_186 = tpu.memref_slice %arg9[%add3A_178, %dma_start3A_185] : memref<40x128xi32, #tpu.memory_space<vmem>> -> memref<1x128xi32, #tpu.memory_space<vmem>>
        %dma_start3A_187 = tpu.memref_squeeze %dma_start3A_186 : memref<1x128xi32, #tpu.memory_space<vmem>> -> memref<128xi32, #tpu.memory_space<vmem>>
        %dma_start3A_188 = arith.constant 0 : i32
        %dma_start3A_189 = arith.constant 0 : i32
        %dma_start3A_190 = tpu.memref_slice %arg7[%dma_start3A_188, %dma_start3A_189] : memref<50048x32xf32, #tpu.memory_space<vmem_shared>> -> memref<50048x32xf32, #tpu.memory_space<vmem_shared>>
        tpu.enqueue_indirect_dma source(%arg14 : memref<128x32xf32, #tpu.memory_space<vmem>>) target(%dma_start3A_190 : memref<50048x32xf32, #tpu.memory_space<vmem_shared>>) offsets(%dma_start3A_187 : memref<128xi32, #tpu.memory_space<vmem>>) semaphore(%arg24 : memref<!tpu.dma_semaphore, #tpu.memory_space<semaphore_mem>>) {add = true}
        %lt3A_191 = arith.constant 7 : i32
        %lt3A_192 = arith.cmpi slt, %scan3A_93, %lt3A_191 : i32
        %convert_element_type3A_193 = arith.extui %lt3A_192 : i1 to i32
        %cond3A_194 = arith.constant 0 : i32
        %cond3A_195 = arith.cmpi ne, %convert_element_type3A_193, %cond3A_194 : i32
        scf.if %cond3A_195 {
          %dma_wait3A_196 = arith.constant 0 : i32
          %dma_wait3A_197 = tpu.memref_slice %arg9[%add3A_178, %dma_wait3A_196] : memref<40x128xi32, #tpu.memory_space<vmem>> -> memref<1x128xi32, #tpu.memory_space<vmem>>
          %dma_wait3A_198 = tpu.memref_squeeze %dma_wait3A_197 : memref<1x128xi32, #tpu.memory_space<vmem>> -> memref<128xi32, #tpu.memory_space<vmem>>
          %dma_wait3A_199 = arith.constant 0 : i32
          %dma_wait3A_200 = arith.constant 0 : i32
          %dma_wait3A_201 = tpu.memref_slice %arg7[%dma_wait3A_199, %dma_wait3A_200] : memref<50048x32xf32, #tpu.memory_space<vmem_shared>> -> memref<50048x32xf32, #tpu.memory_space<vmem_shared>>
          tpu.wait_indirect_dma semaphore(%arg24 : memref<!tpu.dma_semaphore, #tpu.memory_space<semaphore_mem>>) src(%arg14 : memref<128x32xf32, #tpu.memory_space<vmem>>) dst(%dma_wait3A_201 : memref<50048x32xf32, #tpu.memory_space<vmem_shared>>)
          %add3A_202 = arith.constant 5 : i32
          %add3A_203 = arith.addi %add3A_178, %add3A_202 : i32
          %dma_start3A_204 = arith.constant 0 : i32
          %dma_start3A_205 = tpu.memref_slice %arg8[%add3A_203, %dma_start3A_204] : memref<40x128xi32, #tpu.memory_space<vmem>> -> memref<1x128xi32, #tpu.memory_space<vmem>>
          %dma_start3A_206 = tpu.memref_squeeze %dma_start3A_205 : memref<1x128xi32, #tpu.memory_space<vmem>> -> memref<128xi32, #tpu.memory_space<vmem>>
          %dma_start3A_207 = arith.constant 0 : i32
          %dma_start3A_208 = arith.constant 0 : i32
          %dma_start3A_209 = tpu.memref_slice %arg2[%dma_start3A_207, %dma_start3A_208] : memref<50048x32xf32, #tpu.memory_space<hbm>> -> memref<50048x32xf32, #tpu.memory_space<hbm>>
          tpu.enqueue_indirect_dma source(%dma_start3A_209 : memref<50048x32xf32, #tpu.memory_space<hbm>>) target(%arg14 : memref<128x32xf32, #tpu.memory_space<vmem>>) offsets(%dma_start3A_206 : memref<128xi32, #tpu.memory_space<vmem>>) semaphore(%arg19 : memref<!tpu.dma_semaphore, #tpu.memory_space<semaphore_mem>>)
        } else {
        }
      }
      %scan3A_58 = arith.constant 8 : i32
      %dma_wait3A = arith.constant 0 : i32
      %dma_wait3A_59 = arith.constant 0 : i32
      %dma_wait3A_60 = tpu.memref_slice %arg9[%dma_wait3A, %dma_wait3A_59] : memref<40x128xi32, #tpu.memory_space<vmem>> -> memref<1x128xi32, #tpu.memory_space<vmem>>
      %dma_wait3A_61 = tpu.memref_squeeze %dma_wait3A_60 : memref<1x128xi32, #tpu.memory_space<vmem>> -> memref<128xi32, #tpu.memory_space<vmem>>
      %dma_wait3A_62 = arith.constant 0 : i32
      %dma_wait3A_63 = arith.constant 0 : i32
      %dma_wait3A_64 = tpu.memref_slice %arg7[%dma_wait3A_62, %dma_wait3A_63] : memref<50048x32xf32, #tpu.memory_space<vmem_shared>> -> memref<50048x32xf32, #tpu.memory_space<vmem_shared>>
      tpu.wait_indirect_dma semaphore(%arg20 : memref<!tpu.dma_semaphore, #tpu.memory_space<semaphore_mem>>) src(%arg10 : memref<128x32xf32, #tpu.memory_space<vmem>>) dst(%dma_wait3A_64 : memref<50048x32xf32, #tpu.memory_space<vmem_shared>>)
      %dma_wait3A_65 = arith.constant 1 : i32
      %dma_wait3A_66 = arith.constant 0 : i32
      %dma_wait3A_67 = tpu.memref_slice %arg9[%dma_wait3A_65, %dma_wait3A_66] : memref<40x128xi32, #tpu.memory_space<vmem>> -> memref<1x128xi32, #tpu.memory_space<vmem>>
      %dma_wait3A_68 = tpu.memref_squeeze %dma_wait3A_67 : memref<1x128xi32, #tpu.memory_space<vmem>> -> memref<128xi32, #tpu.memory_space<vmem>>
      %dma_wait3A_69 = arith.constant 0 : i32
      %dma_wait3A_70 = arith.constant 0 : i32
      %dma_wait3A_71 = tpu.memref_slice %arg7[%dma_wait3A_69, %dma_wait3A_70] : memref<50048x32xf32, #tpu.memory_space<vmem_shared>> -> memref<50048x32xf32, #tpu.memory_space<vmem_shared>>
      tpu.wait_indirect_dma semaphore(%arg21 : memref<!tpu.dma_semaphore, #tpu.memory_space<semaphore_mem>>) src(%arg11 : memref<128x32xf32, #tpu.memory_space<vmem>>) dst(%dma_wait3A_71 : memref<50048x32xf32, #tpu.memory_space<vmem_shared>>)
      %dma_wait3A_72 = arith.constant 2 : i32
      %dma_wait3A_73 = arith.constant 0 : i32
      %dma_wait3A_74 = tpu.memref_slice %arg9[%dma_wait3A_72, %dma_wait3A_73] : memref<40x128xi32, #tpu.memory_space<vmem>> -> memref<1x128xi32, #tpu.memory_space<vmem>>
      %dma_wait3A_75 = tpu.memref_squeeze %dma_wait3A_74 : memref<1x128xi32, #tpu.memory_space<vmem>> -> memref<128xi32, #tpu.memory_space<vmem>>
      %dma_wait3A_76 = arith.constant 0 : i32
      %dma_wait3A_77 = arith.constant 0 : i32
      %dma_wait3A_78 = tpu.memref_slice %arg7[%dma_wait3A_76, %dma_wait3A_77] : memref<50048x32xf32, #tpu.memory_space<vmem_shared>> -> memref<50048x32xf32, #tpu.memory_space<vmem_shared>>
      tpu.wait_indirect_dma semaphore(%arg22 : memref<!tpu.dma_semaphore, #tpu.memory_space<semaphore_mem>>) src(%arg12 : memref<128x32xf32, #tpu.memory_space<vmem>>) dst(%dma_wait3A_78 : memref<50048x32xf32, #tpu.memory_space<vmem_shared>>)
      %dma_wait3A_79 = arith.constant 3 : i32
      %dma_wait3A_80 = arith.constant 0 : i32
      %dma_wait3A_81 = tpu.memref_slice %arg9[%dma_wait3A_79, %dma_wait3A_80] : memref<40x128xi32, #tpu.memory_space<vmem>> -> memref<1x128xi32, #tpu.memory_space<vmem>>
      %dma_wait3A_82 = tpu.memref_squeeze %dma_wait3A_81 : memref<1x128xi32, #tpu.memory_space<vmem>> -> memref<128xi32, #tpu.memory_space<vmem>>
      %dma_wait3A_83 = arith.constant 0 : i32
      %dma_wait3A_84 = arith.constant 0 : i32
      %dma_wait3A_85 = tpu.memref_slice %arg7[%dma_wait3A_83, %dma_wait3A_84] : memref<50048x32xf32, #tpu.memory_space<vmem_shared>> -> memref<50048x32xf32, #tpu.memory_space<vmem_shared>>
      tpu.wait_indirect_dma semaphore(%arg23 : memref<!tpu.dma_semaphore, #tpu.memory_space<semaphore_mem>>) src(%arg13 : memref<128x32xf32, #tpu.memory_space<vmem>>) dst(%dma_wait3A_85 : memref<50048x32xf32, #tpu.memory_space<vmem_shared>>)
      %dma_wait3A_86 = arith.constant 4 : i32
      %dma_wait3A_87 = arith.constant 0 : i32
      %dma_wait3A_88 = tpu.memref_slice %arg9[%dma_wait3A_86, %dma_wait3A_87] : memref<40x128xi32, #tpu.memory_space<vmem>> -> memref<1x128xi32, #tpu.memory_space<vmem>>
      %dma_wait3A_89 = tpu.memref_squeeze %dma_wait3A_88 : memref<1x128xi32, #tpu.memory_space<vmem>> -> memref<128xi32, #tpu.memory_space<vmem>>
      %dma_wait3A_90 = arith.constant 0 : i32
      %dma_wait3A_91 = arith.constant 0 : i32
      %dma_wait3A_92 = tpu.memref_slice %arg7[%dma_wait3A_90, %dma_wait3A_91] : memref<50048x32xf32, #tpu.memory_space<vmem_shared>> -> memref<50048x32xf32, #tpu.memory_space<vmem_shared>>
      tpu.wait_indirect_dma semaphore(%arg24 : memref<!tpu.dma_semaphore, #tpu.memory_space<semaphore_mem>>) src(%arg14 : memref<128x32xf32, #tpu.memory_space<vmem>>) dst(%dma_wait3A_92 : memref<50048x32xf32, #tpu.memory_space<vmem_shared>>)
    }
    %scan3A_7 = arith.constant 5 : i32
    %barrier3A_8 = arith.constant 0 : index
    tpu.barrier barrier_id(%barrier3A_8)
    %mul3A_9 = arith.constant 3128 : i32
    %mul3A_10 = arith.muli %arg1, %mul3A_9 : i32
    %mul3A_11 = arith.constant 3128 : i32
    %mul3A_12 = arith.muli %arg1, %mul3A_11 : i32
    "tpu.region"() ({
      %run_scoped3A = tpu.sem_alloc : memref<!tpu.dma_semaphore, #tpu.memory_space<semaphore_mem>>
      %dma_start3A = arith.constant 0 : i32
      %dma_start3A_13 = arith.constant 0 : i32
      %dma_start3A_14 = tpu.memref_slice %arg6[%arg0, %dma_start3A, %dma_start3A_13] : memref<2x50048x32xf32, #tpu.memory_space<hbm>> -> memref<1x50048x32xf32, #tpu.memory_space<hbm>>
      %dma_start3A_15 = tpu.memref_squeeze %dma_start3A_14 : memref<1x50048x32xf32, #tpu.memory_space<hbm>> -> memref<50048x32xf32, #tpu.memory_space<hbm>>
      %dma_start3A_16 = arith.constant 0 : i32
      %dma_start3A_17 = tpu.memref_slice %dma_start3A_15[%mul3A_12, %dma_start3A_16] : memref<50048x32xf32, #tpu.memory_space<hbm>> -> memref<3128x32xf32, #tpu.memory_space<hbm>>
      %dma_start3A_18 = arith.constant 0 : i32
      %dma_start3A_19 = tpu.memref_slice %arg7[%mul3A_10, %dma_start3A_18] : memref<50048x32xf32, #tpu.memory_space<vmem_shared>> -> memref<3128x32xf32, #tpu.memory_space<vmem_shared>>
      tpu.enqueue_dma source(%dma_start3A_19 : memref<3128x32xf32, #tpu.memory_space<vmem_shared>>) target(%dma_start3A_17 : memref<3128x32xf32, #tpu.memory_space<hbm>>) target_semaphore(%run_scoped3A : memref<!tpu.dma_semaphore, #tpu.memory_space<semaphore_mem>>)
      %dma_wait3A = arith.constant 0 : i32
      %dma_wait3A_20 = arith.constant 0 : i32
      %dma_wait3A_21 = tpu.memref_slice %arg6[%arg0, %dma_wait3A, %dma_wait3A_20] : memref<2x50048x32xf32, #tpu.memory_space<hbm>> -> memref<1x50048x32xf32, #tpu.memory_space<hbm>>
      %dma_wait3A_22 = tpu.memref_squeeze %dma_wait3A_21 : memref<1x50048x32xf32, #tpu.memory_space<hbm>> -> memref<50048x32xf32, #tpu.memory_space<hbm>>
      %dma_wait3A_23 = arith.constant 0 : i32
      %dma_wait3A_24 = tpu.memref_slice %dma_wait3A_22[%mul3A_12, %dma_wait3A_23] : memref<50048x32xf32, #tpu.memory_space<hbm>> -> memref<3128x32xf32, #tpu.memory_space<hbm>>
      %dma_wait3A_25 = arith.constant 0 : i32
      %dma_wait3A_26 = tpu.memref_slice %arg7[%mul3A_10, %dma_wait3A_25] : memref<50048x32xf32, #tpu.memory_space<vmem_shared>> -> memref<3128x32xf32, #tpu.memory_space<vmem_shared>>
      tpu.wait_dma2 semaphore(%run_scoped3A : memref<!tpu.dma_semaphore, #tpu.memory_space<semaphore_mem>>) src(%dma_wait3A_26 : memref<3128x32xf32, #tpu.memory_space<vmem_shared>>) dst(%dma_wait3A_24 : memref<3128x32xf32, #tpu.memory_space<hbm>>)
      tpu.yield
    }) : () -> ()
    return
  }
}

#map = affine_map<(d0, d1) -> (0, 0, 0)>
#map1 = affine_map<(d0, d1) -> (0, 0)>
module attributes {stable_mosaic.version = 14 : i64} {
  func.func @_sc_ea_scatter(%arg0: i32, %arg1: i32, %arg2: memref<6400x128x8xf32, #tpu.memory_space<hbm>>, %arg3: memref<6400x128xi32, #tpu.memory_space<hbm>>, %arg4: memref<3128x8xf32, #tpu.memory_space<hbm>>, %arg5: memref<2x50048x8xf32, #tpu.memory_space<hbm>>, %arg6: memref<50048x8xf32, #tpu.memory_space<vmem_shared>>, %arg7: memref<40x128xi32, #tpu.memory_space<vmem>>, %arg8: memref<128x8xf32, #tpu.memory_space<vmem>>, %arg9: memref<128x8xf32, #tpu.memory_space<vmem>>, %arg10: memref<128x8xf32, #tpu.memory_space<vmem>>, %arg11: memref<128x8xf32, #tpu.memory_space<vmem>>, %arg12: memref<128x8xf32, #tpu.memory_space<vmem>>, %arg13: memref<!tpu.dma_semaphore, #tpu.memory_space<semaphore_mem>>, %arg14: memref<!tpu.dma_semaphore, #tpu.memory_space<semaphore_mem>>, %arg15: memref<!tpu.dma_semaphore, #tpu.memory_space<semaphore_mem>>, %arg16: memref<!tpu.dma_semaphore, #tpu.memory_space<semaphore_mem>>, %arg17: memref<!tpu.dma_semaphore, #tpu.memory_space<semaphore_mem>>, %arg18: memref<!tpu.dma_semaphore, #tpu.memory_space<semaphore_mem>>, %arg19: memref<!tpu.dma_semaphore, #tpu.memory_space<semaphore_mem>>, %arg20: memref<!tpu.dma_semaphore, #tpu.memory_space<semaphore_mem>>, %arg21: memref<!tpu.dma_semaphore, #tpu.memory_space<semaphore_mem>>, %arg22: memref<!tpu.dma_semaphore, #tpu.memory_space<semaphore_mem>>) attributes {dimension_semantics = [#tpu.dimension_semantics<core_parallel>, #tpu.dimension_semantics<subcore_parallel>], iteration_bounds = array<i64: 2, 16>, scalar_prefetch = 0 : i64, scratch_operands = 17 : i64, tpu.core_type = #tpu.core_type<sc_vector_subcore>, window_params = [{transform_indices = #map}, {transform_indices = #map1}, {transform_indices = #map1}, {transform_indices = #map}]} {
    %mul3A = arith.constant 16 : i32
    %mul3A_0 = arith.muli %arg0, %mul3A : i32
    %add3A = arith.addi %mul3A_0, %arg1 : i32
    %mul3A_1 = arith.constant 3128 : i32
    %mul3A_2 = arith.muli %arg1, %mul3A_1 : i32
    "tpu.region"() ({
      %run_scoped3A = tpu.sem_alloc : memref<!tpu.dma_semaphore, #tpu.memory_space<semaphore_mem>>
      %dma_start3A = arith.constant 0 : i32
      %dma_start3A_13 = tpu.memref_slice %arg6[%mul3A_2, %dma_start3A] : memref<50048x8xf32, #tpu.memory_space<vmem_shared>> -> memref<3128x8xf32, #tpu.memory_space<vmem_shared>>
      tpu.enqueue_dma source(%arg4 : memref<3128x8xf32, #tpu.memory_space<hbm>>) target(%dma_start3A_13 : memref<3128x8xf32, #tpu.memory_space<vmem_shared>>) target_semaphore(%run_scoped3A : memref<!tpu.dma_semaphore, #tpu.memory_space<semaphore_mem>>)
      %dma_wait3A = arith.constant 0 : i32
      %dma_wait3A_14 = tpu.memref_slice %arg6[%mul3A_2, %dma_wait3A] : memref<50048x8xf32, #tpu.memory_space<vmem_shared>> -> memref<3128x8xf32, #tpu.memory_space<vmem_shared>>
      tpu.wait_dma2 semaphore(%run_scoped3A : memref<!tpu.dma_semaphore, #tpu.memory_space<semaphore_mem>>) src(%arg4 : memref<3128x8xf32, #tpu.memory_space<hbm>>) dst(%dma_wait3A_14 : memref<3128x8xf32, #tpu.memory_space<vmem_shared>>)
      tpu.yield
    }) : () -> ()
    %barrier3A = arith.constant 0 : index
    tpu.barrier barrier_id(%barrier3A)
    %scan3A = arith.constant 0 : i32
    %scan3A_3 = arith.constant 0 : i32
    %scan3A_4 = arith.constant 5 : i32
    %scan3A_5 = arith.addi %scan3A_3, %scan3A_4 : i32
    %scan3A_6 = arith.constant 1 : i32
    scf.for %scan3A_13 = %scan3A_3 to %scan3A_5 step %scan3A_6  : i32 {
      %mul3A_14 = arith.constant 200 : i32
      %mul3A_15 = arith.muli %add3A, %mul3A_14 : i32
      %mul3A_16 = arith.constant 40 : i32
      %mul3A_17 = arith.muli %scan3A_13, %mul3A_16 : i32
      %add3A_18 = arith.addi %mul3A_15, %mul3A_17 : i32
      "tpu.region"() ({
        %run_scoped3A = tpu.sem_alloc : memref<!tpu.dma_semaphore, #tpu.memory_space<semaphore_mem>>
        %dma_start3A_108 = arith.constant 0 : i32
        %dma_start3A_109 = tpu.memref_slice %arg3[%add3A_18, %dma_start3A_108] : memref<6400x128xi32, #tpu.memory_space<hbm>> -> memref<40x128xi32, #tpu.memory_space<hbm>>
        %dma_start3A_110 = arith.constant 0 : i32
        %dma_start3A_111 = tpu.memref_slice %arg3[%add3A_18, %dma_start3A_110] : memref<6400x128xi32, #tpu.memory_space<hbm>> -> memref<40x128xi32, #tpu.memory_space<hbm>>
        tpu.enqueue_dma source(%dma_start3A_111 : memref<40x128xi32, #tpu.memory_space<hbm>>) target(%arg7 : memref<40x128xi32, #tpu.memory_space<vmem>>) target_semaphore(%run_scoped3A : memref<!tpu.dma_semaphore, #tpu.memory_space<semaphore_mem>>)
        %dma_wait3A_112 = arith.constant 0 : i32
        %dma_wait3A_113 = tpu.memref_slice %arg3[%add3A_18, %dma_wait3A_112] : memref<6400x128xi32, #tpu.memory_space<hbm>> -> memref<40x128xi32, #tpu.memory_space<hbm>>
        %dma_wait3A_114 = arith.constant 0 : i32
        %dma_wait3A_115 = tpu.memref_slice %arg3[%add3A_18, %dma_wait3A_114] : memref<6400x128xi32, #tpu.memory_space<hbm>> -> memref<40x128xi32, #tpu.memory_space<hbm>>
        tpu.wait_dma2 semaphore(%run_scoped3A : memref<!tpu.dma_semaphore, #tpu.memory_space<semaphore_mem>>) src(%dma_wait3A_115 : memref<40x128xi32, #tpu.memory_space<hbm>>) dst(%arg7 : memref<40x128xi32, #tpu.memory_space<vmem>>)
        tpu.yield
      }) : () -> ()
      %add3A_19 = arith.constant 0 : i32
      %add3A_20 = arith.addi %add3A_18, %add3A_19 : i32
      %dma_start3A = arith.constant 0 : i32
      %dma_start3A_21 = arith.constant 0 : i32
      %dma_start3A_22 = tpu.memref_slice %arg2[%add3A_20, %dma_start3A, %dma_start3A_21] : memref<6400x128x8xf32, #tpu.memory_space<hbm>> -> memref<1x128x8xf32, #tpu.memory_space<hbm>>
      %dma_start3A_23 = tpu.memref_squeeze %dma_start3A_22 : memref<1x128x8xf32, #tpu.memory_space<hbm>> -> memref<128x8xf32, #tpu.memory_space<hbm>>
      %dma_start3A_24 = arith.constant 0 : i32
      %dma_start3A_25 = arith.constant 0 : i32
      %dma_start3A_26 = tpu.memref_slice %arg2[%add3A_20, %dma_start3A_24, %dma_start3A_25] : memref<6400x128x8xf32, #tpu.memory_space<hbm>> -> memref<1x128x8xf32, #tpu.memory_space<hbm>>
      %dma_start3A_27 = tpu.memref_squeeze %dma_start3A_26 : memref<1x128x8xf32, #tpu.memory_space<hbm>> -> memref<128x8xf32, #tpu.memory_space<hbm>>
      tpu.enqueue_dma source(%dma_start3A_27 : memref<128x8xf32, #tpu.memory_space<hbm>>) target(%arg8 : memref<128x8xf32, #tpu.memory_space<vmem>>) target_semaphore(%arg13 : memref<!tpu.dma_semaphore, #tpu.memory_space<semaphore_mem>>)
      %add3A_28 = arith.constant 1 : i32
      %add3A_29 = arith.addi %add3A_18, %add3A_28 : i32
      %dma_start3A_30 = arith.constant 0 : i32
      %dma_start3A_31 = arith.constant 0 : i32
      %dma_start3A_32 = tpu.memref_slice %arg2[%add3A_29, %dma_start3A_30, %dma_start3A_31] : memref<6400x128x8xf32, #tpu.memory_space<hbm>> -> memref<1x128x8xf32, #tpu.memory_space<hbm>>
      %dma_start3A_33 = tpu.memref_squeeze %dma_start3A_32 : memref<1x128x8xf32, #tpu.memory_space<hbm>> -> memref<128x8xf32, #tpu.memory_space<hbm>>
      %dma_start3A_34 = arith.constant 0 : i32
      %dma_start3A_35 = arith.constant 0 : i32
      %dma_start3A_36 = tpu.memref_slice %arg2[%add3A_29, %dma_start3A_34, %dma_start3A_35] : memref<6400x128x8xf32, #tpu.memory_space<hbm>> -> memref<1x128x8xf32, #tpu.memory_space<hbm>>
      %dma_start3A_37 = tpu.memref_squeeze %dma_start3A_36 : memref<1x128x8xf32, #tpu.memory_space<hbm>> -> memref<128x8xf32, #tpu.memory_space<hbm>>
      tpu.enqueue_dma source(%dma_start3A_37 : memref<128x8xf32, #tpu.memory_space<hbm>>) target(%arg9 : memref<128x8xf32, #tpu.memory_space<vmem>>) target_semaphore(%arg14 : memref<!tpu.dma_semaphore, #tpu.memory_space<semaphore_mem>>)
      %add3A_38 = arith.constant 2 : i32
      %add3A_39 = arith.addi %add3A_18, %add3A_38 : i32
      %dma_start3A_40 = arith.constant 0 : i32
      %dma_start3A_41 = arith.constant 0 : i32
      %dma_start3A_42 = tpu.memref_slice %arg2[%add3A_39, %dma_start3A_40, %dma_start3A_41] : memref<6400x128x8xf32, #tpu.memory_space<hbm>> -> memref<1x128x8xf32, #tpu.memory_space<hbm>>
      %dma_start3A_43 = tpu.memref_squeeze %dma_start3A_42 : memref<1x128x8xf32, #tpu.memory_space<hbm>> -> memref<128x8xf32, #tpu.memory_space<hbm>>
      %dma_start3A_44 = arith.constant 0 : i32
      %dma_start3A_45 = arith.constant 0 : i32
      %dma_start3A_46 = tpu.memref_slice %arg2[%add3A_39, %dma_start3A_44, %dma_start3A_45] : memref<6400x128x8xf32, #tpu.memory_space<hbm>> -> memref<1x128x8xf32, #tpu.memory_space<hbm>>
      %dma_start3A_47 = tpu.memref_squeeze %dma_start3A_46 : memref<1x128x8xf32, #tpu.memory_space<hbm>> -> memref<128x8xf32, #tpu.memory_space<hbm>>
      tpu.enqueue_dma source(%dma_start3A_47 : memref<128x8xf32, #tpu.memory_space<hbm>>) target(%arg10 : memref<128x8xf32, #tpu.memory_space<vmem>>) target_semaphore(%arg15 : memref<!tpu.dma_semaphore, #tpu.memory_space<semaphore_mem>>)
      %add3A_48 = arith.constant 3 : i32
      %add3A_49 = arith.addi %add3A_18, %add3A_48 : i32
      %dma_start3A_50 = arith.constant 0 : i32
      %dma_start3A_51 = arith.constant 0 : i32
      %dma_start3A_52 = tpu.memref_slice %arg2[%add3A_49, %dma_start3A_50, %dma_start3A_51] : memref<6400x128x8xf32, #tpu.memory_space<hbm>> -> memref<1x128x8xf32, #tpu.memory_space<hbm>>
      %dma_start3A_53 = tpu.memref_squeeze %dma_start3A_52 : memref<1x128x8xf32, #tpu.memory_space<hbm>> -> memref<128x8xf32, #tpu.memory_space<hbm>>
      %dma_start3A_54 = arith.constant 0 : i32
      %dma_start3A_55 = arith.constant 0 : i32
      %dma_start3A_56 = tpu.memref_slice %arg2[%add3A_49, %dma_start3A_54, %dma_start3A_55] : memref<6400x128x8xf32, #tpu.memory_space<hbm>> -> memref<1x128x8xf32, #tpu.memory_space<hbm>>
      %dma_start3A_57 = tpu.memref_squeeze %dma_start3A_56 : memref<1x128x8xf32, #tpu.memory_space<hbm>> -> memref<128x8xf32, #tpu.memory_space<hbm>>
      tpu.enqueue_dma source(%dma_start3A_57 : memref<128x8xf32, #tpu.memory_space<hbm>>) target(%arg11 : memref<128x8xf32, #tpu.memory_space<vmem>>) target_semaphore(%arg16 : memref<!tpu.dma_semaphore, #tpu.memory_space<semaphore_mem>>)
      %add3A_58 = arith.constant 4 : i32
      %add3A_59 = arith.addi %add3A_18, %add3A_58 : i32
      %dma_start3A_60 = arith.constant 0 : i32
      %dma_start3A_61 = arith.constant 0 : i32
      %dma_start3A_62 = tpu.memref_slice %arg2[%add3A_59, %dma_start3A_60, %dma_start3A_61] : memref<6400x128x8xf32, #tpu.memory_space<hbm>> -> memref<1x128x8xf32, #tpu.memory_space<hbm>>
      %dma_start3A_63 = tpu.memref_squeeze %dma_start3A_62 : memref<1x128x8xf32, #tpu.memory_space<hbm>> -> memref<128x8xf32, #tpu.memory_space<hbm>>
      %dma_start3A_64 = arith.constant 0 : i32
      %dma_start3A_65 = arith.constant 0 : i32
      %dma_start3A_66 = tpu.memref_slice %arg2[%add3A_59, %dma_start3A_64, %dma_start3A_65] : memref<6400x128x8xf32, #tpu.memory_space<hbm>> -> memref<1x128x8xf32, #tpu.memory_space<hbm>>
      %dma_start3A_67 = tpu.memref_squeeze %dma_start3A_66 : memref<1x128x8xf32, #tpu.memory_space<hbm>> -> memref<128x8xf32, #tpu.memory_space<hbm>>
      tpu.enqueue_dma source(%dma_start3A_67 : memref<128x8xf32, #tpu.memory_space<hbm>>) target(%arg12 : memref<128x8xf32, #tpu.memory_space<vmem>>) target_semaphore(%arg17 : memref<!tpu.dma_semaphore, #tpu.memory_space<semaphore_mem>>)
      %scan3A_68 = arith.constant 0 : i32
      %scan3A_69 = arith.constant 0 : i32
      %scan3A_70 = arith.constant 8 : i32
      %scan3A_71 = arith.addi %scan3A_69, %scan3A_70 : i32
      %scan3A_72 = arith.constant 1 : i32
      scf.for %scan3A_108 = %scan3A_69 to %scan3A_71 step %scan3A_72  : i32 {
        %mul3A_109 = arith.constant 5 : i32
        %mul3A_110 = arith.muli %scan3A_108, %mul3A_109 : i32
        %add3A_111 = arith.constant 0 : i32
        %add3A_112 = arith.addi %mul3A_110, %add3A_111 : i32
        %add3A_113 = arith.addi %add3A_18, %add3A_112 : i32
        %dma_wait3A_114 = arith.constant 0 : i32
        %dma_wait3A_115 = arith.constant 0 : i32
        %dma_wait3A_116 = tpu.memref_slice %arg2[%add3A_113, %dma_wait3A_114, %dma_wait3A_115] : memref<6400x128x8xf32, #tpu.memory_space<hbm>> -> memref<1x128x8xf32, #tpu.memory_space<hbm>>
        %dma_wait3A_117 = tpu.memref_squeeze %dma_wait3A_116 : memref<1x128x8xf32, #tpu.memory_space<hbm>> -> memref<128x8xf32, #tpu.memory_space<hbm>>
        %dma_wait3A_118 = arith.constant 0 : i32
        %dma_wait3A_119 = arith.constant 0 : i32
        %dma_wait3A_120 = tpu.memref_slice %arg2[%add3A_113, %dma_wait3A_118, %dma_wait3A_119] : memref<6400x128x8xf32, #tpu.memory_space<hbm>> -> memref<1x128x8xf32, #tpu.memory_space<hbm>>
        %dma_wait3A_121 = tpu.memref_squeeze %dma_wait3A_120 : memref<1x128x8xf32, #tpu.memory_space<hbm>> -> memref<128x8xf32, #tpu.memory_space<hbm>>
        tpu.wait_dma2 semaphore(%arg13 : memref<!tpu.dma_semaphore, #tpu.memory_space<semaphore_mem>>) src(%dma_wait3A_121 : memref<128x8xf32, #tpu.memory_space<hbm>>) dst(%arg8 : memref<128x8xf32, #tpu.memory_space<vmem>>)
        %dma_start3A_122 = arith.constant 0 : i32
        %dma_start3A_123 = tpu.memref_slice %arg7[%add3A_112, %dma_start3A_122] : memref<40x128xi32, #tpu.memory_space<vmem>> -> memref<1x128xi32, #tpu.memory_space<vmem>>
        %dma_start3A_124 = tpu.memref_squeeze %dma_start3A_123 : memref<1x128xi32, #tpu.memory_space<vmem>> -> memref<128xi32, #tpu.memory_space<vmem>>
        %dma_start3A_125 = arith.constant 0 : i32
        %dma_start3A_126 = arith.constant 0 : i32
        %dma_start3A_127 = tpu.memref_slice %arg6[%dma_start3A_125, %dma_start3A_126] : memref<50048x8xf32, #tpu.memory_space<vmem_shared>> -> memref<50048x8xf32, #tpu.memory_space<vmem_shared>>
        tpu.enqueue_indirect_dma source(%arg8 : memref<128x8xf32, #tpu.memory_space<vmem>>) target(%dma_start3A_127 : memref<50048x8xf32, #tpu.memory_space<vmem_shared>>) offsets(%dma_start3A_124 : memref<128xi32, #tpu.memory_space<vmem>>) semaphore(%arg18 : memref<!tpu.dma_semaphore, #tpu.memory_space<semaphore_mem>>) {add = true}
        %lt3A = arith.constant 7 : i32
        %lt3A_128 = arith.cmpi slt, %scan3A_108, %lt3A : i32
        %convert_element_type3A = arith.extui %lt3A_128 : i1 to i32
        %cond3A = arith.constant 0 : i32
        %cond3A_129 = arith.cmpi ne, %convert_element_type3A, %cond3A : i32
        scf.if %cond3A_129 {
          %dma_wait3A_226 = arith.constant 0 : i32
          %dma_wait3A_227 = tpu.memref_slice %arg7[%add3A_112, %dma_wait3A_226] : memref<40x128xi32, #tpu.memory_space<vmem>> -> memref<1x128xi32, #tpu.memory_space<vmem>>
          %dma_wait3A_228 = tpu.memref_squeeze %dma_wait3A_227 : memref<1x128xi32, #tpu.memory_space<vmem>> -> memref<128xi32, #tpu.memory_space<vmem>>
          %dma_wait3A_229 = arith.constant 0 : i32
          %dma_wait3A_230 = arith.constant 0 : i32
          %dma_wait3A_231 = tpu.memref_slice %arg6[%dma_wait3A_229, %dma_wait3A_230] : memref<50048x8xf32, #tpu.memory_space<vmem_shared>> -> memref<50048x8xf32, #tpu.memory_space<vmem_shared>>
          tpu.wait_indirect_dma semaphore(%arg18 : memref<!tpu.dma_semaphore, #tpu.memory_space<semaphore_mem>>) src(%arg8 : memref<128x8xf32, #tpu.memory_space<vmem>>) dst(%dma_wait3A_231 : memref<50048x8xf32, #tpu.memory_space<vmem_shared>>)
          %add3A_232 = arith.addi %add3A_18, %add3A_112 : i32
          %add3A_233 = arith.constant 5 : i32
          %add3A_234 = arith.addi %add3A_232, %add3A_233 : i32
          %dma_start3A_235 = arith.constant 0 : i32
          %dma_start3A_236 = arith.constant 0 : i32
          %dma_start3A_237 = tpu.memref_slice %arg2[%add3A_234, %dma_start3A_235, %dma_start3A_236] : memref<6400x128x8xf32, #tpu.memory_space<hbm>> -> memref<1x128x8xf32, #tpu.memory_space<hbm>>
          %dma_start3A_238 = tpu.memref_squeeze %dma_start3A_237 : memref<1x128x8xf32, #tpu.memory_space<hbm>> -> memref<128x8xf32, #tpu.memory_space<hbm>>
          %dma_start3A_239 = arith.constant 0 : i32
          %dma_start3A_240 = arith.constant 0 : i32
          %dma_start3A_241 = tpu.memref_slice %arg2[%add3A_234, %dma_start3A_239, %dma_start3A_240] : memref<6400x128x8xf32, #tpu.memory_space<hbm>> -> memref<1x128x8xf32, #tpu.memory_space<hbm>>
          %dma_start3A_242 = tpu.memref_squeeze %dma_start3A_241 : memref<1x128x8xf32, #tpu.memory_space<hbm>> -> memref<128x8xf32, #tpu.memory_space<hbm>>
          tpu.enqueue_dma source(%dma_start3A_242 : memref<128x8xf32, #tpu.memory_space<hbm>>) target(%arg8 : memref<128x8xf32, #tpu.memory_space<vmem>>) target_semaphore(%arg13 : memref<!tpu.dma_semaphore, #tpu.memory_space<semaphore_mem>>)
        } else {
        }
        %mul3A_130 = arith.constant 5 : i32
        %mul3A_131 = arith.muli %scan3A_108, %mul3A_130 : i32
        %add3A_132 = arith.constant 1 : i32
        %add3A_133 = arith.addi %mul3A_131, %add3A_132 : i32
        %add3A_134 = arith.addi %add3A_18, %add3A_133 : i32
        %dma_wait3A_135 = arith.constant 0 : i32
        %dma_wait3A_136 = arith.constant 0 : i32
        %dma_wait3A_137 = tpu.memref_slice %arg2[%add3A_134, %dma_wait3A_135, %dma_wait3A_136] : memref<6400x128x8xf32, #tpu.memory_space<hbm>> -> memref<1x128x8xf32, #tpu.memory_space<hbm>>
        %dma_wait3A_138 = tpu.memref_squeeze %dma_wait3A_137 : memref<1x128x8xf32, #tpu.memory_space<hbm>> -> memref<128x8xf32, #tpu.memory_space<hbm>>
        %dma_wait3A_139 = arith.constant 0 : i32
        %dma_wait3A_140 = arith.constant 0 : i32
        %dma_wait3A_141 = tpu.memref_slice %arg2[%add3A_134, %dma_wait3A_139, %dma_wait3A_140] : memref<6400x128x8xf32, #tpu.memory_space<hbm>> -> memref<1x128x8xf32, #tpu.memory_space<hbm>>
        %dma_wait3A_142 = tpu.memref_squeeze %dma_wait3A_141 : memref<1x128x8xf32, #tpu.memory_space<hbm>> -> memref<128x8xf32, #tpu.memory_space<hbm>>
        tpu.wait_dma2 semaphore(%arg14 : memref<!tpu.dma_semaphore, #tpu.memory_space<semaphore_mem>>) src(%dma_wait3A_142 : memref<128x8xf32, #tpu.memory_space<hbm>>) dst(%arg9 : memref<128x8xf32, #tpu.memory_space<vmem>>)
        %dma_start3A_143 = arith.constant 0 : i32
        %dma_start3A_144 = tpu.memref_slice %arg7[%add3A_133, %dma_start3A_143] : memref<40x128xi32, #tpu.memory_space<vmem>> -> memref<1x128xi32, #tpu.memory_space<vmem>>
        %dma_start3A_145 = tpu.memref_squeeze %dma_start3A_144 : memref<1x128xi32, #tpu.memory_space<vmem>> -> memref<128xi32, #tpu.memory_space<vmem>>
        %dma_start3A_146 = arith.constant 0 : i32
        %dma_start3A_147 = arith.constant 0 : i32
        %dma_start3A_148 = tpu.memref_slice %arg6[%dma_start3A_146, %dma_start3A_147] : memref<50048x8xf32, #tpu.memory_space<vmem_shared>> -> memref<50048x8xf32, #tpu.memory_space<vmem_shared>>
        tpu.enqueue_indirect_dma source(%arg9 : memref<128x8xf32, #tpu.memory_space<vmem>>) target(%dma_start3A_148 : memref<50048x8xf32, #tpu.memory_space<vmem_shared>>) offsets(%dma_start3A_145 : memref<128xi32, #tpu.memory_space<vmem>>) semaphore(%arg19 : memref<!tpu.dma_semaphore, #tpu.memory_space<semaphore_mem>>) {add = true}
        %lt3A_149 = arith.constant 7 : i32
        %lt3A_150 = arith.cmpi slt, %scan3A_108, %lt3A_149 : i32
        %convert_element_type3A_151 = arith.extui %lt3A_150 : i1 to i32
        %cond3A_152 = arith.constant 0 : i32
        %cond3A_153 = arith.cmpi ne, %convert_element_type3A_151, %cond3A_152 : i32
        scf.if %cond3A_153 {
          %dma_wait3A_226 = arith.constant 0 : i32
          %dma_wait3A_227 = tpu.memref_slice %arg7[%add3A_133, %dma_wait3A_226] : memref<40x128xi32, #tpu.memory_space<vmem>> -> memref<1x128xi32, #tpu.memory_space<vmem>>
          %dma_wait3A_228 = tpu.memref_squeeze %dma_wait3A_227 : memref<1x128xi32, #tpu.memory_space<vmem>> -> memref<128xi32, #tpu.memory_space<vmem>>
          %dma_wait3A_229 = arith.constant 0 : i32
          %dma_wait3A_230 = arith.constant 0 : i32
          %dma_wait3A_231 = tpu.memref_slice %arg6[%dma_wait3A_229, %dma_wait3A_230] : memref<50048x8xf32, #tpu.memory_space<vmem_shared>> -> memref<50048x8xf32, #tpu.memory_space<vmem_shared>>
          tpu.wait_indirect_dma semaphore(%arg19 : memref<!tpu.dma_semaphore, #tpu.memory_space<semaphore_mem>>) src(%arg9 : memref<128x8xf32, #tpu.memory_space<vmem>>) dst(%dma_wait3A_231 : memref<50048x8xf32, #tpu.memory_space<vmem_shared>>)
          %add3A_232 = arith.addi %add3A_18, %add3A_133 : i32
          %add3A_233 = arith.constant 5 : i32
          %add3A_234 = arith.addi %add3A_232, %add3A_233 : i32
          %dma_start3A_235 = arith.constant 0 : i32
          %dma_start3A_236 = arith.constant 0 : i32
          %dma_start3A_237 = tpu.memref_slice %arg2[%add3A_234, %dma_start3A_235, %dma_start3A_236] : memref<6400x128x8xf32, #tpu.memory_space<hbm>> -> memref<1x128x8xf32, #tpu.memory_space<hbm>>
          %dma_start3A_238 = tpu.memref_squeeze %dma_start3A_237 : memref<1x128x8xf32, #tpu.memory_space<hbm>> -> memref<128x8xf32, #tpu.memory_space<hbm>>
          %dma_start3A_239 = arith.constant 0 : i32
          %dma_start3A_240 = arith.constant 0 : i32
          %dma_start3A_241 = tpu.memref_slice %arg2[%add3A_234, %dma_start3A_239, %dma_start3A_240] : memref<6400x128x8xf32, #tpu.memory_space<hbm>> -> memref<1x128x8xf32, #tpu.memory_space<hbm>>
          %dma_start3A_242 = tpu.memref_squeeze %dma_start3A_241 : memref<1x128x8xf32, #tpu.memory_space<hbm>> -> memref<128x8xf32, #tpu.memory_space<hbm>>
          tpu.enqueue_dma source(%dma_start3A_242 : memref<128x8xf32, #tpu.memory_space<hbm>>) target(%arg9 : memref<128x8xf32, #tpu.memory_space<vmem>>) target_semaphore(%arg14 : memref<!tpu.dma_semaphore, #tpu.memory_space<semaphore_mem>>)
        } else {
        }
        %mul3A_154 = arith.constant 5 : i32
        %mul3A_155 = arith.muli %scan3A_108, %mul3A_154 : i32
        %add3A_156 = arith.constant 2 : i32
        %add3A_157 = arith.addi %mul3A_155, %add3A_156 : i32
        %add3A_158 = arith.addi %add3A_18, %add3A_157 : i32
        %dma_wait3A_159 = arith.constant 0 : i32
        %dma_wait3A_160 = arith.constant 0 : i32
        %dma_wait3A_161 = tpu.memref_slice %arg2[%add3A_158, %dma_wait3A_159, %dma_wait3A_160] : memref<6400x128x8xf32, #tpu.memory_space<hbm>> -> memref<1x128x8xf32, #tpu.memory_space<hbm>>
        %dma_wait3A_162 = tpu.memref_squeeze %dma_wait3A_161 : memref<1x128x8xf32, #tpu.memory_space<hbm>> -> memref<128x8xf32, #tpu.memory_space<hbm>>
        %dma_wait3A_163 = arith.constant 0 : i32
        %dma_wait3A_164 = arith.constant 0 : i32
        %dma_wait3A_165 = tpu.memref_slice %arg2[%add3A_158, %dma_wait3A_163, %dma_wait3A_164] : memref<6400x128x8xf32, #tpu.memory_space<hbm>> -> memref<1x128x8xf32, #tpu.memory_space<hbm>>
        %dma_wait3A_166 = tpu.memref_squeeze %dma_wait3A_165 : memref<1x128x8xf32, #tpu.memory_space<hbm>> -> memref<128x8xf32, #tpu.memory_space<hbm>>
        tpu.wait_dma2 semaphore(%arg15 : memref<!tpu.dma_semaphore, #tpu.memory_space<semaphore_mem>>) src(%dma_wait3A_166 : memref<128x8xf32, #tpu.memory_space<hbm>>) dst(%arg10 : memref<128x8xf32, #tpu.memory_space<vmem>>)
        %dma_start3A_167 = arith.constant 0 : i32
        %dma_start3A_168 = tpu.memref_slice %arg7[%add3A_157, %dma_start3A_167] : memref<40x128xi32, #tpu.memory_space<vmem>> -> memref<1x128xi32, #tpu.memory_space<vmem>>
        %dma_start3A_169 = tpu.memref_squeeze %dma_start3A_168 : memref<1x128xi32, #tpu.memory_space<vmem>> -> memref<128xi32, #tpu.memory_space<vmem>>
        %dma_start3A_170 = arith.constant 0 : i32
        %dma_start3A_171 = arith.constant 0 : i32
        %dma_start3A_172 = tpu.memref_slice %arg6[%dma_start3A_170, %dma_start3A_171] : memref<50048x8xf32, #tpu.memory_space<vmem_shared>> -> memref<50048x8xf32, #tpu.memory_space<vmem_shared>>
        tpu.enqueue_indirect_dma source(%arg10 : memref<128x8xf32, #tpu.memory_space<vmem>>) target(%dma_start3A_172 : memref<50048x8xf32, #tpu.memory_space<vmem_shared>>) offsets(%dma_start3A_169 : memref<128xi32, #tpu.memory_space<vmem>>) semaphore(%arg20 : memref<!tpu.dma_semaphore, #tpu.memory_space<semaphore_mem>>) {add = true}
        %lt3A_173 = arith.constant 7 : i32
        %lt3A_174 = arith.cmpi slt, %scan3A_108, %lt3A_173 : i32
        %convert_element_type3A_175 = arith.extui %lt3A_174 : i1 to i32
        %cond3A_176 = arith.constant 0 : i32
        %cond3A_177 = arith.cmpi ne, %convert_element_type3A_175, %cond3A_176 : i32
        scf.if %cond3A_177 {
          %dma_wait3A_226 = arith.constant 0 : i32
          %dma_wait3A_227 = tpu.memref_slice %arg7[%add3A_157, %dma_wait3A_226] : memref<40x128xi32, #tpu.memory_space<vmem>> -> memref<1x128xi32, #tpu.memory_space<vmem>>
          %dma_wait3A_228 = tpu.memref_squeeze %dma_wait3A_227 : memref<1x128xi32, #tpu.memory_space<vmem>> -> memref<128xi32, #tpu.memory_space<vmem>>
          %dma_wait3A_229 = arith.constant 0 : i32
          %dma_wait3A_230 = arith.constant 0 : i32
          %dma_wait3A_231 = tpu.memref_slice %arg6[%dma_wait3A_229, %dma_wait3A_230] : memref<50048x8xf32, #tpu.memory_space<vmem_shared>> -> memref<50048x8xf32, #tpu.memory_space<vmem_shared>>
          tpu.wait_indirect_dma semaphore(%arg20 : memref<!tpu.dma_semaphore, #tpu.memory_space<semaphore_mem>>) src(%arg10 : memref<128x8xf32, #tpu.memory_space<vmem>>) dst(%dma_wait3A_231 : memref<50048x8xf32, #tpu.memory_space<vmem_shared>>)
          %add3A_232 = arith.addi %add3A_18, %add3A_157 : i32
          %add3A_233 = arith.constant 5 : i32
          %add3A_234 = arith.addi %add3A_232, %add3A_233 : i32
          %dma_start3A_235 = arith.constant 0 : i32
          %dma_start3A_236 = arith.constant 0 : i32
          %dma_start3A_237 = tpu.memref_slice %arg2[%add3A_234, %dma_start3A_235, %dma_start3A_236] : memref<6400x128x8xf32, #tpu.memory_space<hbm>> -> memref<1x128x8xf32, #tpu.memory_space<hbm>>
          %dma_start3A_238 = tpu.memref_squeeze %dma_start3A_237 : memref<1x128x8xf32, #tpu.memory_space<hbm>> -> memref<128x8xf32, #tpu.memory_space<hbm>>
          %dma_start3A_239 = arith.constant 0 : i32
          %dma_start3A_240 = arith.constant 0 : i32
          %dma_start3A_241 = tpu.memref_slice %arg2[%add3A_234, %dma_start3A_239, %dma_start3A_240] : memref<6400x128x8xf32, #tpu.memory_space<hbm>> -> memref<1x128x8xf32, #tpu.memory_space<hbm>>
          %dma_start3A_242 = tpu.memref_squeeze %dma_start3A_241 : memref<1x128x8xf32, #tpu.memory_space<hbm>> -> memref<128x8xf32, #tpu.memory_space<hbm>>
          tpu.enqueue_dma source(%dma_start3A_242 : memref<128x8xf32, #tpu.memory_space<hbm>>) target(%arg10 : memref<128x8xf32, #tpu.memory_space<vmem>>) target_semaphore(%arg15 : memref<!tpu.dma_semaphore, #tpu.memory_space<semaphore_mem>>)
        } else {
        }
        %mul3A_178 = arith.constant 5 : i32
        %mul3A_179 = arith.muli %scan3A_108, %mul3A_178 : i32
        %add3A_180 = arith.constant 3 : i32
        %add3A_181 = arith.addi %mul3A_179, %add3A_180 : i32
        %add3A_182 = arith.addi %add3A_18, %add3A_181 : i32
        %dma_wait3A_183 = arith.constant 0 : i32
        %dma_wait3A_184 = arith.constant 0 : i32
        %dma_wait3A_185 = tpu.memref_slice %arg2[%add3A_182, %dma_wait3A_183, %dma_wait3A_184] : memref<6400x128x8xf32, #tpu.memory_space<hbm>> -> memref<1x128x8xf32, #tpu.memory_space<hbm>>
        %dma_wait3A_186 = tpu.memref_squeeze %dma_wait3A_185 : memref<1x128x8xf32, #tpu.memory_space<hbm>> -> memref<128x8xf32, #tpu.memory_space<hbm>>
        %dma_wait3A_187 = arith.constant 0 : i32
        %dma_wait3A_188 = arith.constant 0 : i32
        %dma_wait3A_189 = tpu.memref_slice %arg2[%add3A_182, %dma_wait3A_187, %dma_wait3A_188] : memref<6400x128x8xf32, #tpu.memory_space<hbm>> -> memref<1x128x8xf32, #tpu.memory_space<hbm>>
        %dma_wait3A_190 = tpu.memref_squeeze %dma_wait3A_189 : memref<1x128x8xf32, #tpu.memory_space<hbm>> -> memref<128x8xf32, #tpu.memory_space<hbm>>
        tpu.wait_dma2 semaphore(%arg16 : memref<!tpu.dma_semaphore, #tpu.memory_space<semaphore_mem>>) src(%dma_wait3A_190 : memref<128x8xf32, #tpu.memory_space<hbm>>) dst(%arg11 : memref<128x8xf32, #tpu.memory_space<vmem>>)
        %dma_start3A_191 = arith.constant 0 : i32
        %dma_start3A_192 = tpu.memref_slice %arg7[%add3A_181, %dma_start3A_191] : memref<40x128xi32, #tpu.memory_space<vmem>> -> memref<1x128xi32, #tpu.memory_space<vmem>>
        %dma_start3A_193 = tpu.memref_squeeze %dma_start3A_192 : memref<1x128xi32, #tpu.memory_space<vmem>> -> memref<128xi32, #tpu.memory_space<vmem>>
        %dma_start3A_194 = arith.constant 0 : i32
        %dma_start3A_195 = arith.constant 0 : i32
        %dma_start3A_196 = tpu.memref_slice %arg6[%dma_start3A_194, %dma_start3A_195] : memref<50048x8xf32, #tpu.memory_space<vmem_shared>> -> memref<50048x8xf32, #tpu.memory_space<vmem_shared>>
        tpu.enqueue_indirect_dma source(%arg11 : memref<128x8xf32, #tpu.memory_space<vmem>>) target(%dma_start3A_196 : memref<50048x8xf32, #tpu.memory_space<vmem_shared>>) offsets(%dma_start3A_193 : memref<128xi32, #tpu.memory_space<vmem>>) semaphore(%arg21 : memref<!tpu.dma_semaphore, #tpu.memory_space<semaphore_mem>>) {add = true}
        %lt3A_197 = arith.constant 7 : i32
        %lt3A_198 = arith.cmpi slt, %scan3A_108, %lt3A_197 : i32
        %convert_element_type3A_199 = arith.extui %lt3A_198 : i1 to i32
        %cond3A_200 = arith.constant 0 : i32
        %cond3A_201 = arith.cmpi ne, %convert_element_type3A_199, %cond3A_200 : i32
        scf.if %cond3A_201 {
          %dma_wait3A_226 = arith.constant 0 : i32
          %dma_wait3A_227 = tpu.memref_slice %arg7[%add3A_181, %dma_wait3A_226] : memref<40x128xi32, #tpu.memory_space<vmem>> -> memref<1x128xi32, #tpu.memory_space<vmem>>
          %dma_wait3A_228 = tpu.memref_squeeze %dma_wait3A_227 : memref<1x128xi32, #tpu.memory_space<vmem>> -> memref<128xi32, #tpu.memory_space<vmem>>
          %dma_wait3A_229 = arith.constant 0 : i32
          %dma_wait3A_230 = arith.constant 0 : i32
          %dma_wait3A_231 = tpu.memref_slice %arg6[%dma_wait3A_229, %dma_wait3A_230] : memref<50048x8xf32, #tpu.memory_space<vmem_shared>> -> memref<50048x8xf32, #tpu.memory_space<vmem_shared>>
          tpu.wait_indirect_dma semaphore(%arg21 : memref<!tpu.dma_semaphore, #tpu.memory_space<semaphore_mem>>) src(%arg11 : memref<128x8xf32, #tpu.memory_space<vmem>>) dst(%dma_wait3A_231 : memref<50048x8xf32, #tpu.memory_space<vmem_shared>>)
          %add3A_232 = arith.addi %add3A_18, %add3A_181 : i32
          %add3A_233 = arith.constant 5 : i32
          %add3A_234 = arith.addi %add3A_232, %add3A_233 : i32
          %dma_start3A_235 = arith.constant 0 : i32
          %dma_start3A_236 = arith.constant 0 : i32
          %dma_start3A_237 = tpu.memref_slice %arg2[%add3A_234, %dma_start3A_235, %dma_start3A_236] : memref<6400x128x8xf32, #tpu.memory_space<hbm>> -> memref<1x128x8xf32, #tpu.memory_space<hbm>>
          %dma_start3A_238 = tpu.memref_squeeze %dma_start3A_237 : memref<1x128x8xf32, #tpu.memory_space<hbm>> -> memref<128x8xf32, #tpu.memory_space<hbm>>
          %dma_start3A_239 = arith.constant 0 : i32
          %dma_start3A_240 = arith.constant 0 : i32
          %dma_start3A_241 = tpu.memref_slice %arg2[%add3A_234, %dma_start3A_239, %dma_start3A_240] : memref<6400x128x8xf32, #tpu.memory_space<hbm>> -> memref<1x128x8xf32, #tpu.memory_space<hbm>>
          %dma_start3A_242 = tpu.memref_squeeze %dma_start3A_241 : memref<1x128x8xf32, #tpu.memory_space<hbm>> -> memref<128x8xf32, #tpu.memory_space<hbm>>
          tpu.enqueue_dma source(%dma_start3A_242 : memref<128x8xf32, #tpu.memory_space<hbm>>) target(%arg11 : memref<128x8xf32, #tpu.memory_space<vmem>>) target_semaphore(%arg16 : memref<!tpu.dma_semaphore, #tpu.memory_space<semaphore_mem>>)
        } else {
        }
        %mul3A_202 = arith.constant 5 : i32
        %mul3A_203 = arith.muli %scan3A_108, %mul3A_202 : i32
        %add3A_204 = arith.constant 4 : i32
        %add3A_205 = arith.addi %mul3A_203, %add3A_204 : i32
        %add3A_206 = arith.addi %add3A_18, %add3A_205 : i32
        %dma_wait3A_207 = arith.constant 0 : i32
        %dma_wait3A_208 = arith.constant 0 : i32
        %dma_wait3A_209 = tpu.memref_slice %arg2[%add3A_206, %dma_wait3A_207, %dma_wait3A_208] : memref<6400x128x8xf32, #tpu.memory_space<hbm>> -> memref<1x128x8xf32, #tpu.memory_space<hbm>>
        %dma_wait3A_210 = tpu.memref_squeeze %dma_wait3A_209 : memref<1x128x8xf32, #tpu.memory_space<hbm>> -> memref<128x8xf32, #tpu.memory_space<hbm>>
        %dma_wait3A_211 = arith.constant 0 : i32
        %dma_wait3A_212 = arith.constant 0 : i32
        %dma_wait3A_213 = tpu.memref_slice %arg2[%add3A_206, %dma_wait3A_211, %dma_wait3A_212] : memref<6400x128x8xf32, #tpu.memory_space<hbm>> -> memref<1x128x8xf32, #tpu.memory_space<hbm>>
        %dma_wait3A_214 = tpu.memref_squeeze %dma_wait3A_213 : memref<1x128x8xf32, #tpu.memory_space<hbm>> -> memref<128x8xf32, #tpu.memory_space<hbm>>
        tpu.wait_dma2 semaphore(%arg17 : memref<!tpu.dma_semaphore, #tpu.memory_space<semaphore_mem>>) src(%dma_wait3A_214 : memref<128x8xf32, #tpu.memory_space<hbm>>) dst(%arg12 : memref<128x8xf32, #tpu.memory_space<vmem>>)
        %dma_start3A_215 = arith.constant 0 : i32
        %dma_start3A_216 = tpu.memref_slice %arg7[%add3A_205, %dma_start3A_215] : memref<40x128xi32, #tpu.memory_space<vmem>> -> memref<1x128xi32, #tpu.memory_space<vmem>>
        %dma_start3A_217 = tpu.memref_squeeze %dma_start3A_216 : memref<1x128xi32, #tpu.memory_space<vmem>> -> memref<128xi32, #tpu.memory_space<vmem>>
        %dma_start3A_218 = arith.constant 0 : i32
        %dma_start3A_219 = arith.constant 0 : i32
        %dma_start3A_220 = tpu.memref_slice %arg6[%dma_start3A_218, %dma_start3A_219] : memref<50048x8xf32, #tpu.memory_space<vmem_shared>> -> memref<50048x8xf32, #tpu.memory_space<vmem_shared>>
        tpu.enqueue_indirect_dma source(%arg12 : memref<128x8xf32, #tpu.memory_space<vmem>>) target(%dma_start3A_220 : memref<50048x8xf32, #tpu.memory_space<vmem_shared>>) offsets(%dma_start3A_217 : memref<128xi32, #tpu.memory_space<vmem>>) semaphore(%arg22 : memref<!tpu.dma_semaphore, #tpu.memory_space<semaphore_mem>>) {add = true}
        %lt3A_221 = arith.constant 7 : i32
        %lt3A_222 = arith.cmpi slt, %scan3A_108, %lt3A_221 : i32
        %convert_element_type3A_223 = arith.extui %lt3A_222 : i1 to i32
        %cond3A_224 = arith.constant 0 : i32
        %cond3A_225 = arith.cmpi ne, %convert_element_type3A_223, %cond3A_224 : i32
        scf.if %cond3A_225 {
          %dma_wait3A_226 = arith.constant 0 : i32
          %dma_wait3A_227 = tpu.memref_slice %arg7[%add3A_205, %dma_wait3A_226] : memref<40x128xi32, #tpu.memory_space<vmem>> -> memref<1x128xi32, #tpu.memory_space<vmem>>
          %dma_wait3A_228 = tpu.memref_squeeze %dma_wait3A_227 : memref<1x128xi32, #tpu.memory_space<vmem>> -> memref<128xi32, #tpu.memory_space<vmem>>
          %dma_wait3A_229 = arith.constant 0 : i32
          %dma_wait3A_230 = arith.constant 0 : i32
          %dma_wait3A_231 = tpu.memref_slice %arg6[%dma_wait3A_229, %dma_wait3A_230] : memref<50048x8xf32, #tpu.memory_space<vmem_shared>> -> memref<50048x8xf32, #tpu.memory_space<vmem_shared>>
          tpu.wait_indirect_dma semaphore(%arg22 : memref<!tpu.dma_semaphore, #tpu.memory_space<semaphore_mem>>) src(%arg12 : memref<128x8xf32, #tpu.memory_space<vmem>>) dst(%dma_wait3A_231 : memref<50048x8xf32, #tpu.memory_space<vmem_shared>>)
          %add3A_232 = arith.addi %add3A_18, %add3A_205 : i32
          %add3A_233 = arith.constant 5 : i32
          %add3A_234 = arith.addi %add3A_232, %add3A_233 : i32
          %dma_start3A_235 = arith.constant 0 : i32
          %dma_start3A_236 = arith.constant 0 : i32
          %dma_start3A_237 = tpu.memref_slice %arg2[%add3A_234, %dma_start3A_235, %dma_start3A_236] : memref<6400x128x8xf32, #tpu.memory_space<hbm>> -> memref<1x128x8xf32, #tpu.memory_space<hbm>>
          %dma_start3A_238 = tpu.memref_squeeze %dma_start3A_237 : memref<1x128x8xf32, #tpu.memory_space<hbm>> -> memref<128x8xf32, #tpu.memory_space<hbm>>
          %dma_start3A_239 = arith.constant 0 : i32
          %dma_start3A_240 = arith.constant 0 : i32
          %dma_start3A_241 = tpu.memref_slice %arg2[%add3A_234, %dma_start3A_239, %dma_start3A_240] : memref<6400x128x8xf32, #tpu.memory_space<hbm>> -> memref<1x128x8xf32, #tpu.memory_space<hbm>>
          %dma_start3A_242 = tpu.memref_squeeze %dma_start3A_241 : memref<1x128x8xf32, #tpu.memory_space<hbm>> -> memref<128x8xf32, #tpu.memory_space<hbm>>
          tpu.enqueue_dma source(%dma_start3A_242 : memref<128x8xf32, #tpu.memory_space<hbm>>) target(%arg12 : memref<128x8xf32, #tpu.memory_space<vmem>>) target_semaphore(%arg17 : memref<!tpu.dma_semaphore, #tpu.memory_space<semaphore_mem>>)
        } else {
        }
      }
      %scan3A_73 = arith.constant 8 : i32
      %dma_wait3A = arith.constant 0 : i32
      %dma_wait3A_74 = arith.constant 0 : i32
      %dma_wait3A_75 = tpu.memref_slice %arg7[%dma_wait3A, %dma_wait3A_74] : memref<40x128xi32, #tpu.memory_space<vmem>> -> memref<1x128xi32, #tpu.memory_space<vmem>>
      %dma_wait3A_76 = tpu.memref_squeeze %dma_wait3A_75 : memref<1x128xi32, #tpu.memory_space<vmem>> -> memref<128xi32, #tpu.memory_space<vmem>>
      %dma_wait3A_77 = arith.constant 0 : i32
      %dma_wait3A_78 = arith.constant 0 : i32
      %dma_wait3A_79 = tpu.memref_slice %arg6[%dma_wait3A_77, %dma_wait3A_78] : memref<50048x8xf32, #tpu.memory_space<vmem_shared>> -> memref<50048x8xf32, #tpu.memory_space<vmem_shared>>
      tpu.wait_indirect_dma semaphore(%arg18 : memref<!tpu.dma_semaphore, #tpu.memory_space<semaphore_mem>>) src(%arg8 : memref<128x8xf32, #tpu.memory_space<vmem>>) dst(%dma_wait3A_79 : memref<50048x8xf32, #tpu.memory_space<vmem_shared>>)
      %dma_wait3A_80 = arith.constant 1 : i32
      %dma_wait3A_81 = arith.constant 0 : i32
      %dma_wait3A_82 = tpu.memref_slice %arg7[%dma_wait3A_80, %dma_wait3A_81] : memref<40x128xi32, #tpu.memory_space<vmem>> -> memref<1x128xi32, #tpu.memory_space<vmem>>
      %dma_wait3A_83 = tpu.memref_squeeze %dma_wait3A_82 : memref<1x128xi32, #tpu.memory_space<vmem>> -> memref<128xi32, #tpu.memory_space<vmem>>
      %dma_wait3A_84 = arith.constant 0 : i32
      %dma_wait3A_85 = arith.constant 0 : i32
      %dma_wait3A_86 = tpu.memref_slice %arg6[%dma_wait3A_84, %dma_wait3A_85] : memref<50048x8xf32, #tpu.memory_space<vmem_shared>> -> memref<50048x8xf32, #tpu.memory_space<vmem_shared>>
      tpu.wait_indirect_dma semaphore(%arg19 : memref<!tpu.dma_semaphore, #tpu.memory_space<semaphore_mem>>) src(%arg9 : memref<128x8xf32, #tpu.memory_space<vmem>>) dst(%dma_wait3A_86 : memref<50048x8xf32, #tpu.memory_space<vmem_shared>>)
      %dma_wait3A_87 = arith.constant 2 : i32
      %dma_wait3A_88 = arith.constant 0 : i32
      %dma_wait3A_89 = tpu.memref_slice %arg7[%dma_wait3A_87, %dma_wait3A_88] : memref<40x128xi32, #tpu.memory_space<vmem>> -> memref<1x128xi32, #tpu.memory_space<vmem>>
      %dma_wait3A_90 = tpu.memref_squeeze %dma_wait3A_89 : memref<1x128xi32, #tpu.memory_space<vmem>> -> memref<128xi32, #tpu.memory_space<vmem>>
      %dma_wait3A_91 = arith.constant 0 : i32
      %dma_wait3A_92 = arith.constant 0 : i32
      %dma_wait3A_93 = tpu.memref_slice %arg6[%dma_wait3A_91, %dma_wait3A_92] : memref<50048x8xf32, #tpu.memory_space<vmem_shared>> -> memref<50048x8xf32, #tpu.memory_space<vmem_shared>>
      tpu.wait_indirect_dma semaphore(%arg20 : memref<!tpu.dma_semaphore, #tpu.memory_space<semaphore_mem>>) src(%arg10 : memref<128x8xf32, #tpu.memory_space<vmem>>) dst(%dma_wait3A_93 : memref<50048x8xf32, #tpu.memory_space<vmem_shared>>)
      %dma_wait3A_94 = arith.constant 3 : i32
      %dma_wait3A_95 = arith.constant 0 : i32
      %dma_wait3A_96 = tpu.memref_slice %arg7[%dma_wait3A_94, %dma_wait3A_95] : memref<40x128xi32, #tpu.memory_space<vmem>> -> memref<1x128xi32, #tpu.memory_space<vmem>>
      %dma_wait3A_97 = tpu.memref_squeeze %dma_wait3A_96 : memref<1x128xi32, #tpu.memory_space<vmem>> -> memref<128xi32, #tpu.memory_space<vmem>>
      %dma_wait3A_98 = arith.constant 0 : i32
      %dma_wait3A_99 = arith.constant 0 : i32
      %dma_wait3A_100 = tpu.memref_slice %arg6[%dma_wait3A_98, %dma_wait3A_99] : memref<50048x8xf32, #tpu.memory_space<vmem_shared>> -> memref<50048x8xf32, #tpu.memory_space<vmem_shared>>
      tpu.wait_indirect_dma semaphore(%arg21 : memref<!tpu.dma_semaphore, #tpu.memory_space<semaphore_mem>>) src(%arg11 : memref<128x8xf32, #tpu.memory_space<vmem>>) dst(%dma_wait3A_100 : memref<50048x8xf32, #tpu.memory_space<vmem_shared>>)
      %dma_wait3A_101 = arith.constant 4 : i32
      %dma_wait3A_102 = arith.constant 0 : i32
      %dma_wait3A_103 = tpu.memref_slice %arg7[%dma_wait3A_101, %dma_wait3A_102] : memref<40x128xi32, #tpu.memory_space<vmem>> -> memref<1x128xi32, #tpu.memory_space<vmem>>
      %dma_wait3A_104 = tpu.memref_squeeze %dma_wait3A_103 : memref<1x128xi32, #tpu.memory_space<vmem>> -> memref<128xi32, #tpu.memory_space<vmem>>
      %dma_wait3A_105 = arith.constant 0 : i32
      %dma_wait3A_106 = arith.constant 0 : i32
      %dma_wait3A_107 = tpu.memref_slice %arg6[%dma_wait3A_105, %dma_wait3A_106] : memref<50048x8xf32, #tpu.memory_space<vmem_shared>> -> memref<50048x8xf32, #tpu.memory_space<vmem_shared>>
      tpu.wait_indirect_dma semaphore(%arg22 : memref<!tpu.dma_semaphore, #tpu.memory_space<semaphore_mem>>) src(%arg12 : memref<128x8xf32, #tpu.memory_space<vmem>>) dst(%dma_wait3A_107 : memref<50048x8xf32, #tpu.memory_space<vmem_shared>>)
    }
    %scan3A_7 = arith.constant 5 : i32
    %barrier3A_8 = arith.constant 0 : index
    tpu.barrier barrier_id(%barrier3A_8)
    %mul3A_9 = arith.constant 3128 : i32
    %mul3A_10 = arith.muli %arg1, %mul3A_9 : i32
    %mul3A_11 = arith.constant 3128 : i32
    %mul3A_12 = arith.muli %arg1, %mul3A_11 : i32
    "tpu.region"() ({
      %run_scoped3A = tpu.sem_alloc : memref<!tpu.dma_semaphore, #tpu.memory_space<semaphore_mem>>
      %dma_start3A = arith.constant 0 : i32
      %dma_start3A_13 = arith.constant 0 : i32
      %dma_start3A_14 = tpu.memref_slice %arg5[%arg0, %dma_start3A, %dma_start3A_13] : memref<2x50048x8xf32, #tpu.memory_space<hbm>> -> memref<1x50048x8xf32, #tpu.memory_space<hbm>>
      %dma_start3A_15 = tpu.memref_squeeze %dma_start3A_14 : memref<1x50048x8xf32, #tpu.memory_space<hbm>> -> memref<50048x8xf32, #tpu.memory_space<hbm>>
      %dma_start3A_16 = arith.constant 0 : i32
      %dma_start3A_17 = tpu.memref_slice %dma_start3A_15[%mul3A_12, %dma_start3A_16] : memref<50048x8xf32, #tpu.memory_space<hbm>> -> memref<3128x8xf32, #tpu.memory_space<hbm>>
      %dma_start3A_18 = arith.constant 0 : i32
      %dma_start3A_19 = tpu.memref_slice %arg6[%mul3A_10, %dma_start3A_18] : memref<50048x8xf32, #tpu.memory_space<vmem_shared>> -> memref<3128x8xf32, #tpu.memory_space<vmem_shared>>
      tpu.enqueue_dma source(%dma_start3A_19 : memref<3128x8xf32, #tpu.memory_space<vmem_shared>>) target(%dma_start3A_17 : memref<3128x8xf32, #tpu.memory_space<hbm>>) target_semaphore(%run_scoped3A : memref<!tpu.dma_semaphore, #tpu.memory_space<semaphore_mem>>)
      %dma_wait3A = arith.constant 0 : i32
      %dma_wait3A_20 = arith.constant 0 : i32
      %dma_wait3A_21 = tpu.memref_slice %arg5[%arg0, %dma_wait3A, %dma_wait3A_20] : memref<2x50048x8xf32, #tpu.memory_space<hbm>> -> memref<1x50048x8xf32, #tpu.memory_space<hbm>>
      %dma_wait3A_22 = tpu.memref_squeeze %dma_wait3A_21 : memref<1x50048x8xf32, #tpu.memory_space<hbm>> -> memref<50048x8xf32, #tpu.memory_space<hbm>>
      %dma_wait3A_23 = arith.constant 0 : i32
      %dma_wait3A_24 = tpu.memref_slice %dma_wait3A_22[%mul3A_12, %dma_wait3A_23] : memref<50048x8xf32, #tpu.memory_space<hbm>> -> memref<3128x8xf32, #tpu.memory_space<hbm>>
      %dma_wait3A_25 = arith.constant 0 : i32
      %dma_wait3A_26 = tpu.memref_slice %arg6[%mul3A_10, %dma_wait3A_25] : memref<50048x8xf32, #tpu.memory_space<vmem_shared>> -> memref<3128x8xf32, #tpu.memory_space<vmem_shared>>
      tpu.wait_dma2 semaphore(%run_scoped3A : memref<!tpu.dma_semaphore, #tpu.memory_space<semaphore_mem>>) src(%dma_wait3A_26 : memref<3128x8xf32, #tpu.memory_space<vmem_shared>>) dst(%dma_wait3A_24 : memref<3128x8xf32, #tpu.memory_space<hbm>>)
      tpu.yield
    }) : () -> ()
    return
  }
}

module attributes {stable_mosaic.version = 14 : i64} {
  func.func @_encoder_body(%arg0: i32, %arg1: memref<3128x28xf32, #tpu.memory_space<vmem>>, %arg2: memref<28x64xf32, #tpu.memory_space<vmem>>, %arg3: memref<1x64xf32, #tpu.memory_space<vmem>>, %arg4: memref<64x32xf32, #tpu.memory_space<vmem>>, %arg5: memref<1x32xf32, #tpu.memory_space<vmem>>, %arg6: memref<3128x32xf32, #tpu.memory_space<vmem>>) attributes {dimension_semantics = [#tpu.dimension_semantics<arbitrary>], iteration_bounds = array<i64: 16>, scalar_prefetch = 0 : i64, scratch_operands = 0 : i64, tpu.core_type = #tpu.core_type<tc>, window_params = [{transform_indices = @transform_0, window_bounds = array<i64: 3128, 28>}, {pipeline_mode = #tpu.pipeline_mode<synchronous>, transform_indices = @transform_1, window_bounds = array<i64: 28, 64>}, {pipeline_mode = #tpu.pipeline_mode<synchronous>, transform_indices = @transform_2, window_bounds = array<i64: 1, 64>}, {pipeline_mode = #tpu.pipeline_mode<synchronous>, transform_indices = @transform_3, window_bounds = array<i64: 64, 32>}, {pipeline_mode = #tpu.pipeline_mode<synchronous>, transform_indices = @transform_4, window_bounds = array<i64: 1, 32>}, {transform_indices = @transform_5, window_bounds = array<i64: 3128, 32>}]} {
    %get3A = arith.constant 0 : index
    %get3A_0 = arith.constant 0 : index
    %get3A_1 = vector.load %arg1[%get3A, %get3A_0] : memref<3128x28xf32, #tpu.memory_space<vmem>>, vector<3128x28xf32>
    %get3A_2 = arith.constant 0 : index
    %get3A_3 = arith.constant 0 : index
    %get3A_4 = vector.load %arg2[%get3A_2, %get3A_3] : memref<28x64xf32, #tpu.memory_space<vmem>>, vector<28x64xf32>
    %dot_general3A = arith.constant dense<0.000000e+00> : vector<3128x64xf32>
    %dot_general3A_5 = tpu.matmul %get3A_1, %get3A_4, %dot_general3A {dimension_numbers = #tpu.dot_dimension_numbers<[1], [0], [0], [1], [0, 0, 1, 1], [], []>, transpose_lhs_hint = false} : vector<3128x28xf32>, vector<28x64xf32>, vector<3128x64xf32> -> vector<3128x64xf32>
    %get3A_6 = arith.constant 0 : index
    %get3A_7 = arith.constant 0 : index
    %get3A_8 = vector.load %arg3[%get3A_6, %get3A_7] : memref<1x64xf32, #tpu.memory_space<vmem>>, vector<1x64xf32>
    %add3A = vector.broadcast %get3A_8 : vector<1x64xf32> to vector<3128x64xf32>
    %add3A_9 = arith.addf %dot_general3A_5, %add3A : vector<3128x64xf32>
    %max3A = arith.constant 0.000000e+00 : f32
    %max3A_10 = vector.broadcast %max3A : f32 to vector<3128x64xf32>
    %max3A_11 = arith.maximumf %add3A_9, %max3A_10 : vector<3128x64xf32>
    %get3A_12 = arith.constant 0 : index
    %get3A_13 = arith.constant 0 : index
    %get3A_14 = vector.load %arg4[%get3A_12, %get3A_13] : memref<64x32xf32, #tpu.memory_space<vmem>>, vector<64x32xf32>
    %dot_general3A_15 = arith.constant dense<0.000000e+00> : vector<3128x32xf32>
    %dot_general3A_16 = tpu.matmul %max3A_11, %get3A_14, %dot_general3A_15 {dimension_numbers = #tpu.dot_dimension_numbers<[1], [0], [0], [1], [0, 0, 1, 1], [], []>, transpose_lhs_hint = false} : vector<3128x64xf32>, vector<64x32xf32>, vector<3128x32xf32> -> vector<3128x32xf32>
    %get3A_17 = arith.constant 0 : index
    %get3A_18 = arith.constant 0 : index
    %get3A_19 = vector.load %arg5[%get3A_17, %get3A_18] : memref<1x32xf32, #tpu.memory_space<vmem>>, vector<1x32xf32>
    %add3A_20 = vector.broadcast %get3A_19 : vector<1x32xf32> to vector<3128x32xf32>
    %add3A_21 = arith.addf %dot_general3A_16, %add3A_20 : vector<3128x32xf32>
    %max3A_22 = arith.constant 0.000000e+00 : f32
    %max3A_23 = vector.broadcast %max3A_22 : f32 to vector<3128x32xf32>
    %max3A_24 = arith.maximumf %add3A_21, %max3A_23 : vector<3128x32xf32>
    %swap3A = arith.constant 0 : index
    %swap3A_25 = arith.constant 0 : index
    %swap3A_26 = vector.load %arg6[%swap3A, %swap3A_25] : memref<3128x32xf32, #tpu.memory_space<vmem>>, vector<3128x32xf32>
    tpu.vector_store %arg6[%swap3A, %swap3A_25], %max3A_24 {strides = array<i32>} : memref<3128x32xf32, #tpu.memory_space<vmem>>, vector<3128x32xf32>,
    return
  }
  func.func @transform_0(%arg0: i32) -> (i32, i32) {
    %c0_i32 = arith.constant 0 : i32
    %c0_i32_0 = arith.constant 0 : i32
    return %arg0, %c0_i32 : i32, i32
  }
  func.func @transform_1(%arg0: i32) -> (i32, i32) {
    %c0_i32 = arith.constant 0 : i32
    %c0_i32_0 = arith.constant 0 : i32
    %c0_i32_1 = arith.constant 0 : i32
    return %c0_i32, %c0_i32_0 : i32, i32
  }
  func.func @transform_2(%arg0: i32) -> (i32, i32) {
    %c0_i32 = arith.constant 0 : i32
    %c0_i32_0 = arith.constant 0 : i32
    %c0_i32_1 = arith.constant 0 : i32
    return %c0_i32, %c0_i32_0 : i32, i32
  }
  func.func @transform_3(%arg0: i32) -> (i32, i32) {
    %c0_i32 = arith.constant 0 : i32
    %c0_i32_0 = arith.constant 0 : i32
    %c0_i32_1 = arith.constant 0 : i32
    return %c0_i32, %c0_i32_0 : i32, i32
  }
  func.func @transform_4(%arg0: i32) -> (i32, i32) {
    %c0_i32 = arith.constant 0 : i32
    %c0_i32_0 = arith.constant 0 : i32
    %c0_i32_1 = arith.constant 0 : i32
    return %c0_i32, %c0_i32_0 : i32, i32
  }
  func.func @transform_5(%arg0: i32) -> (i32, i32) {
    %c0_i32 = arith.constant 0 : i32
    %c0_i32_0 = arith.constant 0 : i32
    return %arg0, %c0_i32 : i32, i32
  }
}

module attributes {stable_mosaic.version = 14 : i64} {
  func.func @_update_body(%arg0: i32, %arg1: memref<2x3128x32xf32, #tpu.memory_space<vmem>>, %arg2: memref<2x3128x8xf32, #tpu.memory_space<vmem>>, %arg3: memref<3128x32xf32, #tpu.memory_space<vmem>>, %arg4: memref<32x32xf32, #tpu.memory_space<vmem>>, %arg5: memref<8x32xf32, #tpu.memory_space<vmem>>, %arg6: memref<32x32xf32, #tpu.memory_space<vmem>>, %arg7: memref<32x32xf32, #tpu.memory_space<vmem>>, %arg8: memref<3128x32xf32, #tpu.memory_space<vmem>>) attributes {dimension_semantics = [#tpu.dimension_semantics<arbitrary>], iteration_bounds = array<i64: 16>, scalar_prefetch = 0 : i64, scratch_operands = 0 : i64, tpu.core_type = #tpu.core_type<tc>, window_params = [{transform_indices = @transform_0, window_bounds = array<i64: 2, 3128, 32>}, {transform_indices = @transform_1, window_bounds = array<i64: 2, 3128, 8>}, {transform_indices = @transform_2, window_bounds = array<i64: 3128, 32>}, {pipeline_mode = #tpu.pipeline_mode<synchronous>, transform_indices = @transform_3, window_bounds = array<i64: 32, 32>}, {pipeline_mode = #tpu.pipeline_mode<synchronous>, transform_indices = @transform_4, window_bounds = array<i64: 8, 32>}, {pipeline_mode = #tpu.pipeline_mode<synchronous>, transform_indices = @transform_5, window_bounds = array<i64: 32, 32>}, {pipeline_mode = #tpu.pipeline_mode<synchronous>, transform_indices = @transform_6, window_bounds = array<i64: 32, 32>}, {transform_indices = @transform_7, window_bounds = array<i64: 3128, 32>}]} {
    %get3A = arith.constant 0 : index
    %get3A_0 = arith.constant 0 : index
    %get3A_1 = arith.constant 0 : index
    %get3A_2 = vector.load %arg1[%get3A, %get3A_0, %get3A_1] : memref<2x3128x32xf32, #tpu.memory_space<vmem>>, vector<1x3128x32xf32>
    %get3A_3 = vector.shape_cast %get3A_2 : vector<1x3128x32xf32> to vector<3128x32xf32>
    %get3A_4 = arith.constant 1 : index
    %get3A_5 = arith.constant 0 : index
    %get3A_6 = arith.constant 0 : index
    %get3A_7 = vector.load %arg1[%get3A_4, %get3A_5, %get3A_6] : memref<2x3128x32xf32, #tpu.memory_space<vmem>>, vector<1x3128x32xf32>
    %get3A_8 = vector.shape_cast %get3A_7 : vector<1x3128x32xf32> to vector<3128x32xf32>
    %add3A = arith.addf %get3A_3, %get3A_8 : vector<3128x32xf32>
    %get3A_9 = arith.constant 0 : index
    %get3A_10 = arith.constant 0 : index
    %get3A_11 = arith.constant 0 : index
    %get3A_12 = vector.load %arg2[%get3A_9, %get3A_10, %get3A_11] : memref<2x3128x8xf32, #tpu.memory_space<vmem>>, vector<1x3128x8xf32>
    %get3A_13 = vector.shape_cast %get3A_12 : vector<1x3128x8xf32> to vector<3128x8xf32>
    %get3A_14 = arith.constant 1 : index
    %get3A_15 = arith.constant 0 : index
    %get3A_16 = arith.constant 0 : index
    %get3A_17 = vector.load %arg2[%get3A_14, %get3A_15, %get3A_16] : memref<2x3128x8xf32, #tpu.memory_space<vmem>>, vector<1x3128x8xf32>
    %get3A_18 = vector.shape_cast %get3A_17 : vector<1x3128x8xf32> to vector<3128x8xf32>
    %add3A_19 = arith.addf %get3A_13, %get3A_18 : vector<3128x8xf32>
    %get3A_20 = arith.constant 0 : index
    %get3A_21 = arith.constant 0 : index
    %get3A_22 = vector.load %arg4[%get3A_20, %get3A_21] : memref<32x32xf32, #tpu.memory_space<vmem>>, vector<32x32xf32>
    %dot_general3A = arith.constant dense<0.000000e+00> : vector<3128x32xf32>
    %dot_general3A_23 = tpu.matmul %add3A, %get3A_22, %dot_general3A {dimension_numbers = #tpu.dot_dimension_numbers<[1], [0], [0], [1], [0, 0, 1, 1], [], []>, transpose_lhs_hint = false} : vector<3128x32xf32>, vector<32x32xf32>, vector<3128x32xf32> -> vector<3128x32xf32>
    %get3A_24 = arith.constant 0 : index
    %get3A_25 = arith.constant 0 : index
    %get3A_26 = vector.load %arg5[%get3A_24, %get3A_25] : memref<8x32xf32, #tpu.memory_space<vmem>>, vector<8x32xf32>
    %dot_general3A_27 = arith.constant dense<0.000000e+00> : vector<3128x32xf32>
    %dot_general3A_28 = tpu.matmul %add3A_19, %get3A_26, %dot_general3A_27 {dimension_numbers = #tpu.dot_dimension_numbers<[1], [0], [0], [1], [0, 0, 1, 1], [], []>, transpose_lhs_hint = false} : vector<3128x8xf32>, vector<8x32xf32>, vector<3128x32xf32> -> vector<3128x32xf32>
    %add3A_29 = arith.addf %dot_general3A_23, %dot_general3A_28 : vector<3128x32xf32>
    %get3A_30 = arith.constant 0 : index
    %get3A_31 = arith.constant 0 : index
    %get3A_32 = vector.load %arg6[%get3A_30, %get3A_31] : memref<32x32xf32, #tpu.memory_space<vmem>>, vector<32x32xf32>
    %dot_general3A_33 = arith.constant dense<0.000000e+00> : vector<3128x32xf32>
    %dot_general3A_34 = tpu.matmul %add3A_29, %get3A_32, %dot_general3A_33 {dimension_numbers = #tpu.dot_dimension_numbers<[1], [0], [0], [1], [0, 0, 1, 1], [], []>, transpose_lhs_hint = false} : vector<3128x32xf32>, vector<32x32xf32>, vector<3128x32xf32> -> vector<3128x32xf32>
    %get3A_35 = arith.constant 0 : index
    %get3A_36 = arith.constant 0 : index
    %get3A_37 = vector.load %arg3[%get3A_35, %get3A_36] : memref<3128x32xf32, #tpu.memory_space<vmem>>, vector<3128x32xf32>
    %get3A_38 = arith.constant 0 : index
    %get3A_39 = arith.constant 0 : index
    %get3A_40 = vector.load %arg7[%get3A_38, %get3A_39] : memref<32x32xf32, #tpu.memory_space<vmem>>, vector<32x32xf32>
    %dot_general3A_41 = arith.constant dense<0.000000e+00> : vector<3128x32xf32>
    %dot_general3A_42 = tpu.matmul %get3A_37, %get3A_40, %dot_general3A_41 {dimension_numbers = #tpu.dot_dimension_numbers<[1], [0], [0], [1], [0, 0, 1, 1], [], []>, transpose_lhs_hint = false} : vector<3128x32xf32>, vector<32x32xf32>, vector<3128x32xf32> -> vector<3128x32xf32>
    %add3A_43 = arith.addf %dot_general3A_34, %dot_general3A_42 : vector<3128x32xf32>
    %logistic3A = arith.negf %add3A_43 : vector<3128x32xf32>
    %logistic3A_44 = math.exp %logistic3A : vector<3128x32xf32>
    %logistic3A_45 = arith.constant 1.000000e+00 : f32
    %logistic3A_46 = vector.broadcast %logistic3A_45 : f32 to vector<3128x32xf32>
    %logistic3A_47 = arith.addf %logistic3A_46, %logistic3A_44 : vector<3128x32xf32>
    %logistic3A_48 = arith.divf %logistic3A_46, %logistic3A_47 : vector<3128x32xf32>
    %swap3A = arith.constant 0 : index
    %swap3A_49 = arith.constant 0 : index
    %swap3A_50 = vector.load %arg8[%swap3A, %swap3A_49] : memref<3128x32xf32, #tpu.memory_space<vmem>>, vector<3128x32xf32>
    tpu.vector_store %arg8[%swap3A, %swap3A_49], %logistic3A_48 {strides = array<i32>} : memref<3128x32xf32, #tpu.memory_space<vmem>>, vector<3128x32xf32>,
    return
  }
  func.func @transform_0(%arg0: i32) -> (i32, i32, i32) {
    %c0_i32 = arith.constant 0 : i32
    %c0_i32_0 = arith.constant 0 : i32
    %c0_i32_1 = arith.constant 0 : i32
    return %c0_i32, %arg0, %c0_i32_0 : i32, i32, i32
  }
  func.func @transform_1(%arg0: i32) -> (i32, i32, i32) {
    %c0_i32 = arith.constant 0 : i32
    %c0_i32_0 = arith.constant 0 : i32
    %c0_i32_1 = arith.constant 0 : i32
    return %c0_i32, %arg0, %c0_i32_0 : i32, i32, i32
  }
  func.func @transform_2(%arg0: i32) -> (i32, i32) {
    %c0_i32 = arith.constant 0 : i32
    %c0_i32_0 = arith.constant 0 : i32
    return %arg0, %c0_i32 : i32, i32
  }
  func.func @transform_3(%arg0: i32) -> (i32, i32) {
    %c0_i32 = arith.constant 0 : i32
    %c0_i32_0 = arith.constant 0 : i32
    %c0_i32_1 = arith.constant 0 : i32
    return %c0_i32, %c0_i32_0 : i32, i32
  }
  func.func @transform_4(%arg0: i32) -> (i32, i32) {
    %c0_i32 = arith.constant 0 : i32
    %c0_i32_0 = arith.constant 0 : i32
    %c0_i32_1 = arith.constant 0 : i32
    return %c0_i32, %c0_i32_0 : i32, i32
  }
  func.func @transform_5(%arg0: i32) -> (i32, i32) {
    %c0_i32 = arith.constant 0 : i32
    %c0_i32_0 = arith.constant 0 : i32
    %c0_i32_1 = arith.constant 0 : i32
    return %c0_i32, %c0_i32_0 : i32, i32
  }
  func.func @transform_6(%arg0: i32) -> (i32, i32) {
    %c0_i32 = arith.constant 0 : i32
    %c0_i32_0 = arith.constant 0 : i32
    %c0_i32_1 = arith.constant 0 : i32
    return %c0_i32, %c0_i32_0 : i32, i32
  }
  func.func @transform_7(%arg0: i32) -> (i32, i32) {
    %c0_i32 = arith.constant 0 : i32
    %c0_i32_0 = arith.constant 0 : i32
    return %arg0, %c0_i32 : i32, i32
  }
}

</mosaic_0001>

<sc_bundles>
// kernel: kernel.11.cloned.1.call-start
scs
__scs_entry_jumppad:
0x0: {  	(pc) =	sbr.rel $0x88, $3  }
0x1: {  	(tag) =	ssettag $0x0;
	lr =	simm.s32 $0x1  }
0x2: {  	[smem:$0x3F92] =	sst lr;
	_ =	strace $0xD0000000  }
0x3: {  	_ = 	snop  }
0x4: {  	_ = 	snop  }
0x5: {  	_ = 	snop  }
0x6: {  	_ = 	snop  }
0x7: {  	_ = 	snop  }
__scs_overlays_trampoline_lowered:
0x8: {  	[smem:$0x3FA1] =	sst s0  }
0x9: {  	[smem:$0x3FA2] =	sst s1  }
0xa: {  	[smem:$0x3FA3] =	sst s2  }
0xb: {  	[smem:$0x3FA4] =	sst s3  }
0xc: {  	[smem:$0x3FA5] =	sst s4  }
0xd: {  	[smem:$0x3FA6] =	sst s5  }
0xe: {  	[smem:$0x3FA7] =	sst s6  }
0xf: {  	[smem:$0x3FA8] =	sst s7  }
0x10: {  	[smem:$0x3FA9] =	sst s8  }
0x11: {  	[smem:$0x3FAA] =	sst s9;
	s0 =	simm.s32 @!p0 $0x0  }
0x12: {  	s1 =	sld [smem:$0x3F90];
	s0 =	simm.s32 @p0 $0x1  }
0x13: {  	[smem:$0x3FAB] =	sst s0;
	s0 =	simm.s32 @!p1 $0x0  }
0x14: {  	s2 =	sld [smem:$0x3F8F];
	s0 =	simm.s32 @p1 $0x1  }
0x15: {  	[smem:$0x3FAC] =	sst s0;
	s0 =	simm.s32 @!p2 $0x0  }
0x16: {  	s3 =	sld [smem:$0x3FDB];
	s0 =	simm.s32 @p2 $0x1  }
0x17: {  	s4 =	simm.s32 $0x1BF5;
	[smem:$0x3FAE] =	sst s0  }
0x18: {  	s0 =	sld [smem:$0x3F91];
	_ =	swait.ge [sflag:s4], $0x0  }
0x19: {  	s7 =	sld [smem:$0x3F92]  }
0x1a: {  	s8 =	sadd.s32 $0xFFFFE003, lr  }
0x1b: {  	s9 =	sadd.s32 $0xFFFFFEF7, lr;
	s5 =	simm.s32 $0xFFFFFFFF;
	p2 =	slt.u32 s8, $0xFFFFF086  }
0x1c: {  	p1 =	slt.u32 s9, $0xF7A;
	s5 =	simm.s32 @!p2 $0x0  }
0x1d: {  	s5 =	simm.s32 @p1 $0x1;
	p0 =	seq.s32 s7, s2  }
0x1e: {  	s7 =	smul.u32 @!p0 $0xF7A, s2;
	p2 =	seq.s32 @!p0 s5, $0x0  }
0x1f: {  	s9 =	smul.u32 $0xF7A, s1;
	s8 =	simm.s32 @!p0 $0x1BF5;
	p2 =	por !p2, p0  }
0x20: {  	[sflag:s8] =	ssyncset.s32 @!p0 $0xFFFFF086;
	s6 =	sadd.s32 @!p0 s3, s7;
	s7 =	simm.s32 @!p0 $0x108  }
0x21: {  	s3 =	sadd.s32 s3, s9;
	s6 =	sadd.s32 @!p0 $0x88, s6;
	s7 =	simm.s32 @p2 $0x1082  }
0x22: {  	[simem:s7], [sflag:s8] =	dma.local @!p0 [hbm:s6], $0xF7A  }
0x23: {  	s9 =	sor.u32 $0xD0000000, s2;
	s6 =	simm.s32 $0x108;
	_ =	swait.ge @!p0 [sflag:s8], $0x0  }
0x24: {  	s3 =	sadd.s32 $0x88, s3;
	s6 =	simm.s32 @!p1 $0x1082;
	[sflag:s4] =	ssyncset.s32 $0xFFFFF086  }
0x25: {  	[simem:s6], [sflag:s4] =	dma.local [hbm:s3], $0xF7A  }
0x26: {  	[smem:$0x3F92] =	sst s1;
	(tag) =	ssettag s2;
	_ =	strace s9  }
0x27: {  	s1 =	sld [smem:$0x3FA2]  }
0x28: {  	s2 =	sld [smem:$0x3FA3]  }
0x29: {  	s4 =	sld [smem:$0x3FA5]  }
0x2a: {  	p0 =	seq.s32 s5, $0x0;
	s5 =	sld [smem:$0x3FA6]  }
0x2b: {  	s6 =	sld [smem:$0x3FA7]  }
0x2c: {  	s7 =	sld [smem:$0x3FA8]  }
0x2d: {  	s3 =	simm.s32 $0x108;
	s8 =	sld [smem:$0x3FA9]  }
0x2e: {  	s3 =	simm.s32 @!p0 $0x1082;
	s9 =	sld [smem:$0x3FAA]  }
0x2f: {  	lr =	sadd.s32 s0, s3;
	s0 =	sld [smem:$0x3FA1]  }
0x30: {  	s3 =	sld [smem:$0x3FA4]  }
0x31: {  	[smem:$0x3FAD] =	sst s10  }
0x32: {  	s10 =	sld [smem:$0x3FAB];
	_ =	sdelay $0x3  }
0x33: {  	p0 =	seq.s32 s10, $0x1;
	s10 =	sld [smem:$0x3FAD];
	_ =	sdelay $0x3  }
0x34: {  	[smem:$0x3FAD] =	sst s10  }
0x35: {  	s10 =	sld [smem:$0x3FAC];
	_ =	sdelay $0x3  }
0x36: {  	p1 =	seq.s32 s10, $0x1;
	s10 =	sld [smem:$0x3FAD];
	_ =	sdelay $0x3  }
0x37: {  	[smem:$0x3FAD] =	sst s10  }
0x38: {  	s10 =	sld [smem:$0x3FAE]  }
0x39: {  	_ = 	snop;
	(pc) =	sbr.ind lr, $3  }
0x3a: {  	_ = 	snop  }
0x3b: {  	_ = 	snop  }
0x3c: {  	p2 =	seq.s32 s10, $0x1;
	s10 =	sld [smem:$0x3FAD]  }
0x3d: {  	_ =	shalt  }
0x3e: {  	_ =	shalt  }
0x3f: {  	_ =	shalt  }
0x40: {  	_ =	shalt  }
0x41: {  	_ =	shalt  }
0x42: {  	_ =	shalt  }
0x43: {  	_ =	shalt  }
0x44: {  	_ =	shalt  }
0x45: {  	_ =	shalt  }
0x46: {  	_ =	shalt  }
0x47: {  	_ =	shalt  }
0x48: {  	_ =	shalt  }
0x49: {  	_ =	shalt  }
0x4a: {  	_ =	shalt  }
0x4b: {  	_ =	shalt  }
0x4c: {  	_ =	shalt  }
0x4d: {  	_ =	shalt  }
0x4e: {  	_ =	shalt  }
0x4f: {  	_ =	shalt  }
0x50: {  	_ =	shalt  }
0x51: {  	_ =	shalt  }
0x52: {  	_ =	shalt  }
0x53: {  	_ =	shalt  }
0x54: {  	_ =	shalt  }
0x55: {  	_ =	shalt  }
0x56: {  	_ =	shalt  }
0x57: {  	_ =	shalt  }
0x58: {  	_ =	shalt  }
0x59: {  	_ =	shalt  }
0x5a: {  	_ =	shalt  }
0x5b: {  	_ =	shalt  }
0x5c: {  	_ =	shalt  }
0x5d: {  	_ =	shalt  }
0x5e: {  	_ =	shalt  }
0x5f: {  	_ =	shalt  }
0x60: {  	_ =	shalt  }
0x61: {  	_ =	shalt  }
0x62: {  	_ =	shalt  }
0x63: {  	_ =	shalt  }
0x64: {  	_ =	shalt  }
0x65: {  	_ =	shalt  }
0x66: {  	_ =	shalt  }
0x67: {  	_ =	shalt  }
0x68: {  	_ =	shalt  }
0x69: {  	_ =	shalt  }
0x6a: {  	_ =	shalt  }
0x6b: {  	_ =	shalt  }
0x6c: {  	_ =	shalt  }
0x6d: {  	_ =	shalt  }
0x6e: {  	_ =	shalt  }
0x6f: {  	_ =	shalt  }
0x70: {  	_ =	shalt  }
0x71: {  	_ =	shalt  }
0x72: {  	_ =	shalt  }
0x73: {  	_ =	shalt  }
0x74: {  	_ =	shalt  }
0x75: {  	_ =	shalt  }
0x76: {  	_ =	shalt  }
0x77: {  	_ =	shalt  }
0x78: {  	_ =	shalt  }
0x79: {  	_ =	shalt  }
0x7a: {  	_ =	shalt  }
0x7b: {  	_ =	shalt  }
0x7c: {  	_ =	shalt  }
0x7d: {  	_ =	shalt  }
0x7e: {  	_ =	shalt  }
0x7f: {  	_ =	shalt  }
0x80: {  	_ =	shalt  }
0x81: {  	_ =	shalt  }
0x82: {  	_ =	shalt  }
0x83: {  	_ =	shalt  }
0x84: {  	_ =	shalt  }
0x85: {  	_ =	shalt  }
0x86: {  	_ =	shalt  }
0x87: {  	_ =	shalt  }
.Lfunc_end0:
.L_simem_size_0:
called_computation.1_lowered:
.L_overlay_start_0:
0x88: {  	s2 =	sld [smem:$0x3FD9]  }
0x89: {  	s3 =	sld [smem:$0x3FFE];
	_ =	sdelay $0x1  }
0x8a: {  	s1 =	srdreg.scid  }
0x8b: {  	s0 =	sand.u32 $0x1, s1  }
0x8c: {  	s17 =	sshll.u32 s0, $0xA;
	s2 =	sadd.s32 s3, s2  }
0x8d: {  	s2 =	sadd.s32 s2, s17  }
0x8e: {  	[smem:$0x3FB9] =	sst s2  }
0x8f: {  	_ = 	snop  }
0x90: {  	s2 =	sld [smem:$0x3FD0];
	(tm) =	ssettm $0x1  }
0x91: {  	s18 =	sld [smem:$0x3FFB];
	_ =	sdelay $0x3  }
0x92: {  	_ =	strace s18  }
0x93: {  	s3 =	sld [smem:$0x3FFC];
	_ =	sdelay $0x3  }
0x94: {  	_ =	strace s3  }
0x95: {  	s3 =	sld [smem:$0x3FFD];
	_ =	sdelay $0x3  }
0x96: {  	_ =	strace s3  }
0x97: {  	_ =	strace $0x8FFFFFFF  }
0x98: {  	s19 =	sld [smem:$0x3FDB];
	_ =	sdelay $0x1  }
0x99: {  	s4 =	simm.s32 $_scs_section_size  }
0x9a: {  	s5 =	simm.s32 $_size__tile_overlayer_lowered;
	s6 =	simm.s32 $_tile_overlayer_lowered  }
0x9b: {  	s22 =	simm.s32 $0x1BFF;
	s21 =	sshll.u32 s6, $0x1;
	s3 =	sadd.s32 s4, s19  }
0x9c: {  	s7 =	simm.s32 $0x0;
	s20 =	sshll.u32 s5, $0x1;
	s5 =	sadd.s32 s21, s3  }
0x9d: {  	[timem:s7], [sflag:s22] =	dma.local [hbm:s5], s20  }
0x9e: {  	_ =	swait.ge [sflag:s22], s20  }
0x9f: {  	s4 =	ssub.s32 $0x0, s20;
	[sflag:s22] =	ssyncset.done $0x0  }
0xa0: {  	[sflag:s22] =	ssyncadd.s32 s4;
	_ =	sdelay $0x1  }
0xa1: {  	s23 =	simm.s32 $0x1B8B  }
0xa2: {  	_ =	swait.ge [sflag:s23], $0x1  }
0xa3: {  	[sflag:s23] =	ssyncset.done $0x0  }
0xa4: {  	s25 =	simm.s32 $0x1B8E;
	s24 =	sld [smem:$0x3FFE];
	[sflag:s23] =	ssyncadd.s32 $0xFFFFFFFF  }
0xa5: {  	s26 =	simm.s32 $execute0_lowered;
	[smem:$0x3FD2] =	sst s25  }
0xa6: {  	s5 =	sshll.u32 s26, $0x1;
	_ =	strace $0x80000046;
	[dreg:$0x1] =	wrdreg $0xFFFFFFFF  }
0xa7: {  	s28 =	simm.s32 $_size_execute0_lowered;
	s3 =	sadd.s32 s3, s5;
	[dreg:$0x0] =	wrdreg $0x0  }
0xa8: {  	s5 =	sshll.u32 s28, $0x1;
	[dreg:$0x2] =	wrdreg s3  }
0xa9: {  	[dreg:$0x3] =	wrdreg s5  }
0xaa: {  	[dreg:$0x4] =	wrdreg $0xC0  }
0xab: {  	_ =	task [dreg:s7], $0x5FFFF  }
0xac: {  	[dreg:$0x1] =	wrdreg $0xFFFFFFFF  }
0xad: {  	[dreg:$0x0] =	wrdreg $0x60  }
0xae: {  	[dreg:$0x2] =	wrdreg s2  }
0xaf: {  	[dreg:$0x3] =	wrdreg s24  }
0xb0: {  	[dreg:$0x4] =	wrdreg $0x0  }
0xb1: {  	[dreg:$0x5] =	wrdreg $0xA  }
0xb2: {  	_ =	task.clear_ibuf [dreg:s7], $0x6FFFF;
	_ =	strace $0x90000046  }
0xb3: {  	s29 =	simm.s32 $0xA;
	_ =	strace $0x80000048  }
0xb4: {  	_ =	swait.ge [sflag:s29], $0x1  }
0xb5: {  	[sflag:s29] =	ssyncadd.s32 $0xFFFFFFFF  }
0xb6: {  	_ =	strace $0x90000048  }
0xb7: {  	_ =	sfence  }
0xb8: {  	s30 =	sld [smem:$0x0];
	_ =	sdelay $0x2  }
0xb9: {  	s31 =	sshll.u32 s1, $0xD;
	s1 =	sshrl.u32 s1, $0x2  }
0xba: {  	s3 =	sand.u32 $0x4000, s31;
	s1 =	sadd.s32 s1, s30  }
0xbb: {  	s0 =	sor.u32 s3, s0;
	s1 =	sshll.u32 s1, $0x11  }
0xbc: {  	s0 =	sor.u32 s1, s0  }
0xbd: {  	s0 =	sadd.s32 $0x8F2B, s0  }
0xbe: {  	[sflag:s0] =	ssyncadd.remote.s32 $0x1  }
0xbf: {  	_ =	sfence.sel $0xFFFF  }
0xc0: {  	[dreg:$0x0] =	wrdreg $0xFFFFFFFF;
	(pc) =	sbr.abs _section_cstart, $3  }
0xc1: {  	[dreg:$0x1] =	wrdreg $0xFFFFFFFF  }
0xc2: {  	_ =	task.clear_ibuf [dreg:s7], $0x2FFFF;
	_ =	strace $0x9FFFFFFF  }
0xc3: {  	(tm) =	ssettm $0x7FFFFFFF  }
tec
execute0_lowered:
.L_overlay_start_1:
0x0: {  	(tag) =	ssettag $0x1  }
0x1: {  	s1 =	rddreg [dreg:$0x0]  }
0x2: {  	s0 =	rddreg [dreg:$0x1]  }
0x3: {  	s2 =	rddreg [dreg:$0x2];
	s19 =	simm.s32 $0x0;
	s3 =	srdreg.scid  }
0x4: {  	s9 =	stileid.u32;
	s12 =	simm.s32 $0xB;
	s13 =	simm.s32 $0x18700  }
0x5: {  	s15 =	simm.s32 $0x80;
	s16 =	simm.s32 $0x1AF00;
	s18 =	simm.s32 $0x1BF00  }
0x6: {  	s20 =	simm.s32 $0x1CF00;
	s22 =	simm.s32 $0x1DF00;
	s28 =	simm.s32 $0x6  }
0x7: {  	s29 =	simm.s32 $0x2;
	s30 =	simm.s32 $0x7;
	s31 =	simm.s32 $0x3  }
0x8: {  	s11 =	simm.s32 $0x1AD00;
	s14 =	simm.s32 $0x1AE00;
	s17 =	simm.s32 $0x1AE80  }
0x9: {  	[smem:$0x7FF] =	sst s19;
	s3 =	sand.u32 $0x1, s3;
	s5 =	sadd.s32 $0x2800, s0  }
0xa: {  	s6 =	sadd.s32 $0x1B800, s0;
	s7 =	sadd.s32 $0x34800, s0;
	s8 =	smul.u32 $0x18700, s9  }
0xb: {  	s25 =	sshll.u32 s9, $0x6;
	_ =	strace $0x80000047;
	s4 =	smul.u32 $0x30E00, s3  }
0xc: {  	[dreg:$0x5] =	wrdreg s7;
	s23 =	ssub.s32 $0x2, s3;
	s3 =	sshll.u32 s3, $0x4  }
0xd: {  	s21 =	sor.u32 $0x1C0B, s25;
	s25 =	simm.s32 $0x1EF00;
	s7 =	simm.s32 $0x9  }
0xe: {  	s24 =	sshrl.u32 s23, $0x1;
	s3 =	sor.u32 s9, s3;
	s10 =	sadd.s32 s8, s2  }
0xf: {  	s26 =	sshrl.u32 s8, $0x3;
	[dreg:$0x6] =	wrdreg s21;
	s0 =	sadd.s32 s4, s0  }
0x10: {  	s4 =	ssub.s32 s23, s24;
	s9 =	smul.u32 $0xC8, s3;
	s23 =	sshrl.u32 s10, $0x3  }
0x11: {  	s10 =	simm.s32 $0x5;
	s24 =	simm.s32 $0xA;
	s3 =	simm.s32 $0x1AD80  }
0x12: {  	s0 =	sadd.s32 $0x37A00, s0;
	s4 =	smax.u32 s4, $0x1;
	[dreg:$0x8] =	wrdreg s23  }
0x13: {  	[dreg:$0x7] =	wrdreg s4;
	s0 =	sadd.s32 s26, s0;
	s26 =	simm.s32 $0x1  }
0x14: {  	s4 =	simm.s32 $0x4;
	[dreg:$0x9] =	wrdreg s0;
	s0 =	simm.s32 $0x8  }
.LBB2_1:
0x15: {  	[dreg:$0x4] =	wrdreg s19  }
0x16: {  	s8 =	rddreg [dreg:$0x5]  }
0x17: {  	[spmem:s23], [sflag:s21] =	dma.local [hbm:s8], $0x30E0  }
0x18: {  	_ =	swait.ge [sflag:s12], $0x30E0  }
0x19: {  	[sflag:s12] =	ssyncset.done $0x0  }
0x1a: {  	[sflag:s12] =	ssyncadd.s32 $0xFFFFCF20  }
0x1b: {  	s19 =	simm.s32 $0x0;
	[bflag:$0x0] =	sbarrier.arrive $0xFFFF  }
.LBB2_2:
0x1c: {  	s21 =	smul.u32 $0x28, s19;
	_ =	sdelay $0x1  }
0x1d: {  	s21 =	sadd.s32 s9, s21  }
0x1e: {  	s21 =	sshll.u32 s21, $0x4  }
0x1f: {  	s8 =	simm.s32 $0x0;
	s23 =	sadd.s32 s5, s21  }
0x20: {  	[tilespmem:s13], [sflag:$0xB] =	stream.linear.gather [hbm4b:s23+s8], $0x1400, $0x38;
	[tilespmem:$0x1FF00] =	vst v63  }
0x21: {  	_ =	swait.ge [sflag:s12], $0x1400  }
0x22: {  	[sflag:s12] =	ssyncset.done $0x0  }
0x23: {  	s21 =	sadd.s32 s6, s21;
	s23 =	simm.s32 $0x19B00;
	[sflag:s12] =	ssyncadd.s32 $0xFFFFEC00  }
0x24: {  	[tilespmem:s23], [sflag:$0xB] =	stream.linear.gather [hbm4b:s21+s8], $0x1400, $0x38;
	[tilespmem:$0x1FF00] =	vst v63  }
0x25: {  	_ =	swait.ge [sflag:s12], $0x1400  }
0x26: {  	[sflag:s12] =	ssyncset.done $0x0  }
0x27: {  	[sflag:s12] =	ssyncadd.s32 $0xFFFFEC00  }
0x28: {  	[tilespmem:s16], [sflag:$0x1] =	stream.indirect.gather [hbm4b:s1+s15], $0x20, s13, s15, $0xb8;
	[tilespmem:$0x1FF00] =	vst v63  }
0x29: {  	s23 =	simm.s32 $0x18780  }
0x2a: {  	[tilespmem:s18], [sflag:$0x2] =	stream.indirect.gather [hbm4b:s1+s15], $0x20, s23, s15, $0xb8;
	[tilespmem:$0x1FF00] =	vst v63  }
0x2b: {  	s21 =	simm.s32 $0x18800  }
0x2c: {  	[tilespmem:s20], [sflag:$0x3] =	stream.indirect.gather [hbm4b:s1+s15], $0x20, s21, s15, $0xb8;
	[tilespmem:$0x1FF00] =	vst v63  }
0x2d: {  	s23 =	simm.s32 $0x18880  }
0x2e: {  	[tilespmem:s22], [sflag:$0x4] =	stream.indirect.gather [hbm4b:s1+s15], $0x20, s23, s15, $0xb8;
	[tilespmem:$0x1FF00] =	vst v63  }
0x2f: {  	s21 =	simm.s32 $0x18900  }
0x30: {  	[tilespmem:s25], [sflag:$0x5] =	stream.indirect.gather [hbm4b:s1+s15], $0x20, s21, s15, $0xb8;
	[tilespmem:$0x1FF00] =	vst v63  }
0x31: {  	_ =	swait.ge [sflag:s26], $0x1000  }
0x32: {  	[sflag:s26] =	ssyncset.done $0x0  }
0x33: {  	s23 =	simm.s32 $0x19B00;
	[sflag:s26] =	ssyncadd.s32 $0xFFFFF000  }
0x34: {  	[spmem:s2] =	stream.indirect.scatter.add.f32 [tilespmem:s16], [sflag:$0x6], $0x20, s23, s15, $0xb8;
	[tilespmem:$0x1FF00] =	vst v63  }
0x35: {  	_ =	swait.ge [sflag:s28], $0x1000  }
0x36: {  	[sflag:s28] =	ssyncset.done $0x0  }
0x37: {  	s21 =	simm.s32 $0x18980;
	[sflag:s28] =	ssyncadd.s32 $0xFFFFF000  }
0x38: {  	[tilespmem:s16], [sflag:$0x1] =	stream.indirect.gather [hbm4b:s1+s15], $0x20, s21, s15, $0xb8;
	[tilespmem:$0x1FF00] =	vst v63  }
0x39: {  	_ =	swait.ge [sflag:s29], $0x1000  }
0x3a: {  	[sflag:s29] =	ssyncset.done $0x0  }
0x3b: {  	s23 =	simm.s32 $0x19B80;
	[sflag:s29] =	ssyncadd.s32 $0xFFFFF000  }
0x3c: {  	[spmem:s2] =	stream.indirect.scatter.add.f32 [tilespmem:s18], [sflag:$0x7], $0x20, s23, s15, $0xb8;
	[tilespmem:$0x1FF00] =	vst v63  }
0x3d: {  	_ =	swait.ge [sflag:s30], $0x1000  }
0x3e: {  	[sflag:s30] =	ssyncset.done $0x0  }
0x3f: {  	s21 =	simm.s32 $0x18A00;
	[sflag:s30] =	ssyncadd.s32 $0xFFFFF000  }
0x40: {  	[tilespmem:s18], [sflag:$0x2] =	stream.indirect.gather [hbm4b:s1+s15], $0x20, s21, s15, $0xb8;
	[tilespmem:$0x1FF00] =	vst v63  }
0x41: {  	_ =	swait.ge [sflag:s31], $0x1000  }
0x42: {  	[sflag:s31] =	ssyncset.done $0x0  }
0x43: {  	s23 =	simm.s32 $0x19C00;
	[sflag:s31] =	ssyncadd.s32 $0xFFFFF000  }
0x44: {  	[spmem:s2] =	stream.indirect.scatter.add.f32 [tilespmem:s20], [sflag:$0x8], $0x20, s23, s15, $0xb8;
	[tilespmem:$0x1FF00] =	vst v63  }
0x45: {  	_ =	swait.ge [sflag:s0], $0x1000  }
0x46: {  	[sflag:s0] =	ssyncset.done $0x0  }
0x47: {  	s21 =	simm.s32 $0x18A80;
	[sflag:s0] =	ssyncadd.s32 $0xFFFFF000  }
0x48: {  	[tilespmem:s20], [sflag:$0x3] =	stream.indirect.gather [hbm4b:s1+s15], $0x20, s21, s15, $0xb8;
	[tilespmem:$0x1FF00] =	vst v63  }
0x49: {  	_ =	swait.ge [sflag:s4], $0x1000  }
0x4a: {  	[sflag:s4] =	ssyncset.done $0x0  }
0x4b: {  	s23 =	simm.s32 $0x19C80;
	[sflag:s4] =	ssyncadd.s32 $0xFFFFF000  }
0x4c: {  	[spmem:s2] =	stream.indirect.scatter.add.f32 [tilespmem:s22], [sflag:$0x9], $0x20, s23, s15, $0xb8;
	[tilespmem:$0x1FF00] =	vst v63  }
0x4d: {  	_ =	swait.ge [sflag:s7], $0x1000  }
0x4e: {  	[sflag:s7] =	ssyncset.done $0x0  }
0x4f: {  	s21 =	simm.s32 $0x18B00;
	[sflag:s7] =	ssyncadd.s32 $0xFFFFF000  }
0x50: {  	[tilespmem:s22], [sflag:$0x4] =	stream.indirect.gather [hbm4b:s1+s15], $0x20, s21, s15, $0xb8;
	[tilespmem:$0x1FF00] =	vst v63  }
0x51: {  	_ =	swait.ge [sflag:s10], $0x1000  }
0x52: {  	[sflag:s10] =	ssyncset.done $0x0  }
0x53: {  	s23 =	simm.s32 $0x19D00;
	[sflag:s10] =	ssyncadd.s32 $0xFFFFF000  }
0x54: {  	[spmem:s2] =	stream.indirect.scatter.add.f32 [tilespmem:s25], [sflag:$0xA], $0x20, s23, s15, $0xb8;
	[tilespmem:$0x1FF00] =	vst v63  }
0x55: {  	_ =	swait.ge [sflag:s24], $0x1000  }
0x56: {  	[sflag:s24] =	ssyncset.done $0x0  }
0x57: {  	s21 =	simm.s32 $0xA00;
	s23 =	simm.s32 $0x18B80;
	[sflag:s24] =	ssyncadd.s32 $0xFFFFF000  }
.LBB2_3:
0x58: {  	[tilespmem:s25], [sflag:$0x5] =	stream.indirect.gather [hbm4b:s1+s15], $0x20, s23, s15, $0xb8;
	[tilespmem:$0x1FF00] =	vst v63  }
0x59: {  	s8 =	smov.u32 s21  }
0x5a: {  	p0 =	sne.s32 s21, $0x3C00;
	s21 =	sadd.s32 $0xA00, s21;
	_ =	swait.ge [sflag:s26], $0x1000  }
0x5b: {  	s23 =	sshra.s32 s8, $0x2;
	[sflag:s26] =	ssyncset.done $0x0  }
0x5c: {  	s8 =	sadd.s32 $0x19B00, s23;
	[sflag:s26] =	ssyncadd.s32 $0xFFFFF000  }
0x5d: {  	[spmem:s2] =	stream.indirect.scatter.add.f32 [tilespmem:s16], [sflag:$0x6], $0x20, s8, s15, $0xb8;
	[tilespmem:$0x1FF00] =	vst v63  }
0x5e: {  	_ =	swait.ge [sflag:s28], $0x1000  }
0x5f: {  	[sflag:s28] =	ssyncset.done $0x0  }
0x60: {  	s8 =	sadd.s32 $0x18980, s23;
	[sflag:s28] =	ssyncadd.s32 $0xFFFFF000  }
0x61: {  	[tilespmem:s16], [sflag:$0x1] =	stream.indirect.gather [hbm4b:s1+s15], $0x20, s8, s15, $0xb8;
	[tilespmem:$0x1FF00] =	vst v63  }
0x62: {  	_ =	swait.ge [sflag:s29], $0x1000  }
0x63: {  	[sflag:s29] =	ssyncset.done $0x0  }
0x64: {  	s8 =	sadd.s32 $0x19B80, s23;
	[sflag:s29] =	ssyncadd.s32 $0xFFFFF000  }
0x65: {  	[spmem:s2] =	stream.indirect.scatter.add.f32 [tilespmem:s18], [sflag:$0x7], $0x20, s8, s15, $0xb8;
	[tilespmem:$0x1FF00] =	vst v63  }
0x66: {  	_ =	swait.ge [sflag:s30], $0x1000  }
0x67: {  	[sflag:s30] =	ssyncset.done $0x0  }
0x68: {  	s8 =	sadd.s32 $0x18A00, s23;
	[sflag:s30] =	ssyncadd.s32 $0xFFFFF000  }
0x69: {  	[tilespmem:s18], [sflag:$0x2] =	stream.indirect.gather [hbm4b:s1+s15], $0x20, s8, s15, $0xb8;
	[tilespmem:$0x1FF00] =	vst v63  }
0x6a: {  	_ =	swait.ge [sflag:s31], $0x1000  }
0x6b: {  	[sflag:s31] =	ssyncset.done $0x0  }
0x6c: {  	s8 =	sadd.s32 $0x19C00, s23;
	[sflag:s31] =	ssyncadd.s32 $0xFFFFF000  }
0x6d: {  	[spmem:s2] =	stream.indirect.scatter.add.f32 [tilespmem:s20], [sflag:$0x8], $0x20, s8, s15, $0xb8;
	[tilespmem:$0x1FF00] =	vst v63  }
0x6e: {  	_ =	swait.ge [sflag:s0], $0x1000  }
0x6f: {  	[sflag:s0] =	ssyncset.done $0x0  }
0x70: {  	s8 =	sadd.s32 $0x18A80, s23;
	[sflag:s0] =	ssyncadd.s32 $0xFFFFF000  }
0x71: {  	[tilespmem:s20], [sflag:$0x3] =	stream.indirect.gather [hbm4b:s1+s15], $0x20, s8, s15, $0xb8;
	[tilespmem:$0x1FF00] =	vst v63  }
0x72: {  	_ =	swait.ge [sflag:s4], $0x1000  }
0x73: {  	[sflag:s4] =	ssyncset.done $0x0  }
0x74: {  	s8 =	sadd.s32 $0x19C80, s23;
	[sflag:s4] =	ssyncadd.s32 $0xFFFFF000  }
0x75: {  	[spmem:s2] =	stream.indirect.scatter.add.f32 [tilespmem:s22], [sflag:$0x9], $0x20, s8, s15, $0xb8;
	[tilespmem:$0x1FF00] =	vst v63  }
0x76: {  	_ =	swait.ge [sflag:s7], $0x1000  }
0x77: {  	[sflag:s7] =	ssyncset.done $0x0  }
0x78: {  	s8 =	sadd.s32 $0x18B00, s23;
	[sflag:s7] =	ssyncadd.s32 $0xFFFFF000  }
0x79: {  	[tilespmem:s22], [sflag:$0x4] =	stream.indirect.gather [hbm4b:s1+s15], $0x20, s8, s15, $0xb8;
	[tilespmem:$0x1FF00] =	vst v63  }
0x7a: {  	_ =	swait.ge [sflag:s10], $0x1000  }
0x7b: {  	[sflag:s10] =	ssyncset.done $0x0  }
.Ltmp0:
0x7c: {  	s8 =	sadd.s32 $0x19D00, s23;
	[sflag:s10] =	ssyncadd.s32 $0xFFFFF000;
	(pc) =	sbr.rel @p0 .LBB2_3-.Ltmp0, $4  }
0x7d: {  	[spmem:s2] =	stream.indirect.scatter.add.f32 [tilespmem:s25], [sflag:$0xA], $0x20, s8, s15, $0xb8;
	[tilespmem:$0x1FF00] =	vst v63  }
0x7e: {  	_ =	swait.ge [sflag:s24], $0x1000  }
0x7f: {  	[sflag:s24] =	ssyncset.done $0x0  }
0x80: {  	s23 =	sadd.s32 $0x18B80, s23;
	[sflag:s24] =	ssyncadd.s32 $0xFFFFF000  }
0x81: {  	[tilespmem:s25], [sflag:$0x5] =	stream.indirect.gather [hbm4b:s1+s15], $0x20, s23, s15, $0xb8;
	[tilespmem:$0x1FF00] =	vst v63  }
0x82: {  	_ =	swait.ge [sflag:s26], $0x1000  }
0x83: {  	[sflag:s26] =	ssyncset.done $0x0  }
0x84: {  	s8 =	simm.s32 $0x1AC80;
	[sflag:s26] =	ssyncadd.s32 $0xFFFFF000  }
0x85: {  	[spmem:s2] =	stream.indirect.scatter.add.f32 [tilespmem:s16], [sflag:$0x6], $0x20, s8, s15, $0xb8;
	[tilespmem:$0x1FF00] =	vst v63  }
0x86: {  	_ =	swait.ge [sflag:s29], $0x1000  }
0x87: {  	[sflag:s29] =	ssyncset.done $0x0  }
0x88: {  	[sflag:s29] =	ssyncadd.s32 $0xFFFFF000  }
0x89: {  	[spmem:s2] =	stream.indirect.scatter.add.f32 [tilespmem:s18], [sflag:$0x7], $0x20, s11, s15, $0xb8;
	[tilespmem:$0x1FF00] =	vst v63  }
0x8a: {  	_ =	swait.ge [sflag:s31], $0x1000  }
0x8b: {  	[sflag:s31] =	ssyncset.done $0x0  }
0x8c: {  	[sflag:s31] =	ssyncadd.s32 $0xFFFFF000  }
0x8d: {  	[spmem:s2] =	stream.indirect.scatter.add.f32 [tilespmem:s20], [sflag:$0x8], $0x20, s3, s15, $0xb8;
	[tilespmem:$0x1FF00] =	vst v63  }
0x8e: {  	_ =	swait.ge [sflag:s4], $0x1000  }
0x8f: {  	[sflag:s4] =	ssyncset.done $0x0  }
0x90: {  	[sflag:s4] =	ssyncadd.s32 $0xFFFFF000  }
0x91: {  	[spmem:s2] =	stream.indirect.scatter.add.f32 [tilespmem:s22], [sflag:$0x9], $0x20, s14, s15, $0xb8;
	[tilespmem:$0x1FF00] =	vst v63  }
0x92: {  	_ =	swait.ge [sflag:s10], $0x1000  }
0x93: {  	[sflag:s10] =	ssyncset.done $0x0  }
0x94: {  	[sflag:s10] =	ssyncadd.s32 $0xFFFFF000  }
0x95: {  	[spmem:s2] =	stream.indirect.scatter.add.f32 [tilespmem:s25], [sflag:$0xA], $0x20, s17, s15, $0xb8;
	[tilespmem:$0x1FF00] =	vst v63  }
0x96: {  	_ =	swait.ge [sflag:s28], $0x1000  }
0x97: {  	[sflag:s28] =	ssyncset.done $0x0  }
0x98: {  	[sflag:s28] =	ssyncadd.s32 $0xFFFFF000  }
0x99: {  	_ =	swait.ge [sflag:s30], $0x1000  }
0x9a: {  	[sflag:s30] =	ssyncset.done $0x0  }
0x9b: {  	[sflag:s30] =	ssyncadd.s32 $0xFFFFF000  }
0x9c: {  	_ =	swait.ge [sflag:s0], $0x1000  }
0x9d: {  	[sflag:s0] =	ssyncset.done $0x0  }
0x9e: {  	s19 =	sadd.s32 $0x1, s19;
	[sflag:s0] =	ssyncadd.s32 $0xFFFFF000  }
0x9f: {  	p0 =	sne.s32 s19, $0x5;
	_ =	swait.ge [sflag:s7], $0x1000  }
.Ltmp1:
0xa0: {  	[sflag:s7] =	ssyncset.done $0x0;
	(pc) =	sbr.rel @p0 .LBB2_2-.Ltmp1, $4  }
0xa1: {  	[sflag:s7] =	ssyncadd.s32 $0xFFFFF000  }
0xa2: {  	_ =	swait.ge [sflag:s24], $0x1000  }
0xa3: {  	[sflag:s24] =	ssyncset.done $0x0  }
0xa4: {  	[sflag:s24] =	ssyncadd.s32 $0xFFFFF000  }
0xa5: {  	[bflag:$0x0] =	sbarrier.arrive $0xFFFF  }
0xa6: {  	s21 =	rddreg [dreg:$0x6]  }
0xa7: {  	s23 =	rddreg [dreg:$0x8]  }
0xa8: {  	s8 =	rddreg [dreg:$0x9]  }
0xa9: {  	[hbm:s8], [sflag:s21] =	dma.local [spmem:s23], $0x30E0  }
0xaa: {  	_ =	swait.ge [sflag:s12], $0x30E0  }
0xab: {  	s19 =	rddreg [dreg:$0x4]  }
0xac: {  	s8 =	rddreg [dreg:$0x7];
	s19 =	sadd.s32 $0x1, s19  }
0xad: {  	p0 =	sne.s32 s19, s8  }
.Ltmp2:
0xae: {  	_ = 	snop;
	(pc) =	sbr.rel @p0 .LBB2_1-.Ltmp2, $3  }
0xaf: {  	_ =	sdelay $0x1  }
0xb0: {  	[sflag:s12] =	ssyncset.done $0x0  }
0xb1: {  	[sflag:s12] =	ssyncadd.s32 $0xFFFFCF20  }
0xb2: {  	_ =	sfence.sel $0x180000  }
0xb3: {  	[bflag:$0x0] =	sbarrier.arrive $0xFFFF  }
0xb4: {  	_ =	strace $0x90000047  }
0xb5: {  	s0 =	stileid.u32;
	[bflag:$0x2] =	sbarrier.arrive $0xFFFF  }
0xb6: {  	p0 =	sne.s32 s0, $0x0;
	s0 =	rddreg [dreg:$0x3]  }
0xb7: {  	s0 =	sadd.s32 @!p0 $0x100000, s0  }
0xb8: {  	[sflag:s0] =	ssyncadd.tile.s32 @!p0 $0x1;
	_ =	shalt  }
.Lfunc_end2:
_tile_overlayer_lowered:
.L_overlay_start_2:
0xb9: {  	(tag) =	ssettag $0x2  }
0xba: {  	s0 =	rddreg [dreg:$0x0];
	s2 =	stileid.u32  }
0xbb: {  	s1 =	rddreg [dreg:$0x1];
	p0 =	sne.s32 s2, $0x0  }
0xbc: {  	s3 =	rddreg [dreg:$0x2];
	[bflag:$0x3] =	sbarrier.arrive $0xFFFF;
	s2 =	simm.s32 @!p0 $0x1C0B  }
0xbd: {  	[timem:s3], [sflag:s2] =	dma.local @!p0 [hbm:s0], s1  }
0xbe: {  	s0 =	simm.s32 @!p0 $0xB  }
0xbf: {  	_ =	swait.ge @!p0 [sflag:s0], s1  }
0xc0: {  	s1 =	ssub.s32 @!p0 $0x0, s1;
	[sflag:s0] =	ssyncset.done @!p0 $0x0  }
0xc1: {  	[sflag:s0] =	ssyncadd.s32 @!p0 s1  }
0xc2: {  	[bflag:$0x3] =	sbarrier.arrive $0xFFFF  }
0xc3: {  	_ =	shalt  }

// kernel: kernel.14.cloned.1.call-start
scs
__scs_entry_jumppad:
0x0: {  	(pc) =	sbr.rel $0x88, $3  }
0x1: {  	(tag) =	ssettag $0x0;
	lr =	simm.s32 $0x1  }
0x2: {  	[smem:$0x3F92] =	sst lr;
	_ =	strace $0xD0000000  }
0x3: {  	_ = 	snop  }
0x4: {  	_ = 	snop  }
0x5: {  	_ = 	snop  }
0x6: {  	_ = 	snop  }
0x7: {  	_ = 	snop  }
__scs_overlays_trampoline_lowered:
0x8: {  	[smem:$0x3FA1] =	sst s0  }
0x9: {  	[smem:$0x3FA2] =	sst s1  }
0xa: {  	[smem:$0x3FA3] =	sst s2  }
0xb: {  	[smem:$0x3FA4] =	sst s3  }
0xc: {  	[smem:$0x3FA5] =	sst s4  }
0xd: {  	[smem:$0x3FA6] =	sst s5  }
0xe: {  	[smem:$0x3FA7] =	sst s6  }
0xf: {  	[smem:$0x3FA8] =	sst s7  }
0x10: {  	[smem:$0x3FA9] =	sst s8  }
0x11: {  	[smem:$0x3FAA] =	sst s9;
	s0 =	simm.s32 @!p0 $0x0  }
0x12: {  	s1 =	sld [smem:$0x3F90];
	s0 =	simm.s32 @p0 $0x1  }
0x13: {  	[smem:$0x3FAB] =	sst s0;
	s0 =	simm.s32 @!p1 $0x0  }
0x14: {  	s2 =	sld [smem:$0x3F8F];
	s0 =	simm.s32 @p1 $0x1  }
0x15: {  	[smem:$0x3FAC] =	sst s0;
	s0 =	simm.s32 @!p2 $0x0  }
0x16: {  	s3 =	sld [smem:$0x3FDB];
	s0 =	simm.s32 @p2 $0x1  }
0x17: {  	s4 =	simm.s32 $0x1BF5;
	[smem:$0x3FAE] =	sst s0  }
0x18: {  	s0 =	sld [smem:$0x3F91];
	_ =	swait.ge [sflag:s4], $0x0  }
0x19: {  	s7 =	sld [smem:$0x3F92]  }
0x1a: {  	s8 =	sadd.s32 $0xFFFFE003, lr  }
0x1b: {  	s9 =	sadd.s32 $0xFFFFFEF7, lr;
	s5 =	simm.s32 $0xFFFFFFFF;
	p2 =	slt.u32 s8, $0xFFFFF086  }
0x1c: {  	p1 =	slt.u32 s9, $0xF7A;
	s5 =	simm.s32 @!p2 $0x0  }
0x1d: {  	s5 =	simm.s32 @p1 $0x1;
	p0 =	seq.s32 s7, s2  }
0x1e: {  	s7 =	smul.u32 @!p0 $0xF7A, s2;
	p2 =	seq.s32 @!p0 s5, $0x0  }
0x1f: {  	s9 =	smul.u32 $0xF7A, s1;
	s8 =	simm.s32 @!p0 $0x1BF5;
	p2 =	por !p2, p0  }
0x20: {  	[sflag:s8] =	ssyncset.s32 @!p0 $0xFFFFF086;
	s6 =	sadd.s32 @!p0 s3, s7;
	s7 =	simm.s32 @!p0 $0x108  }
0x21: {  	s3 =	sadd.s32 s3, s9;
	s6 =	sadd.s32 @!p0 $0x88, s6;
	s7 =	simm.s32 @p2 $0x1082  }
0x22: {  	[simem:s7], [sflag:s8] =	dma.local @!p0 [hbm:s6], $0xF7A  }
0x23: {  	s9 =	sor.u32 $0xD0000000, s2;
	s6 =	simm.s32 $0x108;
	_ =	swait.ge @!p0 [sflag:s8], $0x0  }
0x24: {  	s3 =	sadd.s32 $0x88, s3;
	s6 =	simm.s32 @!p1 $0x1082;
	[sflag:s4] =	ssyncset.s32 $0xFFFFF086  }
0x25: {  	[simem:s6], [sflag:s4] =	dma.local [hbm:s3], $0xF7A  }
0x26: {  	[smem:$0x3F92] =	sst s1;
	(tag) =	ssettag s2;
	_ =	strace s9  }
0x27: {  	s1 =	sld [smem:$0x3FA2]  }
0x28: {  	s2 =	sld [smem:$0x3FA3]  }
0x29: {  	s4 =	sld [smem:$0x3FA5]  }
0x2a: {  	p0 =	seq.s32 s5, $0x0;
	s5 =	sld [smem:$0x3FA6]  }
0x2b: {  	s6 =	sld [smem:$0x3FA7]  }
0x2c: {  	s7 =	sld [smem:$0x3FA8]  }
0x2d: {  	s3 =	simm.s32 $0x108;
	s8 =	sld [smem:$0x3FA9]  }
0x2e: {  	s3 =	simm.s32 @!p0 $0x1082;
	s9 =	sld [smem:$0x3FAA]  }
0x2f: {  	lr =	sadd.s32 s0, s3;
	s0 =	sld [smem:$0x3FA1]  }
0x30: {  	s3 =	sld [smem:$0x3FA4]  }
0x31: {  	[smem:$0x3FAD] =	sst s10  }
0x32: {  	s10 =	sld [smem:$0x3FAB];
	_ =	sdelay $0x3  }
0x33: {  	p0 =	seq.s32 s10, $0x1;
	s10 =	sld [smem:$0x3FAD];
	_ =	sdelay $0x3  }
0x34: {  	[smem:$0x3FAD] =	sst s10  }
0x35: {  	s10 =	sld [smem:$0x3FAC];
	_ =	sdelay $0x3  }
0x36: {  	p1 =	seq.s32 s10, $0x1;
	s10 =	sld [smem:$0x3FAD];
	_ =	sdelay $0x3  }
0x37: {  	[smem:$0x3FAD] =	sst s10  }
0x38: {  	s10 =	sld [smem:$0x3FAE]  }
0x39: {  	_ = 	snop;
	(pc) =	sbr.ind lr, $3  }
0x3a: {  	_ = 	snop  }
0x3b: {  	_ = 	snop  }
0x3c: {  	p2 =	seq.s32 s10, $0x1;
	s10 =	sld [smem:$0x3FAD]  }
0x3d: {  	_ =	shalt  }
0x3e: {  	_ =	shalt  }
0x3f: {  	_ =	shalt  }
0x40: {  	_ =	shalt  }
0x41: {  	_ =	shalt  }
0x42: {  	_ =	shalt  }
0x43: {  	_ =	shalt  }
0x44: {  	_ =	shalt  }
0x45: {  	_ =	shalt  }
0x46: {  	_ =	shalt  }
0x47: {  	_ =	shalt  }
0x48: {  	_ =	shalt  }
0x49: {  	_ =	shalt  }
0x4a: {  	_ =	shalt  }
0x4b: {  	_ =	shalt  }
0x4c: {  	_ =	shalt  }
0x4d: {  	_ =	shalt  }
0x4e: {  	_ =	shalt  }
0x4f: {  	_ =	shalt  }
0x50: {  	_ =	shalt  }
0x51: {  	_ =	shalt  }
0x52: {  	_ =	shalt  }
0x53: {  	_ =	shalt  }
0x54: {  	_ =	shalt  }
0x55: {  	_ =	shalt  }
0x56: {  	_ =	shalt  }
0x57: {  	_ =	shalt  }
0x58: {  	_ =	shalt  }
0x59: {  	_ =	shalt  }
0x5a: {  	_ =	shalt  }
0x5b: {  	_ =	shalt  }
0x5c: {  	_ =	shalt  }
0x5d: {  	_ =	shalt  }
0x5e: {  	_ =	shalt  }
0x5f: {  	_ =	shalt  }
0x60: {  	_ =	shalt  }
0x61: {  	_ =	shalt  }
0x62: {  	_ =	shalt  }
0x63: {  	_ =	shalt  }
0x64: {  	_ =	shalt  }
0x65: {  	_ =	shalt  }
0x66: {  	_ =	shalt  }
0x67: {  	_ =	shalt  }
0x68: {  	_ =	shalt  }
0x69: {  	_ =	shalt  }
0x6a: {  	_ =	shalt  }
0x6b: {  	_ =	shalt  }
0x6c: {  	_ =	shalt  }
0x6d: {  	_ =	shalt  }
0x6e: {  	_ =	shalt  }
0x6f: {  	_ =	shalt  }
0x70: {  	_ =	shalt  }
0x71: {  	_ =	shalt  }
0x72: {  	_ =	shalt  }
0x73: {  	_ =	shalt  }
0x74: {  	_ =	shalt  }
0x75: {  	_ =	shalt  }
0x76: {  	_ =	shalt  }
0x77: {  	_ =	shalt  }
0x78: {  	_ =	shalt  }
0x79: {  	_ =	shalt  }
0x7a: {  	_ =	shalt  }
0x7b: {  	_ =	shalt  }
0x7c: {  	_ =	shalt  }
0x7d: {  	_ =	shalt  }
0x7e: {  	_ =	shalt  }
0x7f: {  	_ =	shalt  }
0x80: {  	_ =	shalt  }
0x81: {  	_ =	shalt  }
0x82: {  	_ =	shalt  }
0x83: {  	_ =	shalt  }
0x84: {  	_ =	shalt  }
0x85: {  	_ =	shalt  }
0x86: {  	_ =	shalt  }
0x87: {  	_ =	shalt  }
.Lfunc_end0:
.L_simem_size_0:
called_computation.2_lowered:
.L_overlay_start_0:
0x88: {  	s2 =	sld [smem:$0x3FD9]  }
0x89: {  	s3 =	sld [smem:$0x3FFE];
	_ =	sdelay $0x1  }
0x8a: {  	s1 =	srdreg.scid  }
0x8b: {  	s0 =	sand.u32 $0x1, s1  }
0x8c: {  	s17 =	sshll.u32 s0, $0xA;
	s2 =	sadd.s32 s3, s2  }
0x8d: {  	s2 =	sadd.s32 s2, s17  }
0x8e: {  	[smem:$0x3FB9] =	sst s2  }
0x8f: {  	_ = 	snop  }
0x90: {  	s2 =	sld [smem:$0x3FD0];
	(tm) =	ssettm $0x1  }
0x91: {  	s18 =	sld [smem:$0x3FFB];
	_ =	sdelay $0x3  }
0x92: {  	_ =	strace s18  }
0x93: {  	s3 =	sld [smem:$0x3FFC];
	_ =	sdelay $0x3  }
0x94: {  	_ =	strace s3  }
0x95: {  	s3 =	sld [smem:$0x3FFD];
	_ =	sdelay $0x3  }
0x96: {  	_ =	strace s3  }
0x97: {  	_ =	strace $0x8FFFFFFF  }
0x98: {  	s19 =	sld [smem:$0x3FDB];
	_ =	sdelay $0x1  }
0x99: {  	s4 =	simm.s32 $_scs_section_size  }
0x9a: {  	s5 =	simm.s32 $_size__tile_overlayer_lowered;
	s6 =	simm.s32 $_tile_overlayer_lowered  }
0x9b: {  	s22 =	simm.s32 $0x1BFF;
	s21 =	sshll.u32 s6, $0x1;
	s3 =	sadd.s32 s4, s19  }
0x9c: {  	s7 =	simm.s32 $0x0;
	s20 =	sshll.u32 s5, $0x1;
	s5 =	sadd.s32 s21, s3  }
0x9d: {  	[timem:s7], [sflag:s22] =	dma.local [hbm:s5], s20  }
0x9e: {  	_ =	swait.ge [sflag:s22], s20  }
0x9f: {  	s4 =	ssub.s32 $0x0, s20;
	[sflag:s22] =	ssyncset.done $0x0  }
0xa0: {  	[sflag:s22] =	ssyncadd.s32 s4;
	_ =	sdelay $0x1  }
0xa1: {  	s23 =	simm.s32 $0x1B8B  }
0xa2: {  	_ =	swait.ge [sflag:s23], $0x1  }
0xa3: {  	[sflag:s23] =	ssyncset.done $0x0  }
0xa4: {  	s25 =	simm.s32 $0x1B8E;
	s24 =	sld [smem:$0x3FFE];
	[sflag:s23] =	ssyncadd.s32 $0xFFFFFFFF  }
0xa5: {  	s26 =	simm.s32 $execute0_lowered;
	[smem:$0x3FD2] =	sst s25  }
0xa6: {  	s5 =	sshll.u32 s26, $0x1;
	_ =	strace $0x8000004C;
	[dreg:$0x1] =	wrdreg $0xFFFFFFFF  }
0xa7: {  	s28 =	simm.s32 $_size_execute0_lowered;
	s3 =	sadd.s32 s3, s5;
	[dreg:$0x0] =	wrdreg $0x0  }
0xa8: {  	s5 =	sshll.u32 s28, $0x1;
	[dreg:$0x2] =	wrdreg s3  }
0xa9: {  	[dreg:$0x3] =	wrdreg s5  }
0xaa: {  	[dreg:$0x4] =	wrdreg $0xC0  }
0xab: {  	_ =	task [dreg:s7], $0x5FFFF  }
0xac: {  	[dreg:$0x1] =	wrdreg $0xFFFFFFFF  }
0xad: {  	[dreg:$0x0] =	wrdreg $0x60  }
0xae: {  	[dreg:$0x2] =	wrdreg s2  }
0xaf: {  	[dreg:$0x3] =	wrdreg s24  }
0xb0: {  	[dreg:$0x4] =	wrdreg $0x0  }
0xb1: {  	[dreg:$0x5] =	wrdreg $0x9  }
0xb2: {  	_ =	task.clear_ibuf [dreg:s7], $0x6FFFF;
	_ =	strace $0x9000004C  }
0xb3: {  	s29 =	simm.s32 $0x9;
	_ =	strace $0x8000004E  }
0xb4: {  	_ =	swait.ge [sflag:s29], $0x1  }
0xb5: {  	[sflag:s29] =	ssyncadd.s32 $0xFFFFFFFF  }
0xb6: {  	_ =	strace $0x9000004E  }
0xb7: {  	_ =	sfence  }
0xb8: {  	s30 =	sld [smem:$0x0];
	_ =	sdelay $0x2  }
0xb9: {  	s31 =	sshll.u32 s1, $0xD;
	s1 =	sshrl.u32 s1, $0x2  }
0xba: {  	s3 =	sand.u32 $0x4000, s31;
	s1 =	sadd.s32 s1, s30  }
0xbb: {  	s0 =	sor.u32 s3, s0;
	s1 =	sshll.u32 s1, $0x11  }
0xbc: {  	s0 =	sor.u32 s1, s0  }
0xbd: {  	s0 =	sadd.s32 $0x8F2B, s0  }
0xbe: {  	[sflag:s0] =	ssyncadd.remote.s32 $0x1  }
0xbf: {  	_ =	sfence.sel $0xFFFF  }
0xc0: {  	[dreg:$0x0] =	wrdreg $0xFFFFFFFF;
	(pc) =	sbr.abs _section_cstart, $3  }
0xc1: {  	[dreg:$0x1] =	wrdreg $0xFFFFFFFF  }
0xc2: {  	_ =	task.clear_ibuf [dreg:s7], $0x2FFFF;
	_ =	strace $0x9FFFFFFF  }
0xc3: {  	(tm) =	ssettm $0x7FFFFFFF  }
tec
execute0_lowered:
.L_overlay_start_1:
0x0: {  	(tag) =	ssettag $0x1  }
0x1: {  	s1 =	rddreg [dreg:$0x0]  }
0x2: {  	s0 =	rddreg [dreg:$0x1]  }
0x3: {  	s2 =	rddreg [dreg:$0x2];
	s19 =	simm.s32 $0x0;
	s3 =	srdreg.scid  }
0x4: {  	s9 =	stileid.u32;
	s12 =	simm.s32 $0xB;
	s13 =	simm.s32 $0x18700  }
0x5: {  	s15 =	simm.s32 $0x80;
	s16 =	simm.s32 $0x1AF00;
	s18 =	simm.s32 $0x1BF00  }
0x6: {  	s20 =	simm.s32 $0x1CF00;
	s22 =	simm.s32 $0x1DF00;
	s28 =	simm.s32 $0x6  }
0x7: {  	s29 =	simm.s32 $0x2;
	s30 =	simm.s32 $0x7;
	s31 =	simm.s32 $0x3  }
0x8: {  	s11 =	simm.s32 $0x1AD00;
	s14 =	simm.s32 $0x1AE00;
	s17 =	simm.s32 $0x1AE80  }
0x9: {  	[smem:$0x7FF] =	sst s19;
	s3 =	sand.u32 $0x1, s3;
	s5 =	sadd.s32 $0x2800, s0  }
0xa: {  	s6 =	sadd.s32 $0x1B800, s0;
	s7 =	sadd.s32 $0x34800, s0;
	s8 =	smul.u32 $0x18700, s9  }
0xb: {  	s25 =	sshll.u32 s9, $0x6;
	_ =	strace $0x8000004D;
	s4 =	smul.u32 $0x30E00, s3  }
0xc: {  	[dreg:$0x5] =	wrdreg s7;
	s23 =	ssub.s32 $0x2, s3;
	s3 =	sshll.u32 s3, $0x4  }
0xd: {  	s21 =	sor.u32 $0x1C0B, s25;
	s25 =	simm.s32 $0x1EF00;
	s7 =	simm.s32 $0x9  }
0xe: {  	s24 =	sshrl.u32 s23, $0x1;
	s3 =	sor.u32 s9, s3;
	s10 =	sadd.s32 s8, s2  }
0xf: {  	s26 =	sshrl.u32 s8, $0x3;
	[dreg:$0x6] =	wrdreg s21;
	s0 =	sadd.s32 s4, s0  }
0x10: {  	s4 =	ssub.s32 s23, s24;
	s9 =	smul.u32 $0xC8, s3;
	s23 =	sshrl.u32 s10, $0x3  }
0x11: {  	s10 =	simm.s32 $0x5;
	s24 =	simm.s32 $0xA;
	s3 =	simm.s32 $0x1AD80  }
0x12: {  	s0 =	sadd.s32 $0x37A00, s0;
	s4 =	smax.u32 s4, $0x1;
	[dreg:$0x8] =	wrdreg s23  }
0x13: {  	[dreg:$0x7] =	wrdreg s4;
	s0 =	sadd.s32 s26, s0;
	s26 =	simm.s32 $0x1  }
0x14: {  	s4 =	simm.s32 $0x4;
	[dreg:$0x9] =	wrdreg s0;
	s0 =	simm.s32 $0x8  }
.LBB2_1:
0x15: {  	[dreg:$0x4] =	wrdreg s19  }
0x16: {  	s8 =	rddreg [dreg:$0x5]  }
0x17: {  	[spmem:s23], [sflag:s21] =	dma.local [hbm:s8], $0x30E0  }
0x18: {  	_ =	swait.ge [sflag:s12], $0x30E0  }
0x19: {  	[sflag:s12] =	ssyncset.done $0x0  }
0x1a: {  	[sflag:s12] =	ssyncadd.s32 $0xFFFFCF20  }
0x1b: {  	s19 =	simm.s32 $0x0;
	[bflag:$0x0] =	sbarrier.arrive $0xFFFF  }
.LBB2_2:
0x1c: {  	s21 =	smul.u32 $0x28, s19;
	_ =	sdelay $0x1  }
0x1d: {  	s21 =	sadd.s32 s9, s21  }
0x1e: {  	s21 =	sshll.u32 s21, $0x4  }
0x1f: {  	s8 =	simm.s32 $0x0;
	s23 =	sadd.s32 s5, s21  }
0x20: {  	[tilespmem:s13], [sflag:$0xB] =	stream.linear.gather [hbm4b:s23+s8], $0x1400, $0x38;
	[tilespmem:$0x1FF00] =	vst v63  }
0x21: {  	_ =	swait.ge [sflag:s12], $0x1400  }
0x22: {  	[sflag:s12] =	ssyncset.done $0x0  }
0x23: {  	s21 =	sadd.s32 s6, s21;
	s23 =	simm.s32 $0x19B00;
	[sflag:s12] =	ssyncadd.s32 $0xFFFFEC00  }
0x24: {  	[tilespmem:s23], [sflag:$0xB] =	stream.linear.gather [hbm4b:s21+s8], $0x1400, $0x38;
	[tilespmem:$0x1FF00] =	vst v63  }
0x25: {  	_ =	swait.ge [sflag:s12], $0x1400  }
0x26: {  	[sflag:s12] =	ssyncset.done $0x0  }
0x27: {  	[sflag:s12] =	ssyncadd.s32 $0xFFFFEC00  }
0x28: {  	[tilespmem:s16], [sflag:$0x1] =	stream.indirect.gather [hbm4b:s1+s15], $0x20, s13, s15, $0xb8;
	[tilespmem:$0x1FF00] =	vst v63  }
0x29: {  	s23 =	simm.s32 $0x18780  }
0x2a: {  	[tilespmem:s18], [sflag:$0x2] =	stream.indirect.gather [hbm4b:s1+s15], $0x20, s23, s15, $0xb8;
	[tilespmem:$0x1FF00] =	vst v63  }
0x2b: {  	s21 =	simm.s32 $0x18800  }
0x2c: {  	[tilespmem:s20], [sflag:$0x3] =	stream.indirect.gather [hbm4b:s1+s15], $0x20, s21, s15, $0xb8;
	[tilespmem:$0x1FF00] =	vst v63  }
0x2d: {  	s23 =	simm.s32 $0x18880  }
0x2e: {  	[tilespmem:s22], [sflag:$0x4] =	stream.indirect.gather [hbm4b:s1+s15], $0x20, s23, s15, $0xb8;
	[tilespmem:$0x1FF00] =	vst v63  }
0x2f: {  	s21 =	simm.s32 $0x18900  }
0x30: {  	[tilespmem:s25], [sflag:$0x5] =	stream.indirect.gather [hbm4b:s1+s15], $0x20, s21, s15, $0xb8;
	[tilespmem:$0x1FF00] =	vst v63  }
0x31: {  	_ =	swait.ge [sflag:s26], $0x1000  }
0x32: {  	[sflag:s26] =	ssyncset.done $0x0  }
0x33: {  	s23 =	simm.s32 $0x19B00;
	[sflag:s26] =	ssyncadd.s32 $0xFFFFF000  }
0x34: {  	[spmem:s2] =	stream.indirect.scatter.add.f32 [tilespmem:s16], [sflag:$0x6], $0x20, s23, s15, $0xb8;
	[tilespmem:$0x1FF00] =	vst v63  }
0x35: {  	_ =	swait.ge [sflag:s28], $0x1000  }
0x36: {  	[sflag:s28] =	ssyncset.done $0x0  }
0x37: {  	s21 =	simm.s32 $0x18980;
	[sflag:s28] =	ssyncadd.s32 $0xFFFFF000  }
0x38: {  	[tilespmem:s16], [sflag:$0x1] =	stream.indirect.gather [hbm4b:s1+s15], $0x20, s21, s15, $0xb8;
	[tilespmem:$0x1FF00] =	vst v63  }
0x39: {  	_ =	swait.ge [sflag:s29], $0x1000  }
0x3a: {  	[sflag:s29] =	ssyncset.done $0x0  }
0x3b: {  	s23 =	simm.s32 $0x19B80;
	[sflag:s29] =	ssyncadd.s32 $0xFFFFF000  }
0x3c: {  	[spmem:s2] =	stream.indirect.scatter.add.f32 [tilespmem:s18], [sflag:$0x7], $0x20, s23, s15, $0xb8;
	[tilespmem:$0x1FF00] =	vst v63  }
0x3d: {  	_ =	swait.ge [sflag:s30], $0x1000  }
0x3e: {  	[sflag:s30] =	ssyncset.done $0x0  }
0x3f: {  	s21 =	simm.s32 $0x18A00;
	[sflag:s30] =	ssyncadd.s32 $0xFFFFF000  }
0x40: {  	[tilespmem:s18], [sflag:$0x2] =	stream.indirect.gather [hbm4b:s1+s15], $0x20, s21, s15, $0xb8;
	[tilespmem:$0x1FF00] =	vst v63  }
0x41: {  	_ =	swait.ge [sflag:s31], $0x1000  }
0x42: {  	[sflag:s31] =	ssyncset.done $0x0  }
0x43: {  	s23 =	simm.s32 $0x19C00;
	[sflag:s31] =	ssyncadd.s32 $0xFFFFF000  }
0x44: {  	[spmem:s2] =	stream.indirect.scatter.add.f32 [tilespmem:s20], [sflag:$0x8], $0x20, s23, s15, $0xb8;
	[tilespmem:$0x1FF00] =	vst v63  }
0x45: {  	_ =	swait.ge [sflag:s0], $0x1000  }
0x46: {  	[sflag:s0] =	ssyncset.done $0x0  }
0x47: {  	s21 =	simm.s32 $0x18A80;
	[sflag:s0] =	ssyncadd.s32 $0xFFFFF000  }
0x48: {  	[tilespmem:s20], [sflag:$0x3] =	stream.indirect.gather [hbm4b:s1+s15], $0x20, s21, s15, $0xb8;
	[tilespmem:$0x1FF00] =	vst v63  }
0x49: {  	_ =	swait.ge [sflag:s4], $0x1000  }
0x4a: {  	[sflag:s4] =	ssyncset.done $0x0  }
0x4b: {  	s23 =	simm.s32 $0x19C80;
	[sflag:s4] =	ssyncadd.s32 $0xFFFFF000  }
0x4c: {  	[spmem:s2] =	stream.indirect.scatter.add.f32 [tilespmem:s22], [sflag:$0x9], $0x20, s23, s15, $0xb8;
	[tilespmem:$0x1FF00] =	vst v63  }
0x4d: {  	_ =	swait.ge [sflag:s7], $0x1000  }
0x4e: {  	[sflag:s7] =	ssyncset.done $0x0  }
0x4f: {  	s21 =	simm.s32 $0x18B00;
	[sflag:s7] =	ssyncadd.s32 $0xFFFFF000  }
0x50: {  	[tilespmem:s22], [sflag:$0x4] =	stream.indirect.gather [hbm4b:s1+s15], $0x20, s21, s15, $0xb8;
	[tilespmem:$0x1FF00] =	vst v63  }
0x51: {  	_ =	swait.ge [sflag:s10], $0x1000  }
0x52: {  	[sflag:s10] =	ssyncset.done $0x0  }
0x53: {  	s23 =	simm.s32 $0x19D00;
	[sflag:s10] =	ssyncadd.s32 $0xFFFFF000  }
0x54: {  	[spmem:s2] =	stream.indirect.scatter.add.f32 [tilespmem:s25], [sflag:$0xA], $0x20, s23, s15, $0xb8;
	[tilespmem:$0x1FF00] =	vst v63  }
0x55: {  	_ =	swait.ge [sflag:s24], $0x1000  }
0x56: {  	[sflag:s24] =	ssyncset.done $0x0  }
0x57: {  	s21 =	simm.s32 $0xA00;
	s23 =	simm.s32 $0x18B80;
	[sflag:s24] =	ssyncadd.s32 $0xFFFFF000  }
.LBB2_3:
0x58: {  	[tilespmem:s25], [sflag:$0x5] =	stream.indirect.gather [hbm4b:s1+s15], $0x20, s23, s15, $0xb8;
	[tilespmem:$0x1FF00] =	vst v63  }
0x59: {  	s8 =	smov.u32 s21  }
0x5a: {  	p0 =	sne.s32 s21, $0x3C00;
	s21 =	sadd.s32 $0xA00, s21;
	_ =	swait.ge [sflag:s26], $0x1000  }
0x5b: {  	s23 =	sshra.s32 s8, $0x2;
	[sflag:s26] =	ssyncset.done $0x0  }
0x5c: {  	s8 =	sadd.s32 $0x19B00, s23;
	[sflag:s26] =	ssyncadd.s32 $0xFFFFF000  }
0x5d: {  	[spmem:s2] =	stream.indirect.scatter.add.f32 [tilespmem:s16], [sflag:$0x6], $0x20, s8, s15, $0xb8;
	[tilespmem:$0x1FF00] =	vst v63  }
0x5e: {  	_ =	swait.ge [sflag:s28], $0x1000  }
0x5f: {  	[sflag:s28] =	ssyncset.done $0x0  }
0x60: {  	s8 =	sadd.s32 $0x18980, s23;
	[sflag:s28] =	ssyncadd.s32 $0xFFFFF000  }
0x61: {  	[tilespmem:s16], [sflag:$0x1] =	stream.indirect.gather [hbm4b:s1+s15], $0x20, s8, s15, $0xb8;
	[tilespmem:$0x1FF00] =	vst v63  }
0x62: {  	_ =	swait.ge [sflag:s29], $0x1000  }
0x63: {  	[sflag:s29] =	ssyncset.done $0x0  }
0x64: {  	s8 =	sadd.s32 $0x19B80, s23;
	[sflag:s29] =	ssyncadd.s32 $0xFFFFF000  }
0x65: {  	[spmem:s2] =	stream.indirect.scatter.add.f32 [tilespmem:s18], [sflag:$0x7], $0x20, s8, s15, $0xb8;
	[tilespmem:$0x1FF00] =	vst v63  }
0x66: {  	_ =	swait.ge [sflag:s30], $0x1000  }
0x67: {  	[sflag:s30] =	ssyncset.done $0x0  }
0x68: {  	s8 =	sadd.s32 $0x18A00, s23;
	[sflag:s30] =	ssyncadd.s32 $0xFFFFF000  }
0x69: {  	[tilespmem:s18], [sflag:$0x2] =	stream.indirect.gather [hbm4b:s1+s15], $0x20, s8, s15, $0xb8;
	[tilespmem:$0x1FF00] =	vst v63  }
0x6a: {  	_ =	swait.ge [sflag:s31], $0x1000  }
0x6b: {  	[sflag:s31] =	ssyncset.done $0x0  }
0x6c: {  	s8 =	sadd.s32 $0x19C00, s23;
	[sflag:s31] =	ssyncadd.s32 $0xFFFFF000  }
0x6d: {  	[spmem:s2] =	stream.indirect.scatter.add.f32 [tilespmem:s20], [sflag:$0x8], $0x20, s8, s15, $0xb8;
	[tilespmem:$0x1FF00] =	vst v63  }
0x6e: {  	_ =	swait.ge [sflag:s0], $0x1000  }
0x6f: {  	[sflag:s0] =	ssyncset.done $0x0  }
0x70: {  	s8 =	sadd.s32 $0x18A80, s23;
	[sflag:s0] =	ssyncadd.s32 $0xFFFFF000  }
0x71: {  	[tilespmem:s20], [sflag:$0x3] =	stream.indirect.gather [hbm4b:s1+s15], $0x20, s8, s15, $0xb8;
	[tilespmem:$0x1FF00] =	vst v63  }
0x72: {  	_ =	swait.ge [sflag:s4], $0x1000  }
0x73: {  	[sflag:s4] =	ssyncset.done $0x0  }
0x74: {  	s8 =	sadd.s32 $0x19C80, s23;
	[sflag:s4] =	ssyncadd.s32 $0xFFFFF000  }
0x75: {  	[spmem:s2] =	stream.indirect.scatter.add.f32 [tilespmem:s22], [sflag:$0x9], $0x20, s8, s15, $0xb8;
	[tilespmem:$0x1FF00] =	vst v63  }
0x76: {  	_ =	swait.ge [sflag:s7], $0x1000  }
0x77: {  	[sflag:s7] =	ssyncset.done $0x0  }
0x78: {  	s8 =	sadd.s32 $0x18B00, s23;
	[sflag:s7] =	ssyncadd.s32 $0xFFFFF000  }
0x79: {  	[tilespmem:s22], [sflag:$0x4] =	stream.indirect.gather [hbm4b:s1+s15], $0x20, s8, s15, $0xb8;
	[tilespmem:$0x1FF00] =	vst v63  }
0x7a: {  	_ =	swait.ge [sflag:s10], $0x1000  }
0x7b: {  	[sflag:s10] =	ssyncset.done $0x0  }
.Ltmp0:
0x7c: {  	s8 =	sadd.s32 $0x19D00, s23;
	[sflag:s10] =	ssyncadd.s32 $0xFFFFF000;
	(pc) =	sbr.rel @p0 .LBB2_3-.Ltmp0, $4  }
0x7d: {  	[spmem:s2] =	stream.indirect.scatter.add.f32 [tilespmem:s25], [sflag:$0xA], $0x20, s8, s15, $0xb8;
	[tilespmem:$0x1FF00] =	vst v63  }
0x7e: {  	_ =	swait.ge [sflag:s24], $0x1000  }
0x7f: {  	[sflag:s24] =	ssyncset.done $0x0  }
0x80: {  	s23 =	sadd.s32 $0x18B80, s23;
	[sflag:s24] =	ssyncadd.s32 $0xFFFFF000  }
0x81: {  	[tilespmem:s25], [sflag:$0x5] =	stream.indirect.gather [hbm4b:s1+s15], $0x20, s23, s15, $0xb8;
	[tilespmem:$0x1FF00] =	vst v63  }
0x82: {  	_ =	swait.ge [sflag:s26], $0x1000  }
0x83: {  	[sflag:s26] =	ssyncset.done $0x0  }
0x84: {  	s8 =	simm.s32 $0x1AC80;
	[sflag:s26] =	ssyncadd.s32 $0xFFFFF000  }
0x85: {  	[spmem:s2] =	stream.indirect.scatter.add.f32 [tilespmem:s16], [sflag:$0x6], $0x20, s8, s15, $0xb8;
	[tilespmem:$0x1FF00] =	vst v63  }
0x86: {  	_ =	swait.ge [sflag:s29], $0x1000  }
0x87: {  	[sflag:s29] =	ssyncset.done $0x0  }
0x88: {  	[sflag:s29] =	ssyncadd.s32 $0xFFFFF000  }
0x89: {  	[spmem:s2] =	stream.indirect.scatter.add.f32 [tilespmem:s18], [sflag:$0x7], $0x20, s11, s15, $0xb8;
	[tilespmem:$0x1FF00] =	vst v63  }
0x8a: {  	_ =	swait.ge [sflag:s31], $0x1000  }
0x8b: {  	[sflag:s31] =	ssyncset.done $0x0  }
0x8c: {  	[sflag:s31] =	ssyncadd.s32 $0xFFFFF000  }
0x8d: {  	[spmem:s2] =	stream.indirect.scatter.add.f32 [tilespmem:s20], [sflag:$0x8], $0x20, s3, s15, $0xb8;
	[tilespmem:$0x1FF00] =	vst v63  }
0x8e: {  	_ =	swait.ge [sflag:s4], $0x1000  }
0x8f: {  	[sflag:s4] =	ssyncset.done $0x0  }
0x90: {  	[sflag:s4] =	ssyncadd.s32 $0xFFFFF000  }
0x91: {  	[spmem:s2] =	stream.indirect.scatter.add.f32 [tilespmem:s22], [sflag:$0x9], $0x20, s14, s15, $0xb8;
	[tilespmem:$0x1FF00] =	vst v63  }
0x92: {  	_ =	swait.ge [sflag:s10], $0x1000  }
0x93: {  	[sflag:s10] =	ssyncset.done $0x0  }
0x94: {  	[sflag:s10] =	ssyncadd.s32 $0xFFFFF000  }
0x95: {  	[spmem:s2] =	stream.indirect.scatter.add.f32 [tilespmem:s25], [sflag:$0xA], $0x20, s17, s15, $0xb8;
	[tilespmem:$0x1FF00] =	vst v63  }
0x96: {  	_ =	swait.ge [sflag:s28], $0x1000  }
0x97: {  	[sflag:s28] =	ssyncset.done $0x0  }
0x98: {  	[sflag:s28] =	ssyncadd.s32 $0xFFFFF000  }
0x99: {  	_ =	swait.ge [sflag:s30], $0x1000  }
0x9a: {  	[sflag:s30] =	ssyncset.done $0x0  }
0x9b: {  	[sflag:s30] =	ssyncadd.s32 $0xFFFFF000  }
0x9c: {  	_ =	swait.ge [sflag:s0], $0x1000  }
0x9d: {  	[sflag:s0] =	ssyncset.done $0x0  }
0x9e: {  	s19 =	sadd.s32 $0x1, s19;
	[sflag:s0] =	ssyncadd.s32 $0xFFFFF000  }
0x9f: {  	p0 =	sne.s32 s19, $0x5;
	_ =	swait.ge [sflag:s7], $0x1000  }
.Ltmp1:
0xa0: {  	[sflag:s7] =	ssyncset.done $0x0;
	(pc) =	sbr.rel @p0 .LBB2_2-.Ltmp1, $4  }
0xa1: {  	[sflag:s7] =	ssyncadd.s32 $0xFFFFF000  }
0xa2: {  	_ =	swait.ge [sflag:s24], $0x1000  }
0xa3: {  	[sflag:s24] =	ssyncset.done $0x0  }
0xa4: {  	[sflag:s24] =	ssyncadd.s32 $0xFFFFF000  }
0xa5: {  	[bflag:$0x0] =	sbarrier.arrive $0xFFFF  }
0xa6: {  	s21 =	rddreg [dreg:$0x6]  }
0xa7: {  	s23 =	rddreg [dreg:$0x8]  }
0xa8: {  	s8 =	rddreg [dreg:$0x9]  }
0xa9: {  	[hbm:s8], [sflag:s21] =	dma.local [spmem:s23], $0x30E0  }
0xaa: {  	_ =	swait.ge [sflag:s12], $0x30E0  }
0xab: {  	s19 =	rddreg [dreg:$0x4]  }
0xac: {  	s8 =	rddreg [dreg:$0x7];
	s19 =	sadd.s32 $0x1, s19  }
0xad: {  	p0 =	sne.s32 s19, s8  }
.Ltmp2:
0xae: {  	_ = 	snop;
	(pc) =	sbr.rel @p0 .LBB2_1-.Ltmp2, $3  }
0xaf: {  	_ =	sdelay $0x1  }
0xb0: {  	[sflag:s12] =	ssyncset.done $0x0  }
0xb1: {  	[sflag:s12] =	ssyncadd.s32 $0xFFFFCF20  }
0xb2: {  	_ =	sfence.sel $0x180000  }
0xb3: {  	[bflag:$0x0] =	sbarrier.arrive $0xFFFF  }
0xb4: {  	_ =	strace $0x9000004D  }
0xb5: {  	s0 =	stileid.u32;
	[bflag:$0x2] =	sbarrier.arrive $0xFFFF  }
0xb6: {  	p0 =	sne.s32 s0, $0x0;
	s0 =	rddreg [dreg:$0x3]  }
0xb7: {  	s0 =	sadd.s32 @!p0 $0x100000, s0  }
0xb8: {  	[sflag:s0] =	ssyncadd.tile.s32 @!p0 $0x1;
	_ =	shalt  }
.Lfunc_end2:
_tile_overlayer_lowered:
.L_overlay_start_2:
0xb9: {  	(tag) =	ssettag $0x2  }
0xba: {  	s0 =	rddreg [dreg:$0x0];
	s2 =	stileid.u32  }
0xbb: {  	s1 =	rddreg [dreg:$0x1];
	p0 =	sne.s32 s2, $0x0  }
0xbc: {  	s3 =	rddreg [dreg:$0x2];
	[bflag:$0x3] =	sbarrier.arrive $0xFFFF;
	s2 =	simm.s32 @!p0 $0x1C0B  }
0xbd: {  	[timem:s3], [sflag:s2] =	dma.local @!p0 [hbm:s0], s1  }
0xbe: {  	s0 =	simm.s32 @!p0 $0xB  }
0xbf: {  	_ =	swait.ge @!p0 [sflag:s0], s1  }
0xc0: {  	s1 =	ssub.s32 @!p0 $0x0, s1;
	[sflag:s0] =	ssyncset.done @!p0 $0x0  }
0xc1: {  	[sflag:s0] =	ssyncadd.s32 @!p0 s1  }
0xc2: {  	[bflag:$0x3] =	sbarrier.arrive $0xFFFF  }
0xc3: {  	_ =	shalt  }

// kernel: kernel.8.cloned.1.call-start
scs
__scs_entry_jumppad:
0x0: {  	(pc) =	sbr.rel $0x88, $3  }
0x1: {  	(tag) =	ssettag $0x0;
	lr =	simm.s32 $0x1  }
0x2: {  	[smem:$0x3F92] =	sst lr;
	_ =	strace $0xD0000000  }
0x3: {  	_ = 	snop  }
0x4: {  	_ = 	snop  }
0x5: {  	_ = 	snop  }
0x6: {  	_ = 	snop  }
0x7: {  	_ = 	snop  }
__scs_overlays_trampoline_lowered:
0x8: {  	[smem:$0x3FA1] =	sst s0  }
0x9: {  	[smem:$0x3FA2] =	sst s1  }
0xa: {  	[smem:$0x3FA3] =	sst s2  }
0xb: {  	[smem:$0x3FA4] =	sst s3  }
0xc: {  	[smem:$0x3FA5] =	sst s4  }
0xd: {  	[smem:$0x3FA6] =	sst s5  }
0xe: {  	[smem:$0x3FA7] =	sst s6  }
0xf: {  	[smem:$0x3FA8] =	sst s7  }
0x10: {  	[smem:$0x3FA9] =	sst s8  }
0x11: {  	[smem:$0x3FAA] =	sst s9;
	s0 =	simm.s32 @!p0 $0x0  }
0x12: {  	s1 =	sld [smem:$0x3F90];
	s0 =	simm.s32 @p0 $0x1  }
0x13: {  	[smem:$0x3FAB] =	sst s0;
	s0 =	simm.s32 @!p1 $0x0  }
0x14: {  	s2 =	sld [smem:$0x3F8F];
	s0 =	simm.s32 @p1 $0x1  }
0x15: {  	[smem:$0x3FAC] =	sst s0;
	s0 =	simm.s32 @!p2 $0x0  }
0x16: {  	s3 =	sld [smem:$0x3FDB];
	s0 =	simm.s32 @p2 $0x1  }
0x17: {  	s4 =	simm.s32 $0x1BF5;
	[smem:$0x3FAE] =	sst s0  }
0x18: {  	s0 =	sld [smem:$0x3F91];
	_ =	swait.ge [sflag:s4], $0x0  }
0x19: {  	s7 =	sld [smem:$0x3F92]  }
0x1a: {  	s8 =	sadd.s32 $0xFFFFE003, lr  }
0x1b: {  	s9 =	sadd.s32 $0xFFFFFEF7, lr;
	s5 =	simm.s32 $0xFFFFFFFF;
	p2 =	slt.u32 s8, $0xFFFFF086  }
0x1c: {  	p1 =	slt.u32 s9, $0xF7A;
	s5 =	simm.s32 @!p2 $0x0  }
0x1d: {  	s5 =	simm.s32 @p1 $0x1;
	p0 =	seq.s32 s7, s2  }
0x1e: {  	s7 =	smul.u32 @!p0 $0xF7A, s2;
	p2 =	seq.s32 @!p0 s5, $0x0  }
0x1f: {  	s9 =	smul.u32 $0xF7A, s1;
	s8 =	simm.s32 @!p0 $0x1BF5;
	p2 =	por !p2, p0  }
0x20: {  	[sflag:s8] =	ssyncset.s32 @!p0 $0xFFFFF086;
	s6 =	sadd.s32 @!p0 s3, s7;
	s7 =	simm.s32 @!p0 $0x108  }
0x21: {  	s3 =	sadd.s32 s3, s9;
	s6 =	sadd.s32 @!p0 $0x88, s6;
	s7 =	simm.s32 @p2 $0x1082  }
0x22: {  	[simem:s7], [sflag:s8] =	dma.local @!p0 [hbm:s6], $0xF7A  }
0x23: {  	s9 =	sor.u32 $0xD0000000, s2;
	s6 =	simm.s32 $0x108;
	_ =	swait.ge @!p0 [sflag:s8], $0x0  }
0x24: {  	s3 =	sadd.s32 $0x88, s3;
	s6 =	simm.s32 @!p1 $0x1082;
	[sflag:s4] =	ssyncset.s32 $0xFFFFF086  }
0x25: {  	[simem:s6], [sflag:s4] =	dma.local [hbm:s3], $0xF7A  }
0x26: {  	[smem:$0x3F92] =	sst s1;
	(tag) =	ssettag s2;
	_ =	strace s9  }
0x27: {  	s1 =	sld [smem:$0x3FA2]  }
0x28: {  	s2 =	sld [smem:$0x3FA3]  }
0x29: {  	s4 =	sld [smem:$0x3FA5]  }
0x2a: {  	p0 =	seq.s32 s5, $0x0;
	s5 =	sld [smem:$0x3FA6]  }
0x2b: {  	s6 =	sld [smem:$0x3FA7]  }
0x2c: {  	s7 =	sld [smem:$0x3FA8]  }
0x2d: {  	s3 =	simm.s32 $0x108;
	s8 =	sld [smem:$0x3FA9]  }
0x2e: {  	s3 =	simm.s32 @!p0 $0x1082;
	s9 =	sld [smem:$0x3FAA]  }
0x2f: {  	lr =	sadd.s32 s0, s3;
	s0 =	sld [smem:$0x3FA1]  }
0x30: {  	s3 =	sld [smem:$0x3FA4]  }
0x31: {  	[smem:$0x3FAD] =	sst s10  }
0x32: {  	s10 =	sld [smem:$0x3FAB];
	_ =	sdelay $0x3  }
0x33: {  	p0 =	seq.s32 s10, $0x1;
	s10 =	sld [smem:$0x3FAD];
	_ =	sdelay $0x3  }
0x34: {  	[smem:$0x3FAD] =	sst s10  }
0x35: {  	s10 =	sld [smem:$0x3FAC];
	_ =	sdelay $0x3  }
0x36: {  	p1 =	seq.s32 s10, $0x1;
	s10 =	sld [smem:$0x3FAD];
	_ =	sdelay $0x3  }
0x37: {  	[smem:$0x3FAD] =	sst s10  }
0x38: {  	s10 =	sld [smem:$0x3FAE]  }
0x39: {  	_ = 	snop;
	(pc) =	sbr.ind lr, $3  }
0x3a: {  	_ = 	snop  }
0x3b: {  	_ = 	snop  }
0x3c: {  	p2 =	seq.s32 s10, $0x1;
	s10 =	sld [smem:$0x3FAD]  }
0x3d: {  	_ =	shalt  }
0x3e: {  	_ =	shalt  }
0x3f: {  	_ =	shalt  }
0x40: {  	_ =	shalt  }
0x41: {  	_ =	shalt  }
0x42: {  	_ =	shalt  }
0x43: {  	_ =	shalt  }
0x44: {  	_ =	shalt  }
0x45: {  	_ =	shalt  }
0x46: {  	_ =	shalt  }
0x47: {  	_ =	shalt  }
0x48: {  	_ =	shalt  }
0x49: {  	_ =	shalt  }
0x4a: {  	_ =	shalt  }
0x4b: {  	_ =	shalt  }
0x4c: {  	_ =	shalt  }
0x4d: {  	_ =	shalt  }
0x4e: {  	_ =	shalt  }
0x4f: {  	_ =	shalt  }
0x50: {  	_ =	shalt  }
0x51: {  	_ =	shalt  }
0x52: {  	_ =	shalt  }
0x53: {  	_ =	shalt  }
0x54: {  	_ =	shalt  }
0x55: {  	_ =	shalt  }
0x56: {  	_ =	shalt  }
0x57: {  	_ =	shalt  }
0x58: {  	_ =	shalt  }
0x59: {  	_ =	shalt  }
0x5a: {  	_ =	shalt  }
0x5b: {  	_ =	shalt  }
0x5c: {  	_ =	shalt  }
0x5d: {  	_ =	shalt  }
0x5e: {  	_ =	shalt  }
0x5f: {  	_ =	shalt  }
0x60: {  	_ =	shalt  }
0x61: {  	_ =	shalt  }
0x62: {  	_ =	shalt  }
0x63: {  	_ =	shalt  }
0x64: {  	_ =	shalt  }
0x65: {  	_ =	shalt  }
0x66: {  	_ =	shalt  }
0x67: {  	_ =	shalt  }
0x68: {  	_ =	shalt  }
0x69: {  	_ =	shalt  }
0x6a: {  	_ =	shalt  }
0x6b: {  	_ =	shalt  }
0x6c: {  	_ =	shalt  }
0x6d: {  	_ =	shalt  }
0x6e: {  	_ =	shalt  }
0x6f: {  	_ =	shalt  }
0x70: {  	_ =	shalt  }
0x71: {  	_ =	shalt  }
0x72: {  	_ =	shalt  }
0x73: {  	_ =	shalt  }
0x74: {  	_ =	shalt  }
0x75: {  	_ =	shalt  }
0x76: {  	_ =	shalt  }
0x77: {  	_ =	shalt  }
0x78: {  	_ =	shalt  }
0x79: {  	_ =	shalt  }
0x7a: {  	_ =	shalt  }
0x7b: {  	_ =	shalt  }
0x7c: {  	_ =	shalt  }
0x7d: {  	_ =	shalt  }
0x7e: {  	_ =	shalt  }
0x7f: {  	_ =	shalt  }
0x80: {  	_ =	shalt  }
0x81: {  	_ =	shalt  }
0x82: {  	_ =	shalt  }
0x83: {  	_ =	shalt  }
0x84: {  	_ =	shalt  }
0x85: {  	_ =	shalt  }
0x86: {  	_ =	shalt  }
0x87: {  	_ =	shalt  }
.Lfunc_end0:
.L_simem_size_0:
called_computation_lowered:
.L_overlay_start_0:
0x88: {  	s2 =	sld [smem:$0x3FD9]  }
0x89: {  	s3 =	sld [smem:$0x3FFE];
	_ =	sdelay $0x1  }
0x8a: {  	s1 =	srdreg.scid  }
0x8b: {  	s0 =	sand.u32 $0x1, s1  }
0x8c: {  	s17 =	sshll.u32 s0, $0xA;
	s2 =	sadd.s32 s3, s2  }
0x8d: {  	s2 =	sadd.s32 s2, s17  }
0x8e: {  	[smem:$0x3FB9] =	sst s2  }
0x8f: {  	_ = 	snop  }
0x90: {  	(tm) =	ssettm $0x1  }
0x91: {  	s18 =	sld [smem:$0x3FFB];
	_ =	sdelay $0x3  }
0x92: {  	_ =	strace s18  }
0x93: {  	s2 =	sld [smem:$0x3FFC];
	_ =	sdelay $0x3  }
0x94: {  	_ =	strace s2  }
0x95: {  	s2 =	sld [smem:$0x3FFD];
	_ =	sdelay $0x3  }
0x96: {  	_ =	strace s2  }
0x97: {  	_ =	strace $0x8FFFFFFF  }
0x98: {  	s19 =	sld [smem:$0x3FDB];
	_ =	sdelay $0x1  }
0x99: {  	s20 =	simm.s32 $_scs_section_size  }
0x9a: {  	s4 =	simm.s32 $_size__tile_overlayer_lowered;
	s5 =	simm.s32 $_tile_overlayer_lowered  }
0x9b: {  	s6 =	simm.s32 $0x1BFF;
	s21 =	sshll.u32 s5, $0x1;
	s3 =	sadd.s32 s20, s19  }
0x9c: {  	s22 =	simm.s32 $0x0;
	s4 =	sshll.u32 s4, $0x1;
	s5 =	sadd.s32 s21, s3  }
0x9d: {  	[timem:s22], [sflag:s6] =	dma.local [hbm:s5], s4  }
0x9e: {  	_ =	swait.ge [sflag:s6], s4  }
0x9f: {  	s4 =	ssub.s32 $0x0, s4;
	[sflag:s6] =	ssyncset.done $0x0  }
0xa0: {  	[sflag:s6] =	ssyncadd.s32 s4;
	_ =	sdelay $0x1  }
0xa1: {  	s23 =	simm.s32 $0x1B8B  }
0xa2: {  	_ =	swait.ge [sflag:s23], $0x1  }
0xa3: {  	[sflag:s23] =	ssyncset.done $0x0  }
0xa4: {  	[sflag:s23] =	ssyncadd.s32 $0xFFFFFFFF  }
0xa5: {  	s4 =	sld [smem:$0x0]  }
0xa6: {  	s5 =	sand.u32 $0xFFFFFFFE, s1  }
0xa7: {  	p0 =	sne.s32 s1, s5  }
0xa8: {  	s5 =	sshll.u32 @p0 s5, $0xE  }
0xa9: {  	s5 =	sadd.s32 @p0 $0x11B8D, s5;
	s6 =	sshll.u32 @p0 s4, $0x11  }
0xaa: {  	s5 =	sor.u32 @p0 s6, s5  }
0xab: {  	[sflag:s5] =	ssyncadd.remote.s32 @p0 $0x1;
	_ =	sdelay $0x1  }
0xac: {  	s5 =	simm.s32 @p0 $0x1B8D  }
0xad: {  	_ =	swait.eq @p0 [sflag:s5], $0x1  }
0xae: {  	[sflag:s5] =	ssyncadd.s32 @p0 $0xFFFFFFFF  }
0xaf: {  	s6 =	sshll.u32 @!p0 s1, $0xE  }
0xb0: {  	s6 =	sor.u32 @!p0 $0x4000, s6;
	s5 =	simm.s32 @!p0 $0x1B8D  }
0xb1: {  	s4 =	sshll.u32 @!p0 s4, $0x11;
	s6 =	sadd.s32 @!p0 $0x11B8D, s6;
	_ =	swait.eq @!p0 [sflag:s5], $0x1  }
0xb2: {  	s4 =	sor.u32 @!p0 s4, s6;
	[sflag:s5] =	ssyncadd.s32 @!p0 $0xFFFFFFFF  }
0xb3: {  	s25 =	simm.s32 $0x1B8E;
	s24 =	sld [smem:$0x3FFE];
	[sflag:s4] =	ssyncadd.remote.s32 @!p0 $0x1  }
0xb4: {  	s26 =	simm.s32 $execute0_lowered;
	[smem:$0x3FD2] =	sst s25  }
0xb5: {  	s5 =	sshll.u32 s26, $0x1;
	_ =	strace $0x80000049;
	[dreg:$0x1] =	wrdreg $0xFFFFFFFF  }
0xb6: {  	s28 =	simm.s32 $_size_execute0_lowered;
	s3 =	sadd.s32 s3, s5;
	[dreg:$0x0] =	wrdreg $0x0  }
0xb7: {  	s5 =	sshll.u32 s28, $0x1;
	[dreg:$0x2] =	wrdreg s3  }
0xb8: {  	[dreg:$0x3] =	wrdreg s5  }
0xb9: {  	[dreg:$0x4] =	wrdreg $0xC0  }
0xba: {  	_ =	task [dreg:s22], $0x5FFFF  }
0xbb: {  	[dreg:$0x1] =	wrdreg $0xFFFFFFFF  }
0xbc: {  	[dreg:$0x0] =	wrdreg $0x60  }
0xbd: {  	[dreg:$0x2] =	wrdreg s24  }
0xbe: {  	[dreg:$0x3] =	wrdreg $0x0  }
0xbf: {  	[dreg:$0x4] =	wrdreg $0x9  }
0xc0: {  	_ =	task.clear_ibuf [dreg:s22], $0x5FFFF;
	_ =	strace $0x90000049  }
0xc1: {  	s29 =	simm.s32 $0x9;
	_ =	strace $0x8000004B  }
0xc2: {  	_ =	swait.ge [sflag:s29], $0x1  }
0xc3: {  	[sflag:s29] =	ssyncadd.s32 $0xFFFFFFFF  }
0xc4: {  	_ =	strace $0x9000004B  }
0xc5: {  	_ =	sfence  }
0xc6: {  	s30 =	sld [smem:$0x0];
	_ =	sdelay $0x2  }
0xc7: {  	s31 =	sshll.u32 s1, $0xD;
	s1 =	sshrl.u32 s1, $0x2  }
0xc8: {  	s4 =	sand.u32 $0x4000, s31;
	s1 =	sadd.s32 s1, s30  }
0xc9: {  	s0 =	sor.u32 s4, s0;
	s1 =	sshll.u32 s1, $0x11  }
0xca: {  	s0 =	sor.u32 s1, s0  }
0xcb: {  	s0 =	sadd.s32 $0x8F2B, s0  }
0xcc: {  	[sflag:s0] =	ssyncadd.remote.s32 $0x1  }
0xcd: {  	_ =	sfence.sel $0xFFFF  }
0xce: {  	[dreg:$0x0] =	wrdreg $0xFFFFFFFF;
	(pc) =	sbr.abs _section_cstart, $3  }
0xcf: {  	[dreg:$0x1] =	wrdreg $0xFFFFFFFF  }
0xd0: {  	_ =	task.clear_ibuf [dreg:s22], $0x2FFFF;
	_ =	strace $0x9FFFFFFF  }
0xd1: {  	(tm) =	ssettm $0x7FFFFFFF  }
tec
execute0_lowered:
.L_overlay_start_1:
0x0: {  	(tag) =	ssettag $0x1  }
0x1: {  	s0 =	rddreg [dreg:$0x0]  }
0x2: {  	s1 =	rddreg [dreg:$0x1];
	s2 =	simm.s32 $0x0;
	s4 =	srdreg.scid  }
0x3: {  	s16 =	stileid.u32;
	s22 =	simm.s32 $0x85C0;
	s23 =	simm.s32 $0x1  }
0x4: {  	s28 =	simm.s32 $0x5;
	s29 =	simm.s32 $0x6;
	s30 =	simm.s32 $0x7  }
0x5: {  	s31 =	simm.s32 $0x8;
	[smem:$0x7FF] =	sst s2;
	s3 =	sadd.s32 $0x189800, s0  }
0x6: {  	s5 =	sadd.s32 $0x1B800, s0;
	s4 =	sand.u32 $0x1, s4;
	s15 =	sadd.s32 $0x99800, s0  }
0x7: {  	s9 =	smul.u32 $0x61C0, s16;
	s19 =	sshll.u32 s16, $0x6;
	s11 =	sadd.s32 $0x189980, s0  }
0x8: {  	s12 =	sadd.s32 $0x189A00, s0;
	_ =	strace $0x8000004A;
	[dreg:$0x3] =	wrdreg s5  }
0x9: {  	[dreg:$0x4] =	wrdreg s15;
	s6 =	smul.u32 $0xC380, s4;
	s7 =	ssub.s32 $0x2, s4  }
0xa: {  	s8 =	sshll.u32 s4, $0x4;
	s4 =	smul.u32 $0x64000, s4;
	s17 =	sor.u32 $0x1C0B, s19  }
0xb: {  	s15 =	smul.u32 $0x6400, s16;
	s10 =	sshrl.u32 s7, $0x1;
	s8 =	sor.u32 s16, s8  }
0xc: {  	s14 =	sadd.s32 s9, s1;
	s24 =	sshrl.u32 s9, $0x3;
	s16 =	simm.s32 $0xB  }
0xd: {  	[dreg:$0x6] =	wrdreg s17;
	s6 =	sadd.s32 s6, s0;
	s18 =	smul.u32 $0xC8, s8  }
0xe: {  	s13 =	ssub.s32 s7, s10;
	s8 =	sadd.s32 $0x189880, s0;
	s10 =	sadd.s32 $0x189900, s0  }
0xf: {  	s7 =	smov.u32 s3;
	s20 =	sadd.s32 s4, s3;
	s5 =	sshrl.u32 s14, $0x3  }
0x10: {  	s4 =	simm.s32 $0xA;
	s21 =	sadd.s32 $0x9A600, s6;
	s0 =	sadd.s32 s15, s20  }
.Ltmp0:
0x11: {  	s25 =	smax.u32 s13, $0x1;
	[dreg:$0x9] =	wrdreg s5;
	(pc) =	sbr.rel .LBB2_1-.Ltmp0, $4  }
0x12: {  	s20 =	simm.s32 $0x7DC0;
	s6 =	simm.s32 $0x0;
	[dreg:$0x5] =	wrdreg s18  }
0x13: {  	[dreg:$0x7] =	wrdreg s25;
	s0 =	sadd.s32 $0x480, s0;
	s18 =	simm.s32 $0x75C0  }
0x14: {  	s26 =	sadd.s32 s24, s21;
	s25 =	simm.s32 $0x80;
	[dreg:$0x8] =	wrdreg s0  }
0x15: {  	[dreg:$0xa] =	wrdreg s26;
	s26 =	simm.s32 $0x3;
	s0 =	simm.s32 $0x9  }
.LBB2_6:
0x16: {  	[bflag:$0x0] =	sbarrier.arrive $0xFFFF  }
0x17: {  	s17 =	rddreg [dreg:$0x6]  }
0x18: {  	s5 =	rddreg [dreg:$0x9]  }
0x19: {  	s3 =	rddreg [dreg:$0xa]  }
0x1a: {  	[hbm:s3], [sflag:s17] =	dma.local [spmem:s5], $0xC38  }
0x1b: {  	_ =	swait.ge [sflag:s16], $0xC38  }
0x1c: {  	s6 =	rddreg [dreg:$0xb]  }
0x1d: {  	s24 =	rddreg [dreg:$0x7];
	s6 =	sadd.s32 $0x1, s6  }
0x1e: {  	p0 =	sne.s32 s6, s24  }
.Ltmp1:
0x1f: {  	_ = 	snop;
	(pc) =	sbr.rel @!p0 .LBB2_7-.Ltmp1, $3  }
0x20: {  	_ =	sdelay $0x1  }
0x21: {  	[sflag:s16] =	ssyncset.done $0x0  }
0x22: {  	[sflag:s16] =	ssyncadd.s32 $0xFFFFF3C8  }
.LBB2_1:
0x23: {  	[dreg:$0xb] =	wrdreg s6  }
0x24: {  	s3 =	rddreg [dreg:$0x4]  }
0x25: {  	[spmem:s5], [sflag:s17] =	dma.local [hbm:s3], $0xC38  }
.Ltmp2:
0x26: {  	_ =	swait.ge [sflag:s16], $0xC38;
	(pc) =	sbr.rel .LBB2_2-.Ltmp2, $4  }
0x27: {  	[sflag:s16] =	ssyncset.done $0x0  }
0x28: {  	[sflag:s16] =	ssyncadd.s32 $0xFFFFF3C8  }
0x29: {  	[bflag:$0x0] =	sbarrier.arrive $0xFFFF  }
0x2a: {  	s13 =	simm.s32 $0x0;
	s9 =	rddreg [dreg:$0x8]  }
.LBB2_5:
0x2b: {  	_ =	swait.ge [sflag:s29], $0x400  }
0x2c: {  	[sflag:s29] =	ssyncset.done $0x0  }
0x2d: {  	[sflag:s29] =	ssyncadd.s32 $0xFFFFFC00  }
0x2e: {  	_ =	swait.ge [sflag:s30], $0x400  }
0x2f: {  	[sflag:s30] =	ssyncset.done $0x0  }
0x30: {  	[sflag:s30] =	ssyncadd.s32 $0xFFFFFC00  }
0x31: {  	_ =	swait.ge [sflag:s31], $0x400  }
0x32: {  	[sflag:s31] =	ssyncset.done $0x0  }
0x33: {  	s13 =	sadd.s32 $0x1, s13;
	[sflag:s31] =	ssyncadd.s32 $0xFFFFFC00  }
0x34: {  	p0 =	sne.s32 s13, $0x5;
	_ =	swait.ge [sflag:s0], $0x400  }
.Ltmp3:
0x35: {  	[sflag:s0] =	ssyncset.done $0x0;
	(pc) =	sbr.rel @!p0 .LBB2_6-.Ltmp3, $4  }
0x36: {  	[sflag:s0] =	ssyncadd.s32 $0xFFFFFC00  }
0x37: {  	_ =	swait.ge [sflag:s4], $0x400  }
0x38: {  	[sflag:s4] =	ssyncset.done $0x0  }
0x39: {  	s9 =	sadd.s32 $0x1400, s9;
	[sflag:s4] =	ssyncadd.s32 $0xFFFFFC00  }
.LBB2_2:
0x3a: {  	s14 =	smul.u32 $0x28, s13  }
0x3b: {  	s3 =	rddreg [dreg:$0x5]  }
0x3c: {  	s14 =	sadd.s32 s3, s14  }
0x3d: {  	s19 =	rddreg [dreg:$0x3];
	s15 =	sshll.u32 s14, $0x4  }
0x3e: {  	s24 =	simm.s32 $0x0;
	s21 =	simm.s32 $0x61C0;
	s15 =	sadd.s32 s19, s15  }
0x3f: {  	[tilespmem:s21], [sflag:$0xB] =	stream.linear.gather [hbm4b:s15+s24], $0x1400, $0x38;
	[tilespmem:$0x89C0] =	vst v63  }
0x40: {  	_ =	swait.ge [sflag:s16], $0x1400  }
0x41: {  	s14 =	sshll.u32 s14, $0x7;
	[sflag:s16] =	ssyncset.done $0x0  }
0x42: {  	s3 =	sadd.s32 s7, s14;
	[sflag:s16] =	ssyncadd.s32 $0xFFFFEC00  }
0x43: {  	[tilespmem:s18], [sflag:$0x1] =	stream.linear.gather [hbm4b:s3+s24], $0x400, $0x38;
	[tilespmem:$0x89C0] =	vst v63  }
0x44: {  	s6 =	simm.s32 $0x79C0;
	s5 =	sadd.s32 s14, s8  }
0x45: {  	[tilespmem:s6], [sflag:$0x2] =	stream.linear.gather [hbm4b:s5+s24], $0x400, $0x38;
	[tilespmem:$0x89C0] =	vst v63  }
0x46: {  	s17 =	sadd.s32 s14, s10  }
0x47: {  	[tilespmem:s20], [sflag:$0x3] =	stream.linear.gather [hbm4b:s17+s24], $0x400, $0x38;
	[tilespmem:$0x89C0] =	vst v63  }
0x48: {  	s19 =	sadd.s32 s14, s11;
	s21 =	simm.s32 $0x81C0  }
0x49: {  	[tilespmem:s21], [sflag:$0x4] =	stream.linear.gather [hbm4b:s19+s24], $0x400, $0x38;
	[tilespmem:$0x89C0] =	vst v63  }
0x4a: {  	s14 =	sadd.s32 s14, s12  }
0x4b: {  	[tilespmem:s22], [sflag:$0x5] =	stream.linear.gather [hbm4b:s14+s24], $0x400, $0x38;
	[tilespmem:$0x89C0] =	vst v63  }
0x4c: {  	s14 =	smov.u32 s9  }
.LBB2_3:
0x4d: {  	_ =	swait.ge [sflag:s23], $0x400  }
0x4e: {  	s15 =	sshra.s32 s24, $0x2;
	[sflag:s23] =	ssyncset.done $0x0  }
0x4f: {  	p0 =	seq.s32 s24, $0x4600;
	s6 =	sadd.s32 $0x61C0, s15;
	[sflag:s23] =	ssyncadd.s32 $0xFFFFFC00  }
0x50: {  	[spmem:s1] =	stream.indirect.scatter.add.f32 [tilespmem:s18], [sflag:$0x6], $0x8, s6, s25, $0xb8;
	[tilespmem:$0x89C0] =	vst v63  }
0x51: {  	s6 =	simm.s32 @p0 $0x2  }
0x52: {  	_ =	swait.ge @p0 [sflag:s6], $0x400  }
0x53: {  	s17 =	simm.s32 @p0 $0x73C0;
	[sflag:s6] =	ssyncset.done @p0 $0x0  }
0x54: {  	s19 =	simm.s32 @p0 $0x79C0;
	[sflag:s6] =	ssyncadd.s32 @p0 $0xFFFFFC00;
	s6 =	simm.s32 @p0 $0x80  }
0x55: {  	[spmem:s1] =	stream.indirect.scatter.add.f32 @p0 [tilespmem:s19], [sflag:$0x7], $0x8, s17, s6, $0xb8;
	[tilespmem:$0x89C0] =	vst v63  }
0x56: {  	s17 =	simm.s32 @!p0 $0x6  }
0x57: {  	_ =	swait.ge @!p0 [sflag:s17], $0x400  }
0x58: {  	s21 =	simm.s32 @!p0 $0x75C0;
	[sflag:s17] =	ssyncset.done @!p0 $0x0  }
0x59: {  	s19 =	simm.s32 @!p0 $0x0;
	[sflag:s17] =	ssyncadd.s32 @!p0 $0xFFFFFC00;
	s17 =	sadd.s32 @!p0 $0xFFFFFE00, s14  }
0x5a: {  	[tilespmem:s21], [sflag:$0x1] =	stream.linear.gather @!p0 [hbm4b:s17+s19], $0x400, $0x38;
	[tilespmem:$0x89C0] =	vst v63  }
0x5b: {  	s17 =	simm.s32 @!p0 $0x2  }
0x5c: {  	_ =	swait.ge @!p0 [sflag:s17], $0x400  }
0x5d: {  	[sflag:s17] =	ssyncset.done @!p0 $0x0  }
0x5e: {  	[sflag:s17] =	ssyncadd.s32 @!p0 $0xFFFFFC00;
	s17 =	sshra.s32 @!p0 s24, $0x2  }
0x5f: {  	s3 =	simm.s32 @!p0 $0x80;
	s5 =	simm.s32 @!p0 $0x79C0;
	s21 =	sadd.s32 @!p0 $0x6240, s17  }
0x60: {  	[spmem:s1] =	stream.indirect.scatter.add.f32 @!p0 [tilespmem:s5], [sflag:$0x7], $0x8, s21, s3, $0xb8;
	[tilespmem:$0x89C0] =	vst v63  }
0x61: {  	s21 =	simm.s32 @!p0 $0x7  }
0x62: {  	_ =	swait.ge @!p0 [sflag:s21], $0x400  }
0x63: {  	[sflag:s21] =	ssyncset.done @!p0 $0x0  }
0x64: {  	[sflag:s21] =	ssyncadd.s32 @!p0 $0xFFFFFC00;
	s21 =	sadd.s32 @!p0 $0xFFFFFE80, s14  }
0x65: {  	[tilespmem:s5], [sflag:$0x2] =	stream.linear.gather @!p0 [hbm4b:s21+s19], $0x400, $0x38;
	[tilespmem:$0x89C0] =	vst v63  }
0x66: {  	_ =	swait.ge [sflag:s26], $0x400  }
0x67: {  	[sflag:s26] =	ssyncset.done $0x0  }
0x68: {  	s21 =	sadd.s32 $0x62C0, s15;
	s5 =	simm.s32 @p0 $0x4;
	[sflag:s26] =	ssyncadd.s32 $0xFFFFFC00  }
0x69: {  	[spmem:s1] =	stream.indirect.scatter.add.f32 [tilespmem:s20], [sflag:$0x8], $0x8, s21, s25, $0xb8;
	[tilespmem:$0x89C0] =	vst v63  }
0x6a: {  	_ =	swait.ge @p0 [sflag:s5], $0x400  }
0x6b: {  	[sflag:s5] =	ssyncset.done @p0 $0x0  }
0x6c: {  	s21 =	simm.s32 @p0 $0x81C0;
	[sflag:s5] =	ssyncadd.s32 @p0 $0xFFFFFC00;
	s5 =	simm.s32 @p0 $0x74C0  }
0x6d: {  	[spmem:s1] =	stream.indirect.scatter.add.f32 @p0 [tilespmem:s21], [sflag:$0x9], $0x8, s5, s6, $0xb8;
	[tilespmem:$0x89C0] =	vst v63  }
0x6e: {  	s5 =	simm.s32 @!p0 $0x8  }
0x6f: {  	_ =	swait.ge @!p0 [sflag:s5], $0x400  }
0x70: {  	[sflag:s5] =	ssyncset.done @!p0 $0x0  }
0x71: {  	s6 =	simm.s32 @!p0 $0x7DC0;
	[sflag:s5] =	ssyncadd.s32 @!p0 $0xFFFFFC00;
	s5 =	sadd.s32 @!p0 $0xFFFFFF00, s14  }
0x72: {  	[tilespmem:s6], [sflag:$0x3] =	stream.linear.gather @!p0 [hbm4b:s5+s19], $0x400, $0x38;
	[tilespmem:$0x89C0] =	vst v63  }
0x73: {  	s5 =	simm.s32 @!p0 $0x4  }
0x74: {  	_ =	swait.ge @!p0 [sflag:s5], $0x400  }
0x75: {  	[sflag:s5] =	ssyncset.done @!p0 $0x0  }
0x76: {  	s6 =	simm.s32 @!p0 $0x81C0;
	[sflag:s5] =	ssyncadd.s32 @!p0 $0xFFFFFC00;
	s5 =	sadd.s32 @!p0 $0x6340, s17  }
0x77: {  	[spmem:s1] =	stream.indirect.scatter.add.f32 @!p0 [tilespmem:s6], [sflag:$0x9], $0x8, s5, s3, $0xb8;
	[tilespmem:$0x89C0] =	vst v63  }
0x78: {  	s3 =	simm.s32 @!p0 $0x9  }
0x79: {  	_ =	swait.ge @!p0 [sflag:s3], $0x400  }
0x7a: {  	[sflag:s3] =	ssyncset.done @!p0 $0x0  }
0x7b: {  	[sflag:s3] =	ssyncadd.s32 @!p0 $0xFFFFFC00;
	s3 =	sadd.s32 @!p0 $0xFFFFFF80, s14  }
0x7c: {  	[tilespmem:s6], [sflag:$0x4] =	stream.linear.gather @!p0 [hbm4b:s3+s19], $0x400, $0x38;
	[tilespmem:$0x89C0] =	vst v63  }
.Ltmp4:
0x7d: {  	_ = 	snop;
	(pc) =	sbr.rel @p0 .LBB2_5-.Ltmp4, $4  }
0x7e: {  	_ =	swait.ge [sflag:s28], $0x400  }
0x7f: {  	[sflag:s28] =	ssyncset.done $0x0  }
0x80: {  	s21 =	sadd.s32 $0x63C0, s15;
	[sflag:s28] =	ssyncadd.s32 $0xFFFFFC00  }
0x81: {  	[spmem:s1] =	stream.indirect.scatter.add.f32 [tilespmem:s22], [sflag:$0xA], $0x8, s21, s25, $0xb8;
	[tilespmem:$0x89C0] =	vst v63  }
.Ltmp5:
0x82: {  	_ =	swait.ge [sflag:s4], $0x400;
	(pc) =	sbr.rel .LBB2_3-.Ltmp5, $4  }
0x83: {  	[sflag:s4] =	ssyncset.done $0x0  }
0x84: {  	[sflag:s4] =	ssyncadd.s32 $0xFFFFFC00  }
0x85: {  	[tilespmem:s22], [sflag:$0x5] =	stream.linear.gather [hbm4b:s14+s2], $0x400, $0x38;
	[tilespmem:$0x89C0] =	vst v63  }
0x86: {  	s24 =	sadd.s32 $0xA00, s24;
	s14 =	sadd.s32 $0x280, s14  }
.LBB2_7:
0x87: {  	_ =	sfence.sel $0x180000  }
0x88: {  	[bflag:$0x0] =	sbarrier.arrive $0xFFFF  }
0x89: {  	_ =	strace $0x9000004A  }
0x8a: {  	s0 =	stileid.u32;
	[bflag:$0x2] =	sbarrier.arrive $0xFFFF  }
0x8b: {  	p0 =	sne.s32 s0, $0x0;
	s0 =	rddreg [dreg:$0x2]  }
0x8c: {  	s0 =	sadd.s32 @!p0 $0x100000, s0  }
0x8d: {  	[sflag:s0] =	ssyncadd.tile.s32 @!p0 $0x1;
	_ =	shalt  }
.Lfunc_end2:
_tile_overlayer_lowered:
.L_overlay_start_2:
0x8e: {  	(tag) =	ssettag $0x2  }
0x8f: {  	s0 =	rddreg [dreg:$0x0];
	s2 =	stileid.u32  }
0x90: {  	s1 =	rddreg [dreg:$0x1];
	p0 =	sne.s32 s2, $0x0  }
0x91: {  	s3 =	rddreg [dreg:$0x2];
	[bflag:$0x3] =	sbarrier.arrive $0xFFFF;
	s2 =	simm.s32 @!p0 $0x1C0B  }
0x92: {  	[timem:s3], [sflag:s2] =	dma.local @!p0 [hbm:s0], s1  }
0x93: {  	s0 =	simm.s32 @!p0 $0xB  }
0x94: {  	_ =	swait.ge @!p0 [sflag:s0], s1  }
0x95: {  	s1 =	ssub.s32 @!p0 $0x0, s1;
	[sflag:s0] =	ssyncset.done @!p0 $0x0  }
0x96: {  	[sflag:s0] =	ssyncadd.s32 @!p0 s1  }
0x97: {  	[bflag:$0x3] =	sbarrier.arrive $0xFFFF  }
0x98: {  	_ =	shalt  }

</sc_bundles>
